<compile_context>
chip_gen: v7x
topology: tpu7x:2x2x1
jax: 0.10.2.dev20260603
libtpu: 0.0.44.dev20260713+nightly
codegen_flags: <defaults>
</compile_context>

<pallas_src>
import jax
import jax.numpy as jnp
from jax.experimental import pallas as pl
from jax.experimental.pallas import tpu as pltpu
from jax.experimental.pallas import tpu_sc as plsc

E = 8
B = 32
T = 100
TP = 104
P = 2048
N = 1024
G = 4
WC = 16
WR = N // WC


def _routing_body(eid_hbm, perm_hbm, start_hbm, eid_s, cnt_s, start_s, off_s,
                  perm_s, sem):
    core = jax.lax.axis_index("core")

    @pl.when(core == 0)
    def _():
        pltpu.async_copy(eid_hbm, eid_s, sem).wait()

        @pl.loop(0, E)
        def _(ex):
            cnt_s[ex] = 0

        @pl.loop(0, B)
        def _(i):
            cnt_s[eid_s[i]] += 1

        start_s[0] = 0

        @pl.loop(1, E + 1)
        def _(ex):
            start_s[ex] = start_s[ex - 1] + cnt_s[ex - 1]

        @pl.loop(0, E)
        def _(ex):
            off_s[ex] = start_s[ex]

        @pl.loop(0, B)
        def _(i):
            ex = eid_s[i]
            r = off_s[ex]
            perm_s[r] = i
            off_s[ex] = r + 1

        pltpu.async_copy(perm_s, perm_hbm, sem).wait()
        pltpu.async_copy(start_s, start_hbm, sem).wait()


def _route(eid):
    out_ty = (jax.ShapeDtypeStruct((B,), jnp.int32),
              jax.ShapeDtypeStruct((E + 1,), jnp.int32))
    mesh = plsc.ScalarSubcoreMesh(axis_name="core", num_cores=2)
    return pl.kernel(
        _routing_body,
        out_type=out_ty,
        mesh=mesh,
        scratch_types=[
            pltpu.SMEM((B,), jnp.int32),
            pltpu.SMEM((E,), jnp.int32),
            pltpu.SMEM((E + 1,), jnp.int32),
            pltpu.SMEM((E,), jnp.int32),
            pltpu.SMEM((B,), jnp.int32),
            pltpu.SemaphoreType.DMA,
        ],
    )(eid)


def _linear_kernel(st_ref, pm_ref, w_ref, b_ref, x_ref, o_ref,
                   xbuf, obuf, wbuf, wb16, in_sem, out_sem, w_sem):
    e = pl.program_id(0)
    lo = st_ref[e]
    hi = st_ref[e + 1]
    cnt = hi - lo
    ngroups = jax.lax.div(cnt + (G - 1), G)
    wslot = jax.lax.rem(e, 2)

    def w_copy(ex, c, slot):
        return pltpu.make_async_copy(
            w_ref.at[ex, pl.ds(c * WR, WR)],
            wbuf.at[slot, pl.ds(c * WR, WR)],
            w_sem.at[slot, c])

    @pl.when(e == 0)
    def _():
        for c in range(WC):
            w_copy(0, c, 0).start()

    for c in range(WC):
        w_copy(e, c, wslot).wait()

    @pl.when(e + 1 < E)
    def _():
        for c in range(WC):
            w_copy(e + 1, c, 1 - wslot).start()

    wb16[...] = wbuf[wslot].astype(jnp.bfloat16)

    def in_copy(j, k, slot):
        return pltpu.make_async_copy(
            x_ref.at[pm_ref[j]],
            xbuf.at[slot, k],
            in_sem.at[slot, k])

    def out_copy(j, k, slot):
        return pltpu.make_async_copy(
            obuf.at[slot, k],
            o_ref.at[pm_ref[j]],
            out_sem.at[slot, k])

    @pl.when(cnt > 0)
    def _():
        for k in range(G):
            @pl.when(lo + k < hi)
            def _():
                in_copy(lo + k, k, 0).start()

    def body(g, carry):
        slot = jax.lax.rem(g, 2)
        base = lo + g * G

        @pl.when(g + 1 < ngroups)
        def _():
            nbase = base + G
            for k in range(G):
                @pl.when(nbase + k < hi)
                def _():
                    in_copy(nbase + k, k, 1 - slot).start()

        @pl.when(g >= 2)
        def _():
            pbase = base - 2 * G
            for k in range(G):
                @pl.when(pbase + k < hi)
                def _():
                    out_copy(pbase + k, k, slot).wait()

        for k in range(G):
            @pl.when(base + k < hi)
            def _():
                in_copy(base + k, k, slot).wait()

        xv = xbuf[slot].astype(jnp.bfloat16).reshape(G * T, P)
        acc = jax.lax.dot_general(
            xv, wb16[...],
            dimension_numbers=(((1,), (1,)), ((), ())),
            preferred_element_type=jnp.float32,
        ) + b_ref[0]

        for k in range(G):
            j = base + k
            obuf[slot, k] = acc[k * T:(k + 1) * T]

            @pl.when(j < hi)
            def _():
                out_copy(j, k, slot).start()
        return carry

    jax.lax.fori_loop(0, ngroups, body, 0)

    @pl.when(ngroups >= 2)
    def _():
        g = ngroups - 2
        for k in range(G):
            @pl.when(lo + g * G + k < hi)
            def _():
                out_copy(lo + g * G + k, k, jax.lax.rem(g, 2)).wait()

    @pl.when(ngroups >= 1)
    def _():
        g = ngroups - 1
        for k in range(G):
            @pl.when(lo + g * G + k < hi)
            def _():
                out_copy(lo + g * G + k, k, jax.lax.rem(g, 2)).wait()


def kernel(x, eid, W, b):
    x = x.reshape(B, T, P)
    perm, start = _route(eid)
    b3 = b.reshape(E, 1, N)

    grid_spec = pltpu.PrefetchScalarGridSpec(
        num_scalar_prefetch=2,
        grid=(E,),
        in_specs=[
            pl.BlockSpec(memory_space=pl.ANY),
            pl.BlockSpec((1, 1, N), lambda e, st, pm: (e, 0, 0)),
            pl.BlockSpec(memory_space=pl.ANY),
        ],
        out_specs=pl.BlockSpec(memory_space=pl.ANY),
        scratch_shapes=[
            pltpu.VMEM((2, G, T, P), jnp.float32),
            pltpu.VMEM((2, G, T, N), jnp.float32),
            pltpu.VMEM((2, N, P), jnp.float32),
            pltpu.VMEM((N, P), jnp.bfloat16),
            pltpu.SemaphoreType.DMA((2, G)),
            pltpu.SemaphoreType.DMA((2, G)),
            pltpu.SemaphoreType.DMA((2, WC)),
        ],
    )
    out = pl.pallas_call(
        _linear_kernel,
        grid_spec=grid_spec,
        out_shape=jax.ShapeDtypeStruct((B, T, N), jnp.float32),
    )(start, perm, W, b3, x)
    return out

# --- scband reference (transcript-rebuilt; emitter-appended) ---
"""Pipeline reference for scband-stitch-decoder-75995151335990 (READ-ONLY COPY).

The authoritative reference and input builder live on the scoring server;
editing this copy changes nothing except your own understanding.
"""

import jax, jax.numpy as jnp
import numpy as np

E = 8      # number of sessions (eids) == experts
B = 32     # trials
T = 100    # max_F timesteps
P = 2048   # n_channels (d_model)
N = 1024   # max_num_neuron (output dim for mod='spike')


def setup_inputs(seed: int = 0) -> dict:
    key = jax.random.key(seed)
    k1, k2, k3, k4 = jax.random.split(key, 4)
    x = jax.random.normal(k1, (B, T, P), dtype=jnp.float32)
    eid = jax.random.randint(k2, (B,), 0, E, dtype=jnp.int32)
    # per-session Linear weights, matching nn.Linear(n_channels, max_num_neuron)
    W = jax.random.normal(k3, (E, N, P), dtype=jnp.float32) * (1.0 / np.sqrt(P))
    b = jax.random.normal(k4, (E, N), dtype=jnp.float32) * 0.01
    return {"x": x, "eid": eid, "W": W, "b": b}


def reference(x, eid, W, b):
    # x.reshape((len(eid), -1, P)) as in the torch module
    x = x.reshape((eid.shape[0], -1, P))
    # route each trial to its session decoder: gather per-trial weights (SparseCore gather)
    Wg = jnp.take(W, eid, axis=0)   # [B, N, P]
    bg = jnp.take(b, eid, axis=0)   # [B, N]
    # out[mask] = Linear_eid(x[mask]) -> batched matmul with per-trial expert weights
    out = jnp.einsum('btp,bnp->btn', x, Wg) + bg[:, None, :]
    return out

if __name__ == "__main__":
    import jax
    _d = setup_inputs()
    print(jax.jit(kernel)(*tuple(_d.values())))

</pallas_src>

<mosaic_0001>
#map = affine_map<(d0) -> (0)>
module attributes {stable_mosaic.version = 14 : i64} {
  func.func @_routing_body(%arg0: i32, %arg1: memref<32xi32, #tpu.memory_space<hbm>>, %arg2: memref<32xi32, #tpu.memory_space<hbm>>, %arg3: memref<9xi32, #tpu.memory_space<hbm>>, %arg4: memref<32xi32, #tpu.memory_space<smem>>, %arg5: memref<8xi32, #tpu.memory_space<smem>>, %arg6: memref<9xi32, #tpu.memory_space<smem>>, %arg7: memref<8xi32, #tpu.memory_space<smem>>, %arg8: memref<32xi32, #tpu.memory_space<smem>>, %arg9: memref<!tpu.dma_semaphore, #tpu.memory_space<semaphore_mem>>) attributes {dimension_semantics = [#tpu.dimension_semantics<core_parallel>], iteration_bounds = array<i64: 2>, scalar_prefetch = 0 : i64, scratch_operands = 6 : i64, tpu.core_type = #tpu.core_type<sc_scalar_subcore>, window_params = [{transform_indices = #map}, {transform_indices = #map}, {transform_indices = #map}]} {
    %eq3A = arith.constant 0 : i32
    %eq3A_0 = arith.cmpi eq, %arg0, %eq3A : i32
    %convert_element_type3A = arith.extui %eq3A_0 : i1 to i32
    %cond3A = arith.constant 0 : i32
    %cond3A_1 = arith.cmpi ne, %convert_element_type3A, %cond3A : i32
    scf.if %cond3A_1 {
      tpu.enqueue_dma source(%arg1 : memref<32xi32, #tpu.memory_space<hbm>>) target(%arg4 : memref<32xi32, #tpu.memory_space<smem>>) target_semaphore(%arg9 : memref<!tpu.dma_semaphore, #tpu.memory_space<semaphore_mem>>)
      tpu.wait_dma2 semaphore(%arg9 : memref<!tpu.dma_semaphore, #tpu.memory_space<semaphore_mem>>) src(%arg1 : memref<32xi32, #tpu.memory_space<hbm>>) dst(%arg4 : memref<32xi32, #tpu.memory_space<smem>>)
      %scan3A = arith.constant 0 : i32
      %scan3A_2 = arith.constant 8 : i32
      %scan3A_3 = arith.addi %scan3A, %scan3A_2 : i32
      %scan3A_4 = arith.constant 1 : i32
      scf.for %scan3A_29 = %scan3A to %scan3A_3 step %scan3A_4  : i32 {
        %mul3A = arith.constant 1 : i32
        %mul3A_30 = arith.muli %scan3A_29, %mul3A : i32
        %add3A = arith.constant 0 : i32
        %add3A_31 = arith.addi %add3A, %mul3A_30 : i32
        %swap3A_32 = arith.constant 0 : i32
        %swap3A_33 = arith.index_cast %add3A_31 : i32 to index
        %swap3A_34 = memref.load %arg5[%swap3A_33] : memref<8xi32, #tpu.memory_space<smem>>
        memref.store %swap3A_32, %arg5[%swap3A_33] : memref<8xi32, #tpu.memory_space<smem>>
      }
      %scan3A_5 = arith.constant 8 : i32
      %scan3A_6 = arith.constant 0 : i32
      %scan3A_7 = arith.constant 32 : i32
      %scan3A_8 = arith.addi %scan3A_6, %scan3A_7 : i32
      %scan3A_9 = arith.constant 1 : i32
      scf.for %scan3A_29 = %scan3A_6 to %scan3A_8 step %scan3A_9  : i32 {
        %mul3A = arith.constant 1 : i32
        %mul3A_30 = arith.muli %scan3A_29, %mul3A : i32
        %add3A = arith.constant 0 : i32
        %add3A_31 = arith.addi %add3A, %mul3A_30 : i32
        %get3A = arith.index_cast %add3A_31 : i32 to index
        %get3A_32 = memref.load %arg4[%get3A] : memref<32xi32, #tpu.memory_space<smem>>
        %get3A_33 = arith.index_cast %get3A_32 : i32 to index
        %get3A_34 = memref.load %arg5[%get3A_33] : memref<8xi32, #tpu.memory_space<smem>>
        %add3A_35 = arith.constant 1 : i32
        %add3A_36 = arith.addi %get3A_34, %add3A_35 : i32
        %swap3A_37 = arith.index_cast %get3A_32 : i32 to index
        %swap3A_38 = memref.load %arg5[%swap3A_37] : memref<8xi32, #tpu.memory_space<smem>>
        memref.store %add3A_36, %arg5[%swap3A_37] : memref<8xi32, #tpu.memory_space<smem>>
      }
      %scan3A_10 = arith.constant 32 : i32
      %swap3A = arith.constant 0 : i32
      %swap3A_11 = arith.constant 0 : i32
      %swap3A_12 = arith.index_cast %swap3A_11 : i32 to index
      %swap3A_13 = memref.load %arg6[%swap3A_12] : memref<9xi32, #tpu.memory_space<smem>>
      memref.store %swap3A, %arg6[%swap3A_12] : memref<9xi32, #tpu.memory_space<smem>>
      %scan3A_14 = arith.constant 0 : i32
      %scan3A_15 = arith.constant 8 : i32
      %scan3A_16 = arith.addi %scan3A_14, %scan3A_15 : i32
      %scan3A_17 = arith.constant 1 : i32
      scf.for %scan3A_29 = %scan3A_14 to %scan3A_16 step %scan3A_17  : i32 {
        %mul3A = arith.constant 1 : i32
        %mul3A_30 = arith.muli %scan3A_29, %mul3A : i32
        %add3A = arith.constant 1 : i32
        %add3A_31 = arith.addi %add3A, %mul3A_30 : i32
        %sub3A = arith.constant 1 : i32
        %sub3A_32 = arith.subi %add3A_31, %sub3A : i32
        %get3A = arith.index_cast %sub3A_32 : i32 to index
        %get3A_33 = memref.load %arg6[%get3A] : memref<9xi32, #tpu.memory_space<smem>>
        %sub3A_34 = arith.constant 1 : i32
        %sub3A_35 = arith.subi %add3A_31, %sub3A_34 : i32
        %get3A_36 = arith.index_cast %sub3A_35 : i32 to index
        %get3A_37 = memref.load %arg5[%get3A_36] : memref<8xi32, #tpu.memory_space<smem>>
        %add3A_38 = arith.addi %get3A_33, %get3A_37 : i32
        %swap3A_39 = arith.index_cast %add3A_31 : i32 to index
        %swap3A_40 = memref.load %arg6[%swap3A_39] : memref<9xi32, #tpu.memory_space<smem>>
        memref.store %add3A_38, %arg6[%swap3A_39] : memref<9xi32, #tpu.memory_space<smem>>
      }
      %scan3A_18 = arith.constant 8 : i32
      %scan3A_19 = arith.constant 0 : i32
      %scan3A_20 = arith.constant 8 : i32
      %scan3A_21 = arith.addi %scan3A_19, %scan3A_20 : i32
      %scan3A_22 = arith.constant 1 : i32
      scf.for %scan3A_29 = %scan3A_19 to %scan3A_21 step %scan3A_22  : i32 {
        %mul3A = arith.constant 1 : i32
        %mul3A_30 = arith.muli %scan3A_29, %mul3A : i32
        %add3A = arith.constant 0 : i32
        %add3A_31 = arith.addi %add3A, %mul3A_30 : i32
        %get3A = arith.index_cast %add3A_31 : i32 to index
        %get3A_32 = memref.load %arg6[%get3A] : memref<9xi32, #tpu.memory_space<smem>>
        %swap3A_33 = arith.index_cast %add3A_31 : i32 to index
        %swap3A_34 = memref.load %arg7[%swap3A_33] : memref<8xi32, #tpu.memory_space<smem>>
        memref.store %get3A_32, %arg7[%swap3A_33] : memref<8xi32, #tpu.memory_space<smem>>
      }
      %scan3A_23 = arith.constant 8 : i32
      %scan3A_24 = arith.constant 0 : i32
      %scan3A_25 = arith.constant 32 : i32
      %scan3A_26 = arith.addi %scan3A_24, %scan3A_25 : i32
      %scan3A_27 = arith.constant 1 : i32
      scf.for %scan3A_29 = %scan3A_24 to %scan3A_26 step %scan3A_27  : i32 {
        %mul3A = arith.constant 1 : i32
        %mul3A_30 = arith.muli %scan3A_29, %mul3A : i32
        %add3A = arith.constant 0 : i32
        %add3A_31 = arith.addi %add3A, %mul3A_30 : i32
        %get3A = arith.index_cast %add3A_31 : i32 to index
        %get3A_32 = memref.load %arg4[%get3A] : memref<32xi32, #tpu.memory_space<smem>>
        %get3A_33 = arith.index_cast %get3A_32 : i32 to index
        %get3A_34 = memref.load %arg7[%get3A_33] : memref<8xi32, #tpu.memory_space<smem>>
        %swap3A_35 = arith.index_cast %get3A_34 : i32 to index
        %swap3A_36 = memref.load %arg8[%swap3A_35] : memref<32xi32, #tpu.memory_space<smem>>
        memref.store %add3A_31, %arg8[%swap3A_35] : memref<32xi32, #tpu.memory_space<smem>>
        %add3A_37 = arith.constant 1 : i32
        %add3A_38 = arith.addi %get3A_34, %add3A_37 : i32
        %swap3A_39 = arith.index_cast %get3A_32 : i32 to index
        %swap3A_40 = memref.load %arg7[%swap3A_39] : memref<8xi32, #tpu.memory_space<smem>>
        memref.store %add3A_38, %arg7[%swap3A_39] : memref<8xi32, #tpu.memory_space<smem>>
      }
      %scan3A_28 = arith.constant 32 : i32
      tpu.enqueue_dma source(%arg8 : memref<32xi32, #tpu.memory_space<smem>>) target(%arg2 : memref<32xi32, #tpu.memory_space<hbm>>) target_semaphore(%arg9 : memref<!tpu.dma_semaphore, #tpu.memory_space<semaphore_mem>>)
      tpu.wait_dma2 semaphore(%arg9 : memref<!tpu.dma_semaphore, #tpu.memory_space<semaphore_mem>>) src(%arg8 : memref<32xi32, #tpu.memory_space<smem>>) dst(%arg2 : memref<32xi32, #tpu.memory_space<hbm>>)
      tpu.enqueue_dma source(%arg6 : memref<9xi32, #tpu.memory_space<smem>>) target(%arg3 : memref<9xi32, #tpu.memory_space<hbm>>) target_semaphore(%arg9 : memref<!tpu.dma_semaphore, #tpu.memory_space<semaphore_mem>>)
      tpu.wait_dma2 semaphore(%arg9 : memref<!tpu.dma_semaphore, #tpu.memory_space<semaphore_mem>>) src(%arg6 : memref<9xi32, #tpu.memory_space<smem>>) dst(%arg3 : memref<9xi32, #tpu.memory_space<hbm>>)
    } else {
    }
    return
  }
}

module attributes {stable_mosaic.version = 14 : i64} {
  func.func @_linear_kernel(%arg0: i32, %arg1: memref<9xi32, #tpu.memory_space<smem>>, %arg2: memref<32xi32, #tpu.memory_space<smem>>, %arg3: memref<8x1024x2048xf32, #tpu.memory_space<any>>, %arg4: memref<1x1x1024xf32, #tpu.memory_space<vmem>>, %arg5: memref<32x100x2048xf32, #tpu.memory_space<any>>, %arg6: memref<32x100x1024xf32, #tpu.memory_space<any>>, %arg7: memref<2x4x100x2048xf32, #tpu.memory_space<vmem>>, %arg8: memref<2x4x100x1024xf32, #tpu.memory_space<vmem>>, %arg9: memref<2x1024x2048xf32, #tpu.memory_space<vmem>>, %arg10: memref<1024x2048xbf16, #tpu.memory_space<vmem>>, %arg11: memref<2x4x!tpu.dma_semaphore, #tpu.memory_space<semaphore_mem>>, %arg12: memref<2x4x!tpu.dma_semaphore, #tpu.memory_space<semaphore_mem>>, %arg13: memref<2x16x!tpu.dma_semaphore, #tpu.memory_space<semaphore_mem>>) attributes {dimension_semantics = [#tpu.dimension_semantics<arbitrary>], iteration_bounds = array<i64: 8>, scalar_prefetch = 2 : i64, scratch_operands = 7 : i64, tpu.core_type = #tpu.core_type<tc>, window_params = [{}, {transform_indices = @transform_1, window_bounds = array<i64: 1, 1, 1024>}, {}, {}]} {
    %get3A = arith.index_cast %arg0 : i32 to index
    %get3A_0 = memref.load %arg1[%get3A] : memref<9xi32, #tpu.memory_space<smem>>
    %add3A = arith.constant 1 : i32
    %add3A_1 = arith.addi %arg0, %add3A : i32
    %get3A_2 = arith.index_cast %add3A_1 : i32 to index
    %get3A_3 = memref.load %arg1[%get3A_2] : memref<9xi32, #tpu.memory_space<smem>>
    %sub3A = arith.subi %get3A_3, %get3A_0 : i32
    %add3A_4 = arith.constant 3 : i32
    %add3A_5 = arith.addi %sub3A, %add3A_4 : i32
    %div3A = arith.constant 4 : i32
    %div3A_6 = arith.divsi %add3A_5, %div3A : i32
    %rem3A = arith.constant 2 : i32
    %rem3A_7 = arith.remsi %arg0, %rem3A : i32
    %eq3A = arith.constant 0 : i32
    %eq3A_8 = arith.cmpi eq, %arg0, %eq3A : i32
    %convert_element_type3A = arith.extui %eq3A_8 : i1 to i32
    %cond3A = arith.constant 0 : i32
    %cond3A_9 = arith.cmpi ne, %convert_element_type3A, %cond3A : i32
    scf.if %cond3A_9 {
      %dma_start3A = arith.constant 0 : i32
      %dma_start3A_221 = arith.constant 0 : i32
      %dma_start3A_222 = arith.constant 0 : i32
      %dma_start3A_223 = arith.constant 0 : i32
      %dma_start3A_224 = tpu.memref_slice %arg13[%dma_start3A_222, %dma_start3A_223] : memref<2x16x!tpu.dma_semaphore, #tpu.memory_space<semaphore_mem>> -> memref<1x1x!tpu.dma_semaphore, #tpu.memory_space<semaphore_mem>>
      %dma_start3A_225 = tpu.memref_squeeze %dma_start3A_224 : memref<1x1x!tpu.dma_semaphore, #tpu.memory_space<semaphore_mem>> -> memref<!tpu.dma_semaphore, #tpu.memory_space<semaphore_mem>>
      %dma_start3A_226 = arith.constant 0 : i32
      %dma_start3A_227 = arith.constant 0 : i32
      %dma_start3A_228 = tpu.memref_slice %arg9[%dma_start3A_221, %dma_start3A_226, %dma_start3A_227] : memref<2x1024x2048xf32, #tpu.memory_space<vmem>> -> memref<1x64x2048xf32, #tpu.memory_space<vmem>>
      %dma_start3A_229 = tpu.memref_squeeze %dma_start3A_228 : memref<1x64x2048xf32, #tpu.memory_space<vmem>> -> memref<64x2048xf32, #tpu.memory_space<vmem>>
      %dma_start3A_230 = arith.constant 0 : i32
      %dma_start3A_231 = arith.constant 0 : i32
      %dma_start3A_232 = tpu.memref_slice %arg3[%dma_start3A, %dma_start3A_230, %dma_start3A_231] : memref<8x1024x2048xf32, #tpu.memory_space<any>> -> memref<1x64x2048xf32, #tpu.memory_space<any>>
      %dma_start3A_233 = tpu.memref_squeeze %dma_start3A_232 : memref<1x64x2048xf32, #tpu.memory_space<any>> -> memref<64x2048xf32, #tpu.memory_space<any>>
      tpu.enqueue_dma source(%dma_start3A_233 : memref<64x2048xf32, #tpu.memory_space<any>>) target(%dma_start3A_229 : memref<64x2048xf32, #tpu.memory_space<vmem>>) target_semaphore(%dma_start3A_225 : memref<!tpu.dma_semaphore, #tpu.memory_space<semaphore_mem>>)
      %dma_start3A_234 = arith.constant 0 : i32
      %dma_start3A_235 = arith.constant 0 : i32
      %dma_start3A_236 = arith.constant 0 : i32
      %dma_start3A_237 = arith.constant 1 : i32
      %dma_start3A_238 = tpu.memref_slice %arg13[%dma_start3A_236, %dma_start3A_237] : memref<2x16x!tpu.dma_semaphore, #tpu.memory_space<semaphore_mem>> -> memref<1x1x!tpu.dma_semaphore, #tpu.memory_space<semaphore_mem>>
      %dma_start3A_239 = tpu.memref_squeeze %dma_start3A_238 : memref<1x1x!tpu.dma_semaphore, #tpu.memory_space<semaphore_mem>> -> memref<!tpu.dma_semaphore, #tpu.memory_space<semaphore_mem>>
      %dma_start3A_240 = arith.constant 64 : i32
      %dma_start3A_241 = arith.constant 0 : i32
      %dma_start3A_242 = tpu.memref_slice %arg9[%dma_start3A_235, %dma_start3A_240, %dma_start3A_241] : memref<2x1024x2048xf32, #tpu.memory_space<vmem>> -> memref<1x64x2048xf32, #tpu.memory_space<vmem>>
      %dma_start3A_243 = tpu.memref_squeeze %dma_start3A_242 : memref<1x64x2048xf32, #tpu.memory_space<vmem>> -> memref<64x2048xf32, #tpu.memory_space<vmem>>
      %dma_start3A_244 = arith.constant 64 : i32
      %dma_start3A_245 = arith.constant 0 : i32
      %dma_start3A_246 = tpu.memref_slice %arg3[%dma_start3A_234, %dma_start3A_244, %dma_start3A_245] : memref<8x1024x2048xf32, #tpu.memory_space<any>> -> memref<1x64x2048xf32, #tpu.memory_space<any>>
      %dma_start3A_247 = tpu.memref_squeeze %dma_start3A_246 : memref<1x64x2048xf32, #tpu.memory_space<any>> -> memref<64x2048xf32, #tpu.memory_space<any>>
      tpu.enqueue_dma source(%dma_start3A_247 : memref<64x2048xf32, #tpu.memory_space<any>>) target(%dma_start3A_243 : memref<64x2048xf32, #tpu.memory_space<vmem>>) target_semaphore(%dma_start3A_239 : memref<!tpu.dma_semaphore, #tpu.memory_space<semaphore_mem>>)
      %dma_start3A_248 = arith.constant 0 : i32
      %dma_start3A_249 = arith.constant 0 : i32
      %dma_start3A_250 = arith.constant 0 : i32
      %dma_start3A_251 = arith.constant 2 : i32
      %dma_start3A_252 = tpu.memref_slice %arg13[%dma_start3A_250, %dma_start3A_251] : memref<2x16x!tpu.dma_semaphore, #tpu.memory_space<semaphore_mem>> -> memref<1x1x!tpu.dma_semaphore, #tpu.memory_space<semaphore_mem>>
      %dma_start3A_253 = tpu.memref_squeeze %dma_start3A_252 : memref<1x1x!tpu.dma_semaphore, #tpu.memory_space<semaphore_mem>> -> memref<!tpu.dma_semaphore, #tpu.memory_space<semaphore_mem>>
      %dma_start3A_254 = arith.constant 128 : i32
      %dma_start3A_255 = arith.constant 0 : i32
      %dma_start3A_256 = tpu.memref_slice %arg9[%dma_start3A_249, %dma_start3A_254, %dma_start3A_255] : memref<2x1024x2048xf32, #tpu.memory_space<vmem>> -> memref<1x64x2048xf32, #tpu.memory_space<vmem>>
      %dma_start3A_257 = tpu.memref_squeeze %dma_start3A_256 : memref<1x64x2048xf32, #tpu.memory_space<vmem>> -> memref<64x2048xf32, #tpu.memory_space<vmem>>
      %dma_start3A_258 = arith.constant 128 : i32
      %dma_start3A_259 = arith.constant 0 : i32
      %dma_start3A_260 = tpu.memref_slice %arg3[%dma_start3A_248, %dma_start3A_258, %dma_start3A_259] : memref<8x1024x2048xf32, #tpu.memory_space<any>> -> memref<1x64x2048xf32, #tpu.memory_space<any>>
      %dma_start3A_261 = tpu.memref_squeeze %dma_start3A_260 : memref<1x64x2048xf32, #tpu.memory_space<any>> -> memref<64x2048xf32, #tpu.memory_space<any>>
      tpu.enqueue_dma source(%dma_start3A_261 : memref<64x2048xf32, #tpu.memory_space<any>>) target(%dma_start3A_257 : memref<64x2048xf32, #tpu.memory_space<vmem>>) target_semaphore(%dma_start3A_253 : memref<!tpu.dma_semaphore, #tpu.memory_space<semaphore_mem>>)
      %dma_start3A_262 = arith.constant 0 : i32
      %dma_start3A_263 = arith.constant 0 : i32
      %dma_start3A_264 = arith.constant 0 : i32
      %dma_start3A_265 = arith.constant 3 : i32
      %dma_start3A_266 = tpu.memref_slice %arg13[%dma_start3A_264, %dma_start3A_265] : memref<2x16x!tpu.dma_semaphore, #tpu.memory_space<semaphore_mem>> -> memref<1x1x!tpu.dma_semaphore, #tpu.memory_space<semaphore_mem>>
      %dma_start3A_267 = tpu.memref_squeeze %dma_start3A_266 : memref<1x1x!tpu.dma_semaphore, #tpu.memory_space<semaphore_mem>> -> memref<!tpu.dma_semaphore, #tpu.memory_space<semaphore_mem>>
      %dma_start3A_268 = arith.constant 192 : i32
      %dma_start3A_269 = arith.constant 0 : i32
      %dma_start3A_270 = tpu.memref_slice %arg9[%dma_start3A_263, %dma_start3A_268, %dma_start3A_269] : memref<2x1024x2048xf32, #tpu.memory_space<vmem>> -> memref<1x64x2048xf32, #tpu.memory_space<vmem>>
      %dma_start3A_271 = tpu.memref_squeeze %dma_start3A_270 : memref<1x64x2048xf32, #tpu.memory_space<vmem>> -> memref<64x2048xf32, #tpu.memory_space<vmem>>
      %dma_start3A_272 = arith.constant 192 : i32
      %dma_start3A_273 = arith.constant 0 : i32
      %dma_start3A_274 = tpu.memref_slice %arg3[%dma_start3A_262, %dma_start3A_272, %dma_start3A_273] : memref<8x1024x2048xf32, #tpu.memory_space<any>> -> memref<1x64x2048xf32, #tpu.memory_space<any>>
      %dma_start3A_275 = tpu.memref_squeeze %dma_start3A_274 : memref<1x64x2048xf32, #tpu.memory_space<any>> -> memref<64x2048xf32, #tpu.memory_space<any>>
      tpu.enqueue_dma source(%dma_start3A_275 : memref<64x2048xf32, #tpu.memory_space<any>>) target(%dma_start3A_271 : memref<64x2048xf32, #tpu.memory_space<vmem>>) target_semaphore(%dma_start3A_267 : memref<!tpu.dma_semaphore, #tpu.memory_space<semaphore_mem>>)
      %dma_start3A_276 = arith.constant 0 : i32
      %dma_start3A_277 = arith.constant 0 : i32
      %dma_start3A_278 = arith.constant 0 : i32
      %dma_start3A_279 = arith.constant 4 : i32
      %dma_start3A_280 = tpu.memref_slice %arg13[%dma_start3A_278, %dma_start3A_279] : memref<2x16x!tpu.dma_semaphore, #tpu.memory_space<semaphore_mem>> -> memref<1x1x!tpu.dma_semaphore, #tpu.memory_space<semaphore_mem>>
      %dma_start3A_281 = tpu.memref_squeeze %dma_start3A_280 : memref<1x1x!tpu.dma_semaphore, #tpu.memory_space<semaphore_mem>> -> memref<!tpu.dma_semaphore, #tpu.memory_space<semaphore_mem>>
      %dma_start3A_282 = arith.constant 256 : i32
      %dma_start3A_283 = arith.constant 0 : i32
      %dma_start3A_284 = tpu.memref_slice %arg9[%dma_start3A_277, %dma_start3A_282, %dma_start3A_283] : memref<2x1024x2048xf32, #tpu.memory_space<vmem>> -> memref<1x64x2048xf32, #tpu.memory_space<vmem>>
      %dma_start3A_285 = tpu.memref_squeeze %dma_start3A_284 : memref<1x64x2048xf32, #tpu.memory_space<vmem>> -> memref<64x2048xf32, #tpu.memory_space<vmem>>
      %dma_start3A_286 = arith.constant 256 : i32
      %dma_start3A_287 = arith.constant 0 : i32
      %dma_start3A_288 = tpu.memref_slice %arg3[%dma_start3A_276, %dma_start3A_286, %dma_start3A_287] : memref<8x1024x2048xf32, #tpu.memory_space<any>> -> memref<1x64x2048xf32, #tpu.memory_space<any>>
      %dma_start3A_289 = tpu.memref_squeeze %dma_start3A_288 : memref<1x64x2048xf32, #tpu.memory_space<any>> -> memref<64x2048xf32, #tpu.memory_space<any>>
      tpu.enqueue_dma source(%dma_start3A_289 : memref<64x2048xf32, #tpu.memory_space<any>>) target(%dma_start3A_285 : memref<64x2048xf32, #tpu.memory_space<vmem>>) target_semaphore(%dma_start3A_281 : memref<!tpu.dma_semaphore, #tpu.memory_space<semaphore_mem>>)
      %dma_start3A_290 = arith.constant 0 : i32
      %dma_start3A_291 = arith.constant 0 : i32
      %dma_start3A_292 = arith.constant 0 : i32
      %dma_start3A_293 = arith.constant 5 : i32
      %dma_start3A_294 = tpu.memref_slice %arg13[%dma_start3A_292, %dma_start3A_293] : memref<2x16x!tpu.dma_semaphore, #tpu.memory_space<semaphore_mem>> -> memref<1x1x!tpu.dma_semaphore, #tpu.memory_space<semaphore_mem>>
      %dma_start3A_295 = tpu.memref_squeeze %dma_start3A_294 : memref<1x1x!tpu.dma_semaphore, #tpu.memory_space<semaphore_mem>> -> memref<!tpu.dma_semaphore, #tpu.memory_space<semaphore_mem>>
      %dma_start3A_296 = arith.constant 320 : i32
      %dma_start3A_297 = arith.constant 0 : i32
      %dma_start3A_298 = tpu.memref_slice %arg9[%dma_start3A_291, %dma_start3A_296, %dma_start3A_297] : memref<2x1024x2048xf32, #tpu.memory_space<vmem>> -> memref<1x64x2048xf32, #tpu.memory_space<vmem>>
      %dma_start3A_299 = tpu.memref_squeeze %dma_start3A_298 : memref<1x64x2048xf32, #tpu.memory_space<vmem>> -> memref<64x2048xf32, #tpu.memory_space<vmem>>
      %dma_start3A_300 = arith.constant 320 : i32
      %dma_start3A_301 = arith.constant 0 : i32
      %dma_start3A_302 = tpu.memref_slice %arg3[%dma_start3A_290, %dma_start3A_300, %dma_start3A_301] : memref<8x1024x2048xf32, #tpu.memory_space<any>> -> memref<1x64x2048xf32, #tpu.memory_space<any>>
      %dma_start3A_303 = tpu.memref_squeeze %dma_start3A_302 : memref<1x64x2048xf32, #tpu.memory_space<any>> -> memref<64x2048xf32, #tpu.memory_space<any>>
      tpu.enqueue_dma source(%dma_start3A_303 : memref<64x2048xf32, #tpu.memory_space<any>>) target(%dma_start3A_299 : memref<64x2048xf32, #tpu.memory_space<vmem>>) target_semaphore(%dma_start3A_295 : memref<!tpu.dma_semaphore, #tpu.memory_space<semaphore_mem>>)
      %dma_start3A_304 = arith.constant 0 : i32
      %dma_start3A_305 = arith.constant 0 : i32
      %dma_start3A_306 = arith.constant 0 : i32
      %dma_start3A_307 = arith.constant 6 : i32
      %dma_start3A_308 = tpu.memref_slice %arg13[%dma_start3A_306, %dma_start3A_307] : memref<2x16x!tpu.dma_semaphore, #tpu.memory_space<semaphore_mem>> -> memref<1x1x!tpu.dma_semaphore, #tpu.memory_space<semaphore_mem>>
      %dma_start3A_309 = tpu.memref_squeeze %dma_start3A_308 : memref<1x1x!tpu.dma_semaphore, #tpu.memory_space<semaphore_mem>> -> memref<!tpu.dma_semaphore, #tpu.memory_space<semaphore_mem>>
      %dma_start3A_310 = arith.constant 384 : i32
      %dma_start3A_311 = arith.constant 0 : i32
      %dma_start3A_312 = tpu.memref_slice %arg9[%dma_start3A_305, %dma_start3A_310, %dma_start3A_311] : memref<2x1024x2048xf32, #tpu.memory_space<vmem>> -> memref<1x64x2048xf32, #tpu.memory_space<vmem>>
      %dma_start3A_313 = tpu.memref_squeeze %dma_start3A_312 : memref<1x64x2048xf32, #tpu.memory_space<vmem>> -> memref<64x2048xf32, #tpu.memory_space<vmem>>
      %dma_start3A_314 = arith.constant 384 : i32
      %dma_start3A_315 = arith.constant 0 : i32
      %dma_start3A_316 = tpu.memref_slice %arg3[%dma_start3A_304, %dma_start3A_314, %dma_start3A_315] : memref<8x1024x2048xf32, #tpu.memory_space<any>> -> memref<1x64x2048xf32, #tpu.memory_space<any>>
      %dma_start3A_317 = tpu.memref_squeeze %dma_start3A_316 : memref<1x64x2048xf32, #tpu.memory_space<any>> -> memref<64x2048xf32, #tpu.memory_space<any>>
      tpu.enqueue_dma source(%dma_start3A_317 : memref<64x2048xf32, #tpu.memory_space<any>>) target(%dma_start3A_313 : memref<64x2048xf32, #tpu.memory_space<vmem>>) target_semaphore(%dma_start3A_309 : memref<!tpu.dma_semaphore, #tpu.memory_space<semaphore_mem>>)
      %dma_start3A_318 = arith.constant 0 : i32
      %dma_start3A_319 = arith.constant 0 : i32
      %dma_start3A_320 = arith.constant 0 : i32
      %dma_start3A_321 = arith.constant 7 : i32
      %dma_start3A_322 = tpu.memref_slice %arg13[%dma_start3A_320, %dma_start3A_321] : memref<2x16x!tpu.dma_semaphore, #tpu.memory_space<semaphore_mem>> -> memref<1x1x!tpu.dma_semaphore, #tpu.memory_space<semaphore_mem>>
      %dma_start3A_323 = tpu.memref_squeeze %dma_start3A_322 : memref<1x1x!tpu.dma_semaphore, #tpu.memory_space<semaphore_mem>> -> memref<!tpu.dma_semaphore, #tpu.memory_space<semaphore_mem>>
      %dma_start3A_324 = arith.constant 448 : i32
      %dma_start3A_325 = arith.constant 0 : i32
      %dma_start3A_326 = tpu.memref_slice %arg9[%dma_start3A_319, %dma_start3A_324, %dma_start3A_325] : memref<2x1024x2048xf32, #tpu.memory_space<vmem>> -> memref<1x64x2048xf32, #tpu.memory_space<vmem>>
      %dma_start3A_327 = tpu.memref_squeeze %dma_start3A_326 : memref<1x64x2048xf32, #tpu.memory_space<vmem>> -> memref<64x2048xf32, #tpu.memory_space<vmem>>
      %dma_start3A_328 = arith.constant 448 : i32
      %dma_start3A_329 = arith.constant 0 : i32
      %dma_start3A_330 = tpu.memref_slice %arg3[%dma_start3A_318, %dma_start3A_328, %dma_start3A_329] : memref<8x1024x2048xf32, #tpu.memory_space<any>> -> memref<1x64x2048xf32, #tpu.memory_space<any>>
      %dma_start3A_331 = tpu.memref_squeeze %dma_start3A_330 : memref<1x64x2048xf32, #tpu.memory_space<any>> -> memref<64x2048xf32, #tpu.memory_space<any>>
      tpu.enqueue_dma source(%dma_start3A_331 : memref<64x2048xf32, #tpu.memory_space<any>>) target(%dma_start3A_327 : memref<64x2048xf32, #tpu.memory_space<vmem>>) target_semaphore(%dma_start3A_323 : memref<!tpu.dma_semaphore, #tpu.memory_space<semaphore_mem>>)
      %dma_start3A_332 = arith.constant 0 : i32
      %dma_start3A_333 = arith.constant 0 : i32
      %dma_start3A_334 = arith.constant 0 : i32
      %dma_start3A_335 = arith.constant 8 : i32
      %dma_start3A_336 = tpu.memref_slice %arg13[%dma_start3A_334, %dma_start3A_335] : memref<2x16x!tpu.dma_semaphore, #tpu.memory_space<semaphore_mem>> -> memref<1x1x!tpu.dma_semaphore, #tpu.memory_space<semaphore_mem>>
      %dma_start3A_337 = tpu.memref_squeeze %dma_start3A_336 : memref<1x1x!tpu.dma_semaphore, #tpu.memory_space<semaphore_mem>> -> memref<!tpu.dma_semaphore, #tpu.memory_space<semaphore_mem>>
      %dma_start3A_338 = arith.constant 512 : i32
      %dma_start3A_339 = arith.constant 0 : i32
      %dma_start3A_340 = tpu.memref_slice %arg9[%dma_start3A_333, %dma_start3A_338, %dma_start3A_339] : memref<2x1024x2048xf32, #tpu.memory_space<vmem>> -> memref<1x64x2048xf32, #tpu.memory_space<vmem>>
      %dma_start3A_341 = tpu.memref_squeeze %dma_start3A_340 : memref<1x64x2048xf32, #tpu.memory_space<vmem>> -> memref<64x2048xf32, #tpu.memory_space<vmem>>
      %dma_start3A_342 = arith.constant 512 : i32
      %dma_start3A_343 = arith.constant 0 : i32
      %dma_start3A_344 = tpu.memref_slice %arg3[%dma_start3A_332, %dma_start3A_342, %dma_start3A_343] : memref<8x1024x2048xf32, #tpu.memory_space<any>> -> memref<1x64x2048xf32, #tpu.memory_space<any>>
      %dma_start3A_345 = tpu.memref_squeeze %dma_start3A_344 : memref<1x64x2048xf32, #tpu.memory_space<any>> -> memref<64x2048xf32, #tpu.memory_space<any>>
      tpu.enqueue_dma source(%dma_start3A_345 : memref<64x2048xf32, #tpu.memory_space<any>>) target(%dma_start3A_341 : memref<64x2048xf32, #tpu.memory_space<vmem>>) target_semaphore(%dma_start3A_337 : memref<!tpu.dma_semaphore, #tpu.memory_space<semaphore_mem>>)
      %dma_start3A_346 = arith.constant 0 : i32
      %dma_start3A_347 = arith.constant 0 : i32
      %dma_start3A_348 = arith.constant 0 : i32
      %dma_start3A_349 = arith.constant 9 : i32
      %dma_start3A_350 = tpu.memref_slice %arg13[%dma_start3A_348, %dma_start3A_349] : memref<2x16x!tpu.dma_semaphore, #tpu.memory_space<semaphore_mem>> -> memref<1x1x!tpu.dma_semaphore, #tpu.memory_space<semaphore_mem>>
      %dma_start3A_351 = tpu.memref_squeeze %dma_start3A_350 : memref<1x1x!tpu.dma_semaphore, #tpu.memory_space<semaphore_mem>> -> memref<!tpu.dma_semaphore, #tpu.memory_space<semaphore_mem>>
      %dma_start3A_352 = arith.constant 576 : i32
      %dma_start3A_353 = arith.constant 0 : i32
      %dma_start3A_354 = tpu.memref_slice %arg9[%dma_start3A_347, %dma_start3A_352, %dma_start3A_353] : memref<2x1024x2048xf32, #tpu.memory_space<vmem>> -> memref<1x64x2048xf32, #tpu.memory_space<vmem>>
      %dma_start3A_355 = tpu.memref_squeeze %dma_start3A_354 : memref<1x64x2048xf32, #tpu.memory_space<vmem>> -> memref<64x2048xf32, #tpu.memory_space<vmem>>
      %dma_start3A_356 = arith.constant 576 : i32
      %dma_start3A_357 = arith.constant 0 : i32
      %dma_start3A_358 = tpu.memref_slice %arg3[%dma_start3A_346, %dma_start3A_356, %dma_start3A_357] : memref<8x1024x2048xf32, #tpu.memory_space<any>> -> memref<1x64x2048xf32, #tpu.memory_space<any>>
      %dma_start3A_359 = tpu.memref_squeeze %dma_start3A_358 : memref<1x64x2048xf32, #tpu.memory_space<any>> -> memref<64x2048xf32, #tpu.memory_space<any>>
      tpu.enqueue_dma source(%dma_start3A_359 : memref<64x2048xf32, #tpu.memory_space<any>>) target(%dma_start3A_355 : memref<64x2048xf32, #tpu.memory_space<vmem>>) target_semaphore(%dma_start3A_351 : memref<!tpu.dma_semaphore, #tpu.memory_space<semaphore_mem>>)
      %dma_start3A_360 = arith.constant 0 : i32
      %dma_start3A_361 = arith.constant 0 : i32
      %dma_start3A_362 = arith.constant 0 : i32
      %dma_start3A_363 = arith.constant 10 : i32
      %dma_start3A_364 = tpu.memref_slice %arg13[%dma_start3A_362, %dma_start3A_363] : memref<2x16x!tpu.dma_semaphore, #tpu.memory_space<semaphore_mem>> -> memref<1x1x!tpu.dma_semaphore, #tpu.memory_space<semaphore_mem>>
      %dma_start3A_365 = tpu.memref_squeeze %dma_start3A_364 : memref<1x1x!tpu.dma_semaphore, #tpu.memory_space<semaphore_mem>> -> memref<!tpu.dma_semaphore, #tpu.memory_space<semaphore_mem>>
      %dma_start3A_366 = arith.constant 640 : i32
      %dma_start3A_367 = arith.constant 0 : i32
      %dma_start3A_368 = tpu.memref_slice %arg9[%dma_start3A_361, %dma_start3A_366, %dma_start3A_367] : memref<2x1024x2048xf32, #tpu.memory_space<vmem>> -> memref<1x64x2048xf32, #tpu.memory_space<vmem>>
      %dma_start3A_369 = tpu.memref_squeeze %dma_start3A_368 : memref<1x64x2048xf32, #tpu.memory_space<vmem>> -> memref<64x2048xf32, #tpu.memory_space<vmem>>
      %dma_start3A_370 = arith.constant 640 : i32
      %dma_start3A_371 = arith.constant 0 : i32
      %dma_start3A_372 = tpu.memref_slice %arg3[%dma_start3A_360, %dma_start3A_370, %dma_start3A_371] : memref<8x1024x2048xf32, #tpu.memory_space<any>> -> memref<1x64x2048xf32, #tpu.memory_space<any>>
      %dma_start3A_373 = tpu.memref_squeeze %dma_start3A_372 : memref<1x64x2048xf32, #tpu.memory_space<any>> -> memref<64x2048xf32, #tpu.memory_space<any>>
      tpu.enqueue_dma source(%dma_start3A_373 : memref<64x2048xf32, #tpu.memory_space<any>>) target(%dma_start3A_369 : memref<64x2048xf32, #tpu.memory_space<vmem>>) target_semaphore(%dma_start3A_365 : memref<!tpu.dma_semaphore, #tpu.memory_space<semaphore_mem>>)
      %dma_start3A_374 = arith.constant 0 : i32
      %dma_start3A_375 = arith.constant 0 : i32
      %dma_start3A_376 = arith.constant 0 : i32
      %dma_start3A_377 = arith.constant 11 : i32
      %dma_start3A_378 = tpu.memref_slice %arg13[%dma_start3A_376, %dma_start3A_377] : memref<2x16x!tpu.dma_semaphore, #tpu.memory_space<semaphore_mem>> -> memref<1x1x!tpu.dma_semaphore, #tpu.memory_space<semaphore_mem>>
      %dma_start3A_379 = tpu.memref_squeeze %dma_start3A_378 : memref<1x1x!tpu.dma_semaphore, #tpu.memory_space<semaphore_mem>> -> memref<!tpu.dma_semaphore, #tpu.memory_space<semaphore_mem>>
      %dma_start3A_380 = arith.constant 704 : i32
      %dma_start3A_381 = arith.constant 0 : i32
      %dma_start3A_382 = tpu.memref_slice %arg9[%dma_start3A_375, %dma_start3A_380, %dma_start3A_381] : memref<2x1024x2048xf32, #tpu.memory_space<vmem>> -> memref<1x64x2048xf32, #tpu.memory_space<vmem>>
      %dma_start3A_383 = tpu.memref_squeeze %dma_start3A_382 : memref<1x64x2048xf32, #tpu.memory_space<vmem>> -> memref<64x2048xf32, #tpu.memory_space<vmem>>
      %dma_start3A_384 = arith.constant 704 : i32
      %dma_start3A_385 = arith.constant 0 : i32
      %dma_start3A_386 = tpu.memref_slice %arg3[%dma_start3A_374, %dma_start3A_384, %dma_start3A_385] : memref<8x1024x2048xf32, #tpu.memory_space<any>> -> memref<1x64x2048xf32, #tpu.memory_space<any>>
      %dma_start3A_387 = tpu.memref_squeeze %dma_start3A_386 : memref<1x64x2048xf32, #tpu.memory_space<any>> -> memref<64x2048xf32, #tpu.memory_space<any>>
      tpu.enqueue_dma source(%dma_start3A_387 : memref<64x2048xf32, #tpu.memory_space<any>>) target(%dma_start3A_383 : memref<64x2048xf32, #tpu.memory_space<vmem>>) target_semaphore(%dma_start3A_379 : memref<!tpu.dma_semaphore, #tpu.memory_space<semaphore_mem>>)
      %dma_start3A_388 = arith.constant 0 : i32
      %dma_start3A_389 = arith.constant 0 : i32
      %dma_start3A_390 = arith.constant 0 : i32
      %dma_start3A_391 = arith.constant 12 : i32
      %dma_start3A_392 = tpu.memref_slice %arg13[%dma_start3A_390, %dma_start3A_391] : memref<2x16x!tpu.dma_semaphore, #tpu.memory_space<semaphore_mem>> -> memref<1x1x!tpu.dma_semaphore, #tpu.memory_space<semaphore_mem>>
      %dma_start3A_393 = tpu.memref_squeeze %dma_start3A_392 : memref<1x1x!tpu.dma_semaphore, #tpu.memory_space<semaphore_mem>> -> memref<!tpu.dma_semaphore, #tpu.memory_space<semaphore_mem>>
      %dma_start3A_394 = arith.constant 768 : i32
      %dma_start3A_395 = arith.constant 0 : i32
      %dma_start3A_396 = tpu.memref_slice %arg9[%dma_start3A_389, %dma_start3A_394, %dma_start3A_395] : memref<2x1024x2048xf32, #tpu.memory_space<vmem>> -> memref<1x64x2048xf32, #tpu.memory_space<vmem>>
      %dma_start3A_397 = tpu.memref_squeeze %dma_start3A_396 : memref<1x64x2048xf32, #tpu.memory_space<vmem>> -> memref<64x2048xf32, #tpu.memory_space<vmem>>
      %dma_start3A_398 = arith.constant 768 : i32
      %dma_start3A_399 = arith.constant 0 : i32
      %dma_start3A_400 = tpu.memref_slice %arg3[%dma_start3A_388, %dma_start3A_398, %dma_start3A_399] : memref<8x1024x2048xf32, #tpu.memory_space<any>> -> memref<1x64x2048xf32, #tpu.memory_space<any>>
      %dma_start3A_401 = tpu.memref_squeeze %dma_start3A_400 : memref<1x64x2048xf32, #tpu.memory_space<any>> -> memref<64x2048xf32, #tpu.memory_space<any>>
      tpu.enqueue_dma source(%dma_start3A_401 : memref<64x2048xf32, #tpu.memory_space<any>>) target(%dma_start3A_397 : memref<64x2048xf32, #tpu.memory_space<vmem>>) target_semaphore(%dma_start3A_393 : memref<!tpu.dma_semaphore, #tpu.memory_space<semaphore_mem>>)
      %dma_start3A_402 = arith.constant 0 : i32
      %dma_start3A_403 = arith.constant 0 : i32
      %dma_start3A_404 = arith.constant 0 : i32
      %dma_start3A_405 = arith.constant 13 : i32
      %dma_start3A_406 = tpu.memref_slice %arg13[%dma_start3A_404, %dma_start3A_405] : memref<2x16x!tpu.dma_semaphore, #tpu.memory_space<semaphore_mem>> -> memref<1x1x!tpu.dma_semaphore, #tpu.memory_space<semaphore_mem>>
      %dma_start3A_407 = tpu.memref_squeeze %dma_start3A_406 : memref<1x1x!tpu.dma_semaphore, #tpu.memory_space<semaphore_mem>> -> memref<!tpu.dma_semaphore, #tpu.memory_space<semaphore_mem>>
      %dma_start3A_408 = arith.constant 832 : i32
      %dma_start3A_409 = arith.constant 0 : i32
      %dma_start3A_410 = tpu.memref_slice %arg9[%dma_start3A_403, %dma_start3A_408, %dma_start3A_409] : memref<2x1024x2048xf32, #tpu.memory_space<vmem>> -> memref<1x64x2048xf32, #tpu.memory_space<vmem>>
      %dma_start3A_411 = tpu.memref_squeeze %dma_start3A_410 : memref<1x64x2048xf32, #tpu.memory_space<vmem>> -> memref<64x2048xf32, #tpu.memory_space<vmem>>
      %dma_start3A_412 = arith.constant 832 : i32
      %dma_start3A_413 = arith.constant 0 : i32
      %dma_start3A_414 = tpu.memref_slice %arg3[%dma_start3A_402, %dma_start3A_412, %dma_start3A_413] : memref<8x1024x2048xf32, #tpu.memory_space<any>> -> memref<1x64x2048xf32, #tpu.memory_space<any>>
      %dma_start3A_415 = tpu.memref_squeeze %dma_start3A_414 : memref<1x64x2048xf32, #tpu.memory_space<any>> -> memref<64x2048xf32, #tpu.memory_space<any>>
      tpu.enqueue_dma source(%dma_start3A_415 : memref<64x2048xf32, #tpu.memory_space<any>>) target(%dma_start3A_411 : memref<64x2048xf32, #tpu.memory_space<vmem>>) target_semaphore(%dma_start3A_407 : memref<!tpu.dma_semaphore, #tpu.memory_space<semaphore_mem>>)
      %dma_start3A_416 = arith.constant 0 : i32
      %dma_start3A_417 = arith.constant 0 : i32
      %dma_start3A_418 = arith.constant 0 : i32
      %dma_start3A_419 = arith.constant 14 : i32
      %dma_start3A_420 = tpu.memref_slice %arg13[%dma_start3A_418, %dma_start3A_419] : memref<2x16x!tpu.dma_semaphore, #tpu.memory_space<semaphore_mem>> -> memref<1x1x!tpu.dma_semaphore, #tpu.memory_space<semaphore_mem>>
      %dma_start3A_421 = tpu.memref_squeeze %dma_start3A_420 : memref<1x1x!tpu.dma_semaphore, #tpu.memory_space<semaphore_mem>> -> memref<!tpu.dma_semaphore, #tpu.memory_space<semaphore_mem>>
      %dma_start3A_422 = arith.constant 896 : i32
      %dma_start3A_423 = arith.constant 0 : i32
      %dma_start3A_424 = tpu.memref_slice %arg9[%dma_start3A_417, %dma_start3A_422, %dma_start3A_423] : memref<2x1024x2048xf32, #tpu.memory_space<vmem>> -> memref<1x64x2048xf32, #tpu.memory_space<vmem>>
      %dma_start3A_425 = tpu.memref_squeeze %dma_start3A_424 : memref<1x64x2048xf32, #tpu.memory_space<vmem>> -> memref<64x2048xf32, #tpu.memory_space<vmem>>
      %dma_start3A_426 = arith.constant 896 : i32
      %dma_start3A_427 = arith.constant 0 : i32
      %dma_start3A_428 = tpu.memref_slice %arg3[%dma_start3A_416, %dma_start3A_426, %dma_start3A_427] : memref<8x1024x2048xf32, #tpu.memory_space<any>> -> memref<1x64x2048xf32, #tpu.memory_space<any>>
      %dma_start3A_429 = tpu.memref_squeeze %dma_start3A_428 : memref<1x64x2048xf32, #tpu.memory_space<any>> -> memref<64x2048xf32, #tpu.memory_space<any>>
      tpu.enqueue_dma source(%dma_start3A_429 : memref<64x2048xf32, #tpu.memory_space<any>>) target(%dma_start3A_425 : memref<64x2048xf32, #tpu.memory_space<vmem>>) target_semaphore(%dma_start3A_421 : memref<!tpu.dma_semaphore, #tpu.memory_space<semaphore_mem>>)
      %dma_start3A_430 = arith.constant 0 : i32
      %dma_start3A_431 = arith.constant 0 : i32
      %dma_start3A_432 = arith.constant 0 : i32
      %dma_start3A_433 = arith.constant 15 : i32
      %dma_start3A_434 = tpu.memref_slice %arg13[%dma_start3A_432, %dma_start3A_433] : memref<2x16x!tpu.dma_semaphore, #tpu.memory_space<semaphore_mem>> -> memref<1x1x!tpu.dma_semaphore, #tpu.memory_space<semaphore_mem>>
      %dma_start3A_435 = tpu.memref_squeeze %dma_start3A_434 : memref<1x1x!tpu.dma_semaphore, #tpu.memory_space<semaphore_mem>> -> memref<!tpu.dma_semaphore, #tpu.memory_space<semaphore_mem>>
      %dma_start3A_436 = arith.constant 960 : i32
      %dma_start3A_437 = arith.constant 0 : i32
      %dma_start3A_438 = tpu.memref_slice %arg9[%dma_start3A_431, %dma_start3A_436, %dma_start3A_437] : memref<2x1024x2048xf32, #tpu.memory_space<vmem>> -> memref<1x64x2048xf32, #tpu.memory_space<vmem>>
      %dma_start3A_439 = tpu.memref_squeeze %dma_start3A_438 : memref<1x64x2048xf32, #tpu.memory_space<vmem>> -> memref<64x2048xf32, #tpu.memory_space<vmem>>
      %dma_start3A_440 = arith.constant 960 : i32
      %dma_start3A_441 = arith.constant 0 : i32
      %dma_start3A_442 = tpu.memref_slice %arg3[%dma_start3A_430, %dma_start3A_440, %dma_start3A_441] : memref<8x1024x2048xf32, #tpu.memory_space<any>> -> memref<1x64x2048xf32, #tpu.memory_space<any>>
      %dma_start3A_443 = tpu.memref_squeeze %dma_start3A_442 : memref<1x64x2048xf32, #tpu.memory_space<any>> -> memref<64x2048xf32, #tpu.memory_space<any>>
      tpu.enqueue_dma source(%dma_start3A_443 : memref<64x2048xf32, #tpu.memory_space<any>>) target(%dma_start3A_439 : memref<64x2048xf32, #tpu.memory_space<vmem>>) target_semaphore(%dma_start3A_435 : memref<!tpu.dma_semaphore, #tpu.memory_space<semaphore_mem>>)
    } else {
    }
    %dma_wait3A = arith.constant 0 : i32
    %dma_wait3A_10 = tpu.memref_slice %arg13[%rem3A_7, %dma_wait3A] : memref<2x16x!tpu.dma_semaphore, #tpu.memory_space<semaphore_mem>> -> memref<1x1x!tpu.dma_semaphore, #tpu.memory_space<semaphore_mem>>
    %dma_wait3A_11 = tpu.memref_squeeze %dma_wait3A_10 : memref<1x1x!tpu.dma_semaphore, #tpu.memory_space<semaphore_mem>> -> memref<!tpu.dma_semaphore, #tpu.memory_space<semaphore_mem>>
    %dma_wait3A_12 = arith.constant 0 : i32
    %dma_wait3A_13 = arith.constant 0 : i32
    %dma_wait3A_14 = tpu.memref_slice %arg9[%rem3A_7, %dma_wait3A_12, %dma_wait3A_13] : memref<2x1024x2048xf32, #tpu.memory_space<vmem>> -> memref<1x64x2048xf32, #tpu.memory_space<vmem>>
    %dma_wait3A_15 = tpu.memref_squeeze %dma_wait3A_14 : memref<1x64x2048xf32, #tpu.memory_space<vmem>> -> memref<64x2048xf32, #tpu.memory_space<vmem>>
    %dma_wait3A_16 = arith.constant 0 : i32
    %dma_wait3A_17 = arith.constant 0 : i32
    %dma_wait3A_18 = tpu.memref_slice %arg3[%arg0, %dma_wait3A_16, %dma_wait3A_17] : memref<8x1024x2048xf32, #tpu.memory_space<any>> -> memref<1x64x2048xf32, #tpu.memory_space<any>>
    %dma_wait3A_19 = tpu.memref_squeeze %dma_wait3A_18 : memref<1x64x2048xf32, #tpu.memory_space<any>> -> memref<64x2048xf32, #tpu.memory_space<any>>
    tpu.wait_dma2 semaphore(%dma_wait3A_11 : memref<!tpu.dma_semaphore, #tpu.memory_space<semaphore_mem>>) src(%dma_wait3A_19 : memref<64x2048xf32, #tpu.memory_space<any>>) dst(%dma_wait3A_15 : memref<64x2048xf32, #tpu.memory_space<vmem>>)
    %dma_wait3A_20 = arith.constant 1 : i32
    %dma_wait3A_21 = tpu.memref_slice %arg13[%rem3A_7, %dma_wait3A_20] : memref<2x16x!tpu.dma_semaphore, #tpu.memory_space<semaphore_mem>> -> memref<1x1x!tpu.dma_semaphore, #tpu.memory_space<semaphore_mem>>
    %dma_wait3A_22 = tpu.memref_squeeze %dma_wait3A_21 : memref<1x1x!tpu.dma_semaphore, #tpu.memory_space<semaphore_mem>> -> memref<!tpu.dma_semaphore, #tpu.memory_space<semaphore_mem>>
    %dma_wait3A_23 = arith.constant 64 : i32
    %dma_wait3A_24 = arith.constant 0 : i32
    %dma_wait3A_25 = tpu.memref_slice %arg9[%rem3A_7, %dma_wait3A_23, %dma_wait3A_24] : memref<2x1024x2048xf32, #tpu.memory_space<vmem>> -> memref<1x64x2048xf32, #tpu.memory_space<vmem>>
    %dma_wait3A_26 = tpu.memref_squeeze %dma_wait3A_25 : memref<1x64x2048xf32, #tpu.memory_space<vmem>> -> memref<64x2048xf32, #tpu.memory_space<vmem>>
    %dma_wait3A_27 = arith.constant 64 : i32
    %dma_wait3A_28 = arith.constant 0 : i32
    %dma_wait3A_29 = tpu.memref_slice %arg3[%arg0, %dma_wait3A_27, %dma_wait3A_28] : memref<8x1024x2048xf32, #tpu.memory_space<any>> -> memref<1x64x2048xf32, #tpu.memory_space<any>>
    %dma_wait3A_30 = tpu.memref_squeeze %dma_wait3A_29 : memref<1x64x2048xf32, #tpu.memory_space<any>> -> memref<64x2048xf32, #tpu.memory_space<any>>
    tpu.wait_dma2 semaphore(%dma_wait3A_22 : memref<!tpu.dma_semaphore, #tpu.memory_space<semaphore_mem>>) src(%dma_wait3A_30 : memref<64x2048xf32, #tpu.memory_space<any>>) dst(%dma_wait3A_26 : memref<64x2048xf32, #tpu.memory_space<vmem>>)
    %dma_wait3A_31 = arith.constant 2 : i32
    %dma_wait3A_32 = tpu.memref_slice %arg13[%rem3A_7, %dma_wait3A_31] : memref<2x16x!tpu.dma_semaphore, #tpu.memory_space<semaphore_mem>> -> memref<1x1x!tpu.dma_semaphore, #tpu.memory_space<semaphore_mem>>
    %dma_wait3A_33 = tpu.memref_squeeze %dma_wait3A_32 : memref<1x1x!tpu.dma_semaphore, #tpu.memory_space<semaphore_mem>> -> memref<!tpu.dma_semaphore, #tpu.memory_space<semaphore_mem>>
    %dma_wait3A_34 = arith.constant 128 : i32
    %dma_wait3A_35 = arith.constant 0 : i32
    %dma_wait3A_36 = tpu.memref_slice %arg9[%rem3A_7, %dma_wait3A_34, %dma_wait3A_35] : memref<2x1024x2048xf32, #tpu.memory_space<vmem>> -> memref<1x64x2048xf32, #tpu.memory_space<vmem>>
    %dma_wait3A_37 = tpu.memref_squeeze %dma_wait3A_36 : memref<1x64x2048xf32, #tpu.memory_space<vmem>> -> memref<64x2048xf32, #tpu.memory_space<vmem>>
    %dma_wait3A_38 = arith.constant 128 : i32
    %dma_wait3A_39 = arith.constant 0 : i32
    %dma_wait3A_40 = tpu.memref_slice %arg3[%arg0, %dma_wait3A_38, %dma_wait3A_39] : memref<8x1024x2048xf32, #tpu.memory_space<any>> -> memref<1x64x2048xf32, #tpu.memory_space<any>>
    %dma_wait3A_41 = tpu.memref_squeeze %dma_wait3A_40 : memref<1x64x2048xf32, #tpu.memory_space<any>> -> memref<64x2048xf32, #tpu.memory_space<any>>
    tpu.wait_dma2 semaphore(%dma_wait3A_33 : memref<!tpu.dma_semaphore, #tpu.memory_space<semaphore_mem>>) src(%dma_wait3A_41 : memref<64x2048xf32, #tpu.memory_space<any>>) dst(%dma_wait3A_37 : memref<64x2048xf32, #tpu.memory_space<vmem>>)
    %dma_wait3A_42 = arith.constant 3 : i32
    %dma_wait3A_43 = tpu.memref_slice %arg13[%rem3A_7, %dma_wait3A_42] : memref<2x16x!tpu.dma_semaphore, #tpu.memory_space<semaphore_mem>> -> memref<1x1x!tpu.dma_semaphore, #tpu.memory_space<semaphore_mem>>
    %dma_wait3A_44 = tpu.memref_squeeze %dma_wait3A_43 : memref<1x1x!tpu.dma_semaphore, #tpu.memory_space<semaphore_mem>> -> memref<!tpu.dma_semaphore, #tpu.memory_space<semaphore_mem>>
    %dma_wait3A_45 = arith.constant 192 : i32
    %dma_wait3A_46 = arith.constant 0 : i32
    %dma_wait3A_47 = tpu.memref_slice %arg9[%rem3A_7, %dma_wait3A_45, %dma_wait3A_46] : memref<2x1024x2048xf32, #tpu.memory_space<vmem>> -> memref<1x64x2048xf32, #tpu.memory_space<vmem>>
    %dma_wait3A_48 = tpu.memref_squeeze %dma_wait3A_47 : memref<1x64x2048xf32, #tpu.memory_space<vmem>> -> memref<64x2048xf32, #tpu.memory_space<vmem>>
    %dma_wait3A_49 = arith.constant 192 : i32
    %dma_wait3A_50 = arith.constant 0 : i32
    %dma_wait3A_51 = tpu.memref_slice %arg3[%arg0, %dma_wait3A_49, %dma_wait3A_50] : memref<8x1024x2048xf32, #tpu.memory_space<any>> -> memref<1x64x2048xf32, #tpu.memory_space<any>>
    %dma_wait3A_52 = tpu.memref_squeeze %dma_wait3A_51 : memref<1x64x2048xf32, #tpu.memory_space<any>> -> memref<64x2048xf32, #tpu.memory_space<any>>
    tpu.wait_dma2 semaphore(%dma_wait3A_44 : memref<!tpu.dma_semaphore, #tpu.memory_space<semaphore_mem>>) src(%dma_wait3A_52 : memref<64x2048xf32, #tpu.memory_space<any>>) dst(%dma_wait3A_48 : memref<64x2048xf32, #tpu.memory_space<vmem>>)
    %dma_wait3A_53 = arith.constant 4 : i32
    %dma_wait3A_54 = tpu.memref_slice %arg13[%rem3A_7, %dma_wait3A_53] : memref<2x16x!tpu.dma_semaphore, #tpu.memory_space<semaphore_mem>> -> memref<1x1x!tpu.dma_semaphore, #tpu.memory_space<semaphore_mem>>
    %dma_wait3A_55 = tpu.memref_squeeze %dma_wait3A_54 : memref<1x1x!tpu.dma_semaphore, #tpu.memory_space<semaphore_mem>> -> memref<!tpu.dma_semaphore, #tpu.memory_space<semaphore_mem>>
    %dma_wait3A_56 = arith.constant 256 : i32
    %dma_wait3A_57 = arith.constant 0 : i32
    %dma_wait3A_58 = tpu.memref_slice %arg9[%rem3A_7, %dma_wait3A_56, %dma_wait3A_57] : memref<2x1024x2048xf32, #tpu.memory_space<vmem>> -> memref<1x64x2048xf32, #tpu.memory_space<vmem>>
    %dma_wait3A_59 = tpu.memref_squeeze %dma_wait3A_58 : memref<1x64x2048xf32, #tpu.memory_space<vmem>> -> memref<64x2048xf32, #tpu.memory_space<vmem>>
    %dma_wait3A_60 = arith.constant 256 : i32
    %dma_wait3A_61 = arith.constant 0 : i32
    %dma_wait3A_62 = tpu.memref_slice %arg3[%arg0, %dma_wait3A_60, %dma_wait3A_61] : memref<8x1024x2048xf32, #tpu.memory_space<any>> -> memref<1x64x2048xf32, #tpu.memory_space<any>>
    %dma_wait3A_63 = tpu.memref_squeeze %dma_wait3A_62 : memref<1x64x2048xf32, #tpu.memory_space<any>> -> memref<64x2048xf32, #tpu.memory_space<any>>
    tpu.wait_dma2 semaphore(%dma_wait3A_55 : memref<!tpu.dma_semaphore, #tpu.memory_space<semaphore_mem>>) src(%dma_wait3A_63 : memref<64x2048xf32, #tpu.memory_space<any>>) dst(%dma_wait3A_59 : memref<64x2048xf32, #tpu.memory_space<vmem>>)
    %dma_wait3A_64 = arith.constant 5 : i32
    %dma_wait3A_65 = tpu.memref_slice %arg13[%rem3A_7, %dma_wait3A_64] : memref<2x16x!tpu.dma_semaphore, #tpu.memory_space<semaphore_mem>> -> memref<1x1x!tpu.dma_semaphore, #tpu.memory_space<semaphore_mem>>
    %dma_wait3A_66 = tpu.memref_squeeze %dma_wait3A_65 : memref<1x1x!tpu.dma_semaphore, #tpu.memory_space<semaphore_mem>> -> memref<!tpu.dma_semaphore, #tpu.memory_space<semaphore_mem>>
    %dma_wait3A_67 = arith.constant 320 : i32
    %dma_wait3A_68 = arith.constant 0 : i32
    %dma_wait3A_69 = tpu.memref_slice %arg9[%rem3A_7, %dma_wait3A_67, %dma_wait3A_68] : memref<2x1024x2048xf32, #tpu.memory_space<vmem>> -> memref<1x64x2048xf32, #tpu.memory_space<vmem>>
    %dma_wait3A_70 = tpu.memref_squeeze %dma_wait3A_69 : memref<1x64x2048xf32, #tpu.memory_space<vmem>> -> memref<64x2048xf32, #tpu.memory_space<vmem>>
    %dma_wait3A_71 = arith.constant 320 : i32
    %dma_wait3A_72 = arith.constant 0 : i32
    %dma_wait3A_73 = tpu.memref_slice %arg3[%arg0, %dma_wait3A_71, %dma_wait3A_72] : memref<8x1024x2048xf32, #tpu.memory_space<any>> -> memref<1x64x2048xf32, #tpu.memory_space<any>>
    %dma_wait3A_74 = tpu.memref_squeeze %dma_wait3A_73 : memref<1x64x2048xf32, #tpu.memory_space<any>> -> memref<64x2048xf32, #tpu.memory_space<any>>
    tpu.wait_dma2 semaphore(%dma_wait3A_66 : memref<!tpu.dma_semaphore, #tpu.memory_space<semaphore_mem>>) src(%dma_wait3A_74 : memref<64x2048xf32, #tpu.memory_space<any>>) dst(%dma_wait3A_70 : memref<64x2048xf32, #tpu.memory_space<vmem>>)
    %dma_wait3A_75 = arith.constant 6 : i32
    %dma_wait3A_76 = tpu.memref_slice %arg13[%rem3A_7, %dma_wait3A_75] : memref<2x16x!tpu.dma_semaphore, #tpu.memory_space<semaphore_mem>> -> memref<1x1x!tpu.dma_semaphore, #tpu.memory_space<semaphore_mem>>
    %dma_wait3A_77 = tpu.memref_squeeze %dma_wait3A_76 : memref<1x1x!tpu.dma_semaphore, #tpu.memory_space<semaphore_mem>> -> memref<!tpu.dma_semaphore, #tpu.memory_space<semaphore_mem>>
    %dma_wait3A_78 = arith.constant 384 : i32
    %dma_wait3A_79 = arith.constant 0 : i32
    %dma_wait3A_80 = tpu.memref_slice %arg9[%rem3A_7, %dma_wait3A_78, %dma_wait3A_79] : memref<2x1024x2048xf32, #tpu.memory_space<vmem>> -> memref<1x64x2048xf32, #tpu.memory_space<vmem>>
    %dma_wait3A_81 = tpu.memref_squeeze %dma_wait3A_80 : memref<1x64x2048xf32, #tpu.memory_space<vmem>> -> memref<64x2048xf32, #tpu.memory_space<vmem>>
    %dma_wait3A_82 = arith.constant 384 : i32
    %dma_wait3A_83 = arith.constant 0 : i32
    %dma_wait3A_84 = tpu.memref_slice %arg3[%arg0, %dma_wait3A_82, %dma_wait3A_83] : memref<8x1024x2048xf32, #tpu.memory_space<any>> -> memref<1x64x2048xf32, #tpu.memory_space<any>>
    %dma_wait3A_85 = tpu.memref_squeeze %dma_wait3A_84 : memref<1x64x2048xf32, #tpu.memory_space<any>> -> memref<64x2048xf32, #tpu.memory_space<any>>
    tpu.wait_dma2 semaphore(%dma_wait3A_77 : memref<!tpu.dma_semaphore, #tpu.memory_space<semaphore_mem>>) src(%dma_wait3A_85 : memref<64x2048xf32, #tpu.memory_space<any>>) dst(%dma_wait3A_81 : memref<64x2048xf32, #tpu.memory_space<vmem>>)
    %dma_wait3A_86 = arith.constant 7 : i32
    %dma_wait3A_87 = tpu.memref_slice %arg13[%rem3A_7, %dma_wait3A_86] : memref<2x16x!tpu.dma_semaphore, #tpu.memory_space<semaphore_mem>> -> memref<1x1x!tpu.dma_semaphore, #tpu.memory_space<semaphore_mem>>
    %dma_wait3A_88 = tpu.memref_squeeze %dma_wait3A_87 : memref<1x1x!tpu.dma_semaphore, #tpu.memory_space<semaphore_mem>> -> memref<!tpu.dma_semaphore, #tpu.memory_space<semaphore_mem>>
    %dma_wait3A_89 = arith.constant 448 : i32
    %dma_wait3A_90 = arith.constant 0 : i32
    %dma_wait3A_91 = tpu.memref_slice %arg9[%rem3A_7, %dma_wait3A_89, %dma_wait3A_90] : memref<2x1024x2048xf32, #tpu.memory_space<vmem>> -> memref<1x64x2048xf32, #tpu.memory_space<vmem>>
    %dma_wait3A_92 = tpu.memref_squeeze %dma_wait3A_91 : memref<1x64x2048xf32, #tpu.memory_space<vmem>> -> memref<64x2048xf32, #tpu.memory_space<vmem>>
    %dma_wait3A_93 = arith.constant 448 : i32
    %dma_wait3A_94 = arith.constant 0 : i32
    %dma_wait3A_95 = tpu.memref_slice %arg3[%arg0, %dma_wait3A_93, %dma_wait3A_94] : memref<8x1024x2048xf32, #tpu.memory_space<any>> -> memref<1x64x2048xf32, #tpu.memory_space<any>>
    %dma_wait3A_96 = tpu.memref_squeeze %dma_wait3A_95 : memref<1x64x2048xf32, #tpu.memory_space<any>> -> memref<64x2048xf32, #tpu.memory_space<any>>
    tpu.wait_dma2 semaphore(%dma_wait3A_88 : memref<!tpu.dma_semaphore, #tpu.memory_space<semaphore_mem>>) src(%dma_wait3A_96 : memref<64x2048xf32, #tpu.memory_space<any>>) dst(%dma_wait3A_92 : memref<64x2048xf32, #tpu.memory_space<vmem>>)
    %dma_wait3A_97 = arith.constant 8 : i32
    %dma_wait3A_98 = tpu.memref_slice %arg13[%rem3A_7, %dma_wait3A_97] : memref<2x16x!tpu.dma_semaphore, #tpu.memory_space<semaphore_mem>> -> memref<1x1x!tpu.dma_semaphore, #tpu.memory_space<semaphore_mem>>
    %dma_wait3A_99 = tpu.memref_squeeze %dma_wait3A_98 : memref<1x1x!tpu.dma_semaphore, #tpu.memory_space<semaphore_mem>> -> memref<!tpu.dma_semaphore, #tpu.memory_space<semaphore_mem>>
    %dma_wait3A_100 = arith.constant 512 : i32
    %dma_wait3A_101 = arith.constant 0 : i32
    %dma_wait3A_102 = tpu.memref_slice %arg9[%rem3A_7, %dma_wait3A_100, %dma_wait3A_101] : memref<2x1024x2048xf32, #tpu.memory_space<vmem>> -> memref<1x64x2048xf32, #tpu.memory_space<vmem>>
    %dma_wait3A_103 = tpu.memref_squeeze %dma_wait3A_102 : memref<1x64x2048xf32, #tpu.memory_space<vmem>> -> memref<64x2048xf32, #tpu.memory_space<vmem>>
    %dma_wait3A_104 = arith.constant 512 : i32
    %dma_wait3A_105 = arith.constant 0 : i32
    %dma_wait3A_106 = tpu.memref_slice %arg3[%arg0, %dma_wait3A_104, %dma_wait3A_105] : memref<8x1024x2048xf32, #tpu.memory_space<any>> -> memref<1x64x2048xf32, #tpu.memory_space<any>>
    %dma_wait3A_107 = tpu.memref_squeeze %dma_wait3A_106 : memref<1x64x2048xf32, #tpu.memory_space<any>> -> memref<64x2048xf32, #tpu.memory_space<any>>
    tpu.wait_dma2 semaphore(%dma_wait3A_99 : memref<!tpu.dma_semaphore, #tpu.memory_space<semaphore_mem>>) src(%dma_wait3A_107 : memref<64x2048xf32, #tpu.memory_space<any>>) dst(%dma_wait3A_103 : memref<64x2048xf32, #tpu.memory_space<vmem>>)
    %dma_wait3A_108 = arith.constant 9 : i32
    %dma_wait3A_109 = tpu.memref_slice %arg13[%rem3A_7, %dma_wait3A_108] : memref<2x16x!tpu.dma_semaphore, #tpu.memory_space<semaphore_mem>> -> memref<1x1x!tpu.dma_semaphore, #tpu.memory_space<semaphore_mem>>
    %dma_wait3A_110 = tpu.memref_squeeze %dma_wait3A_109 : memref<1x1x!tpu.dma_semaphore, #tpu.memory_space<semaphore_mem>> -> memref<!tpu.dma_semaphore, #tpu.memory_space<semaphore_mem>>
    %dma_wait3A_111 = arith.constant 576 : i32
    %dma_wait3A_112 = arith.constant 0 : i32
    %dma_wait3A_113 = tpu.memref_slice %arg9[%rem3A_7, %dma_wait3A_111, %dma_wait3A_112] : memref<2x1024x2048xf32, #tpu.memory_space<vmem>> -> memref<1x64x2048xf32, #tpu.memory_space<vmem>>
    %dma_wait3A_114 = tpu.memref_squeeze %dma_wait3A_113 : memref<1x64x2048xf32, #tpu.memory_space<vmem>> -> memref<64x2048xf32, #tpu.memory_space<vmem>>
    %dma_wait3A_115 = arith.constant 576 : i32
    %dma_wait3A_116 = arith.constant 0 : i32
    %dma_wait3A_117 = tpu.memref_slice %arg3[%arg0, %dma_wait3A_115, %dma_wait3A_116] : memref<8x1024x2048xf32, #tpu.memory_space<any>> -> memref<1x64x2048xf32, #tpu.memory_space<any>>
    %dma_wait3A_118 = tpu.memref_squeeze %dma_wait3A_117 : memref<1x64x2048xf32, #tpu.memory_space<any>> -> memref<64x2048xf32, #tpu.memory_space<any>>
    tpu.wait_dma2 semaphore(%dma_wait3A_110 : memref<!tpu.dma_semaphore, #tpu.memory_space<semaphore_mem>>) src(%dma_wait3A_118 : memref<64x2048xf32, #tpu.memory_space<any>>) dst(%dma_wait3A_114 : memref<64x2048xf32, #tpu.memory_space<vmem>>)
    %dma_wait3A_119 = arith.constant 10 : i32
    %dma_wait3A_120 = tpu.memref_slice %arg13[%rem3A_7, %dma_wait3A_119] : memref<2x16x!tpu.dma_semaphore, #tpu.memory_space<semaphore_mem>> -> memref<1x1x!tpu.dma_semaphore, #tpu.memory_space<semaphore_mem>>
    %dma_wait3A_121 = tpu.memref_squeeze %dma_wait3A_120 : memref<1x1x!tpu.dma_semaphore, #tpu.memory_space<semaphore_mem>> -> memref<!tpu.dma_semaphore, #tpu.memory_space<semaphore_mem>>
    %dma_wait3A_122 = arith.constant 640 : i32
    %dma_wait3A_123 = arith.constant 0 : i32
    %dma_wait3A_124 = tpu.memref_slice %arg9[%rem3A_7, %dma_wait3A_122, %dma_wait3A_123] : memref<2x1024x2048xf32, #tpu.memory_space<vmem>> -> memref<1x64x2048xf32, #tpu.memory_space<vmem>>
    %dma_wait3A_125 = tpu.memref_squeeze %dma_wait3A_124 : memref<1x64x2048xf32, #tpu.memory_space<vmem>> -> memref<64x2048xf32, #tpu.memory_space<vmem>>
    %dma_wait3A_126 = arith.constant 640 : i32
    %dma_wait3A_127 = arith.constant 0 : i32
    %dma_wait3A_128 = tpu.memref_slice %arg3[%arg0, %dma_wait3A_126, %dma_wait3A_127] : memref<8x1024x2048xf32, #tpu.memory_space<any>> -> memref<1x64x2048xf32, #tpu.memory_space<any>>
    %dma_wait3A_129 = tpu.memref_squeeze %dma_wait3A_128 : memref<1x64x2048xf32, #tpu.memory_space<any>> -> memref<64x2048xf32, #tpu.memory_space<any>>
    tpu.wait_dma2 semaphore(%dma_wait3A_121 : memref<!tpu.dma_semaphore, #tpu.memory_space<semaphore_mem>>) src(%dma_wait3A_129 : memref<64x2048xf32, #tpu.memory_space<any>>) dst(%dma_wait3A_125 : memref<64x2048xf32, #tpu.memory_space<vmem>>)
    %dma_wait3A_130 = arith.constant 11 : i32
    %dma_wait3A_131 = tpu.memref_slice %arg13[%rem3A_7, %dma_wait3A_130] : memref<2x16x!tpu.dma_semaphore, #tpu.memory_space<semaphore_mem>> -> memref<1x1x!tpu.dma_semaphore, #tpu.memory_space<semaphore_mem>>
    %dma_wait3A_132 = tpu.memref_squeeze %dma_wait3A_131 : memref<1x1x!tpu.dma_semaphore, #tpu.memory_space<semaphore_mem>> -> memref<!tpu.dma_semaphore, #tpu.memory_space<semaphore_mem>>
    %dma_wait3A_133 = arith.constant 704 : i32
    %dma_wait3A_134 = arith.constant 0 : i32
    %dma_wait3A_135 = tpu.memref_slice %arg9[%rem3A_7, %dma_wait3A_133, %dma_wait3A_134] : memref<2x1024x2048xf32, #tpu.memory_space<vmem>> -> memref<1x64x2048xf32, #tpu.memory_space<vmem>>
    %dma_wait3A_136 = tpu.memref_squeeze %dma_wait3A_135 : memref<1x64x2048xf32, #tpu.memory_space<vmem>> -> memref<64x2048xf32, #tpu.memory_space<vmem>>
    %dma_wait3A_137 = arith.constant 704 : i32
    %dma_wait3A_138 = arith.constant 0 : i32
    %dma_wait3A_139 = tpu.memref_slice %arg3[%arg0, %dma_wait3A_137, %dma_wait3A_138] : memref<8x1024x2048xf32, #tpu.memory_space<any>> -> memref<1x64x2048xf32, #tpu.memory_space<any>>
    %dma_wait3A_140 = tpu.memref_squeeze %dma_wait3A_139 : memref<1x64x2048xf32, #tpu.memory_space<any>> -> memref<64x2048xf32, #tpu.memory_space<any>>
    tpu.wait_dma2 semaphore(%dma_wait3A_132 : memref<!tpu.dma_semaphore, #tpu.memory_space<semaphore_mem>>) src(%dma_wait3A_140 : memref<64x2048xf32, #tpu.memory_space<any>>) dst(%dma_wait3A_136 : memref<64x2048xf32, #tpu.memory_space<vmem>>)
    %dma_wait3A_141 = arith.constant 12 : i32
    %dma_wait3A_142 = tpu.memref_slice %arg13[%rem3A_7, %dma_wait3A_141] : memref<2x16x!tpu.dma_semaphore, #tpu.memory_space<semaphore_mem>> -> memref<1x1x!tpu.dma_semaphore, #tpu.memory_space<semaphore_mem>>
    %dma_wait3A_143 = tpu.memref_squeeze %dma_wait3A_142 : memref<1x1x!tpu.dma_semaphore, #tpu.memory_space<semaphore_mem>> -> memref<!tpu.dma_semaphore, #tpu.memory_space<semaphore_mem>>
    %dma_wait3A_144 = arith.constant 768 : i32
    %dma_wait3A_145 = arith.constant 0 : i32
    %dma_wait3A_146 = tpu.memref_slice %arg9[%rem3A_7, %dma_wait3A_144, %dma_wait3A_145] : memref<2x1024x2048xf32, #tpu.memory_space<vmem>> -> memref<1x64x2048xf32, #tpu.memory_space<vmem>>
    %dma_wait3A_147 = tpu.memref_squeeze %dma_wait3A_146 : memref<1x64x2048xf32, #tpu.memory_space<vmem>> -> memref<64x2048xf32, #tpu.memory_space<vmem>>
    %dma_wait3A_148 = arith.constant 768 : i32
    %dma_wait3A_149 = arith.constant 0 : i32
    %dma_wait3A_150 = tpu.memref_slice %arg3[%arg0, %dma_wait3A_148, %dma_wait3A_149] : memref<8x1024x2048xf32, #tpu.memory_space<any>> -> memref<1x64x2048xf32, #tpu.memory_space<any>>
    %dma_wait3A_151 = tpu.memref_squeeze %dma_wait3A_150 : memref<1x64x2048xf32, #tpu.memory_space<any>> -> memref<64x2048xf32, #tpu.memory_space<any>>
    tpu.wait_dma2 semaphore(%dma_wait3A_143 : memref<!tpu.dma_semaphore, #tpu.memory_space<semaphore_mem>>) src(%dma_wait3A_151 : memref<64x2048xf32, #tpu.memory_space<any>>) dst(%dma_wait3A_147 : memref<64x2048xf32, #tpu.memory_space<vmem>>)
    %dma_wait3A_152 = arith.constant 13 : i32
    %dma_wait3A_153 = tpu.memref_slice %arg13[%rem3A_7, %dma_wait3A_152] : memref<2x16x!tpu.dma_semaphore, #tpu.memory_space<semaphore_mem>> -> memref<1x1x!tpu.dma_semaphore, #tpu.memory_space<semaphore_mem>>
    %dma_wait3A_154 = tpu.memref_squeeze %dma_wait3A_153 : memref<1x1x!tpu.dma_semaphore, #tpu.memory_space<semaphore_mem>> -> memref<!tpu.dma_semaphore, #tpu.memory_space<semaphore_mem>>
    %dma_wait3A_155 = arith.constant 832 : i32
    %dma_wait3A_156 = arith.constant 0 : i32
    %dma_wait3A_157 = tpu.memref_slice %arg9[%rem3A_7, %dma_wait3A_155, %dma_wait3A_156] : memref<2x1024x2048xf32, #tpu.memory_space<vmem>> -> memref<1x64x2048xf32, #tpu.memory_space<vmem>>
    %dma_wait3A_158 = tpu.memref_squeeze %dma_wait3A_157 : memref<1x64x2048xf32, #tpu.memory_space<vmem>> -> memref<64x2048xf32, #tpu.memory_space<vmem>>
    %dma_wait3A_159 = arith.constant 832 : i32
    %dma_wait3A_160 = arith.constant 0 : i32
    %dma_wait3A_161 = tpu.memref_slice %arg3[%arg0, %dma_wait3A_159, %dma_wait3A_160] : memref<8x1024x2048xf32, #tpu.memory_space<any>> -> memref<1x64x2048xf32, #tpu.memory_space<any>>
    %dma_wait3A_162 = tpu.memref_squeeze %dma_wait3A_161 : memref<1x64x2048xf32, #tpu.memory_space<any>> -> memref<64x2048xf32, #tpu.memory_space<any>>
    tpu.wait_dma2 semaphore(%dma_wait3A_154 : memref<!tpu.dma_semaphore, #tpu.memory_space<semaphore_mem>>) src(%dma_wait3A_162 : memref<64x2048xf32, #tpu.memory_space<any>>) dst(%dma_wait3A_158 : memref<64x2048xf32, #tpu.memory_space<vmem>>)
    %dma_wait3A_163 = arith.constant 14 : i32
    %dma_wait3A_164 = tpu.memref_slice %arg13[%rem3A_7, %dma_wait3A_163] : memref<2x16x!tpu.dma_semaphore, #tpu.memory_space<semaphore_mem>> -> memref<1x1x!tpu.dma_semaphore, #tpu.memory_space<semaphore_mem>>
    %dma_wait3A_165 = tpu.memref_squeeze %dma_wait3A_164 : memref<1x1x!tpu.dma_semaphore, #tpu.memory_space<semaphore_mem>> -> memref<!tpu.dma_semaphore, #tpu.memory_space<semaphore_mem>>
    %dma_wait3A_166 = arith.constant 896 : i32
    %dma_wait3A_167 = arith.constant 0 : i32
    %dma_wait3A_168 = tpu.memref_slice %arg9[%rem3A_7, %dma_wait3A_166, %dma_wait3A_167] : memref<2x1024x2048xf32, #tpu.memory_space<vmem>> -> memref<1x64x2048xf32, #tpu.memory_space<vmem>>
    %dma_wait3A_169 = tpu.memref_squeeze %dma_wait3A_168 : memref<1x64x2048xf32, #tpu.memory_space<vmem>> -> memref<64x2048xf32, #tpu.memory_space<vmem>>
    %dma_wait3A_170 = arith.constant 896 : i32
    %dma_wait3A_171 = arith.constant 0 : i32
    %dma_wait3A_172 = tpu.memref_slice %arg3[%arg0, %dma_wait3A_170, %dma_wait3A_171] : memref<8x1024x2048xf32, #tpu.memory_space<any>> -> memref<1x64x2048xf32, #tpu.memory_space<any>>
    %dma_wait3A_173 = tpu.memref_squeeze %dma_wait3A_172 : memref<1x64x2048xf32, #tpu.memory_space<any>> -> memref<64x2048xf32, #tpu.memory_space<any>>
    tpu.wait_dma2 semaphore(%dma_wait3A_165 : memref<!tpu.dma_semaphore, #tpu.memory_space<semaphore_mem>>) src(%dma_wait3A_173 : memref<64x2048xf32, #tpu.memory_space<any>>) dst(%dma_wait3A_169 : memref<64x2048xf32, #tpu.memory_space<vmem>>)
    %dma_wait3A_174 = arith.constant 15 : i32
    %dma_wait3A_175 = tpu.memref_slice %arg13[%rem3A_7, %dma_wait3A_174] : memref<2x16x!tpu.dma_semaphore, #tpu.memory_space<semaphore_mem>> -> memref<1x1x!tpu.dma_semaphore, #tpu.memory_space<semaphore_mem>>
    %dma_wait3A_176 = tpu.memref_squeeze %dma_wait3A_175 : memref<1x1x!tpu.dma_semaphore, #tpu.memory_space<semaphore_mem>> -> memref<!tpu.dma_semaphore, #tpu.memory_space<semaphore_mem>>
    %dma_wait3A_177 = arith.constant 960 : i32
    %dma_wait3A_178 = arith.constant 0 : i32
    %dma_wait3A_179 = tpu.memref_slice %arg9[%rem3A_7, %dma_wait3A_177, %dma_wait3A_178] : memref<2x1024x2048xf32, #tpu.memory_space<vmem>> -> memref<1x64x2048xf32, #tpu.memory_space<vmem>>
    %dma_wait3A_180 = tpu.memref_squeeze %dma_wait3A_179 : memref<1x64x2048xf32, #tpu.memory_space<vmem>> -> memref<64x2048xf32, #tpu.memory_space<vmem>>
    %dma_wait3A_181 = arith.constant 960 : i32
    %dma_wait3A_182 = arith.constant 0 : i32
    %dma_wait3A_183 = tpu.memref_slice %arg3[%arg0, %dma_wait3A_181, %dma_wait3A_182] : memref<8x1024x2048xf32, #tpu.memory_space<any>> -> memref<1x64x2048xf32, #tpu.memory_space<any>>
    %dma_wait3A_184 = tpu.memref_squeeze %dma_wait3A_183 : memref<1x64x2048xf32, #tpu.memory_space<any>> -> memref<64x2048xf32, #tpu.memory_space<any>>
    tpu.wait_dma2 semaphore(%dma_wait3A_176 : memref<!tpu.dma_semaphore, #tpu.memory_space<semaphore_mem>>) src(%dma_wait3A_184 : memref<64x2048xf32, #tpu.memory_space<any>>) dst(%dma_wait3A_180 : memref<64x2048xf32, #tpu.memory_space<vmem>>)
    %add3A_185 = arith.constant 1 : i32
    %add3A_186 = arith.addi %arg0, %add3A_185 : i32
    %lt3A = arith.constant 8 : i32
    %lt3A_187 = arith.cmpi slt, %add3A_186, %lt3A : i32
    %convert_element_type3A_188 = arith.extui %lt3A_187 : i1 to i32
    %cond3A_189 = arith.constant 0 : i32
    %cond3A_190 = arith.cmpi ne, %convert_element_type3A_188, %cond3A_189 : i32
    scf.if %cond3A_190 {
      %add3A_221 = arith.constant 1 : i32
      %add3A_222 = arith.addi %arg0, %add3A_221 : i32
      %sub3A_223 = arith.constant 1 : i32
      %sub3A_224 = arith.subi %sub3A_223, %rem3A_7 : i32
      %dma_start3A = arith.constant 0 : i32
      %dma_start3A_225 = tpu.memref_slice %arg13[%sub3A_224, %dma_start3A] : memref<2x16x!tpu.dma_semaphore, #tpu.memory_space<semaphore_mem>> -> memref<1x1x!tpu.dma_semaphore, #tpu.memory_space<semaphore_mem>>
      %dma_start3A_226 = tpu.memref_squeeze %dma_start3A_225 : memref<1x1x!tpu.dma_semaphore, #tpu.memory_space<semaphore_mem>> -> memref<!tpu.dma_semaphore, #tpu.memory_space<semaphore_mem>>
      %dma_start3A_227 = arith.constant 0 : i32
      %dma_start3A_228 = arith.constant 0 : i32
      %dma_start3A_229 = tpu.memref_slice %arg9[%sub3A_224, %dma_start3A_227, %dma_start3A_228] : memref<2x1024x2048xf32, #tpu.memory_space<vmem>> -> memref<1x64x2048xf32, #tpu.memory_space<vmem>>
      %dma_start3A_230 = tpu.memref_squeeze %dma_start3A_229 : memref<1x64x2048xf32, #tpu.memory_space<vmem>> -> memref<64x2048xf32, #tpu.memory_space<vmem>>
      %dma_start3A_231 = arith.constant 0 : i32
      %dma_start3A_232 = arith.constant 0 : i32
      %dma_start3A_233 = tpu.memref_slice %arg3[%add3A_222, %dma_start3A_231, %dma_start3A_232] : memref<8x1024x2048xf32, #tpu.memory_space<any>> -> memref<1x64x2048xf32, #tpu.memory_space<any>>
      %dma_start3A_234 = tpu.memref_squeeze %dma_start3A_233 : memref<1x64x2048xf32, #tpu.memory_space<any>> -> memref<64x2048xf32, #tpu.memory_space<any>>
      tpu.enqueue_dma source(%dma_start3A_234 : memref<64x2048xf32, #tpu.memory_space<any>>) target(%dma_start3A_230 : memref<64x2048xf32, #tpu.memory_space<vmem>>) target_semaphore(%dma_start3A_226 : memref<!tpu.dma_semaphore, #tpu.memory_space<semaphore_mem>>)
      %add3A_235 = arith.constant 1 : i32
      %add3A_236 = arith.addi %arg0, %add3A_235 : i32
      %sub3A_237 = arith.constant 1 : i32
      %sub3A_238 = arith.subi %sub3A_237, %rem3A_7 : i32
      %dma_start3A_239 = arith.constant 1 : i32
      %dma_start3A_240 = tpu.memref_slice %arg13[%sub3A_238, %dma_start3A_239] : memref<2x16x!tpu.dma_semaphore, #tpu.memory_space<semaphore_mem>> -> memref<1x1x!tpu.dma_semaphore, #tpu.memory_space<semaphore_mem>>
      %dma_start3A_241 = tpu.memref_squeeze %dma_start3A_240 : memref<1x1x!tpu.dma_semaphore, #tpu.memory_space<semaphore_mem>> -> memref<!tpu.dma_semaphore, #tpu.memory_space<semaphore_mem>>
      %dma_start3A_242 = arith.constant 64 : i32
      %dma_start3A_243 = arith.constant 0 : i32
      %dma_start3A_244 = tpu.memref_slice %arg9[%sub3A_238, %dma_start3A_242, %dma_start3A_243] : memref<2x1024x2048xf32, #tpu.memory_space<vmem>> -> memref<1x64x2048xf32, #tpu.memory_space<vmem>>
      %dma_start3A_245 = tpu.memref_squeeze %dma_start3A_244 : memref<1x64x2048xf32, #tpu.memory_space<vmem>> -> memref<64x2048xf32, #tpu.memory_space<vmem>>
      %dma_start3A_246 = arith.constant 64 : i32
      %dma_start3A_247 = arith.constant 0 : i32
      %dma_start3A_248 = tpu.memref_slice %arg3[%add3A_236, %dma_start3A_246, %dma_start3A_247] : memref<8x1024x2048xf32, #tpu.memory_space<any>> -> memref<1x64x2048xf32, #tpu.memory_space<any>>
      %dma_start3A_249 = tpu.memref_squeeze %dma_start3A_248 : memref<1x64x2048xf32, #tpu.memory_space<any>> -> memref<64x2048xf32, #tpu.memory_space<any>>
      tpu.enqueue_dma source(%dma_start3A_249 : memref<64x2048xf32, #tpu.memory_space<any>>) target(%dma_start3A_245 : memref<64x2048xf32, #tpu.memory_space<vmem>>) target_semaphore(%dma_start3A_241 : memref<!tpu.dma_semaphore, #tpu.memory_space<semaphore_mem>>)
      %add3A_250 = arith.constant 1 : i32
      %add3A_251 = arith.addi %arg0, %add3A_250 : i32
      %sub3A_252 = arith.constant 1 : i32
      %sub3A_253 = arith.subi %sub3A_252, %rem3A_7 : i32
      %dma_start3A_254 = arith.constant 2 : i32
      %dma_start3A_255 = tpu.memref_slice %arg13[%sub3A_253, %dma_start3A_254] : memref<2x16x!tpu.dma_semaphore, #tpu.memory_space<semaphore_mem>> -> memref<1x1x!tpu.dma_semaphore, #tpu.memory_space<semaphore_mem>>
      %dma_start3A_256 = tpu.memref_squeeze %dma_start3A_255 : memref<1x1x!tpu.dma_semaphore, #tpu.memory_space<semaphore_mem>> -> memref<!tpu.dma_semaphore, #tpu.memory_space<semaphore_mem>>
      %dma_start3A_257 = arith.constant 128 : i32
      %dma_start3A_258 = arith.constant 0 : i32
      %dma_start3A_259 = tpu.memref_slice %arg9[%sub3A_253, %dma_start3A_257, %dma_start3A_258] : memref<2x1024x2048xf32, #tpu.memory_space<vmem>> -> memref<1x64x2048xf32, #tpu.memory_space<vmem>>
      %dma_start3A_260 = tpu.memref_squeeze %dma_start3A_259 : memref<1x64x2048xf32, #tpu.memory_space<vmem>> -> memref<64x2048xf32, #tpu.memory_space<vmem>>
      %dma_start3A_261 = arith.constant 128 : i32
      %dma_start3A_262 = arith.constant 0 : i32
      %dma_start3A_263 = tpu.memref_slice %arg3[%add3A_251, %dma_start3A_261, %dma_start3A_262] : memref<8x1024x2048xf32, #tpu.memory_space<any>> -> memref<1x64x2048xf32, #tpu.memory_space<any>>
      %dma_start3A_264 = tpu.memref_squeeze %dma_start3A_263 : memref<1x64x2048xf32, #tpu.memory_space<any>> -> memref<64x2048xf32, #tpu.memory_space<any>>
      tpu.enqueue_dma source(%dma_start3A_264 : memref<64x2048xf32, #tpu.memory_space<any>>) target(%dma_start3A_260 : memref<64x2048xf32, #tpu.memory_space<vmem>>) target_semaphore(%dma_start3A_256 : memref<!tpu.dma_semaphore, #tpu.memory_space<semaphore_mem>>)
      %add3A_265 = arith.constant 1 : i32
      %add3A_266 = arith.addi %arg0, %add3A_265 : i32
      %sub3A_267 = arith.constant 1 : i32
      %sub3A_268 = arith.subi %sub3A_267, %rem3A_7 : i32
      %dma_start3A_269 = arith.constant 3 : i32
      %dma_start3A_270 = tpu.memref_slice %arg13[%sub3A_268, %dma_start3A_269] : memref<2x16x!tpu.dma_semaphore, #tpu.memory_space<semaphore_mem>> -> memref<1x1x!tpu.dma_semaphore, #tpu.memory_space<semaphore_mem>>
      %dma_start3A_271 = tpu.memref_squeeze %dma_start3A_270 : memref<1x1x!tpu.dma_semaphore, #tpu.memory_space<semaphore_mem>> -> memref<!tpu.dma_semaphore, #tpu.memory_space<semaphore_mem>>
      %dma_start3A_272 = arith.constant 192 : i32
      %dma_start3A_273 = arith.constant 0 : i32
      %dma_start3A_274 = tpu.memref_slice %arg9[%sub3A_268, %dma_start3A_272, %dma_start3A_273] : memref<2x1024x2048xf32, #tpu.memory_space<vmem>> -> memref<1x64x2048xf32, #tpu.memory_space<vmem>>
      %dma_start3A_275 = tpu.memref_squeeze %dma_start3A_274 : memref<1x64x2048xf32, #tpu.memory_space<vmem>> -> memref<64x2048xf32, #tpu.memory_space<vmem>>
      %dma_start3A_276 = arith.constant 192 : i32
      %dma_start3A_277 = arith.constant 0 : i32
      %dma_start3A_278 = tpu.memref_slice %arg3[%add3A_266, %dma_start3A_276, %dma_start3A_277] : memref<8x1024x2048xf32, #tpu.memory_space<any>> -> memref<1x64x2048xf32, #tpu.memory_space<any>>
      %dma_start3A_279 = tpu.memref_squeeze %dma_start3A_278 : memref<1x64x2048xf32, #tpu.memory_space<any>> -> memref<64x2048xf32, #tpu.memory_space<any>>
      tpu.enqueue_dma source(%dma_start3A_279 : memref<64x2048xf32, #tpu.memory_space<any>>) target(%dma_start3A_275 : memref<64x2048xf32, #tpu.memory_space<vmem>>) target_semaphore(%dma_start3A_271 : memref<!tpu.dma_semaphore, #tpu.memory_space<semaphore_mem>>)
      %add3A_280 = arith.constant 1 : i32
      %add3A_281 = arith.addi %arg0, %add3A_280 : i32
      %sub3A_282 = arith.constant 1 : i32
      %sub3A_283 = arith.subi %sub3A_282, %rem3A_7 : i32
      %dma_start3A_284 = arith.constant 4 : i32
      %dma_start3A_285 = tpu.memref_slice %arg13[%sub3A_283, %dma_start3A_284] : memref<2x16x!tpu.dma_semaphore, #tpu.memory_space<semaphore_mem>> -> memref<1x1x!tpu.dma_semaphore, #tpu.memory_space<semaphore_mem>>
      %dma_start3A_286 = tpu.memref_squeeze %dma_start3A_285 : memref<1x1x!tpu.dma_semaphore, #tpu.memory_space<semaphore_mem>> -> memref<!tpu.dma_semaphore, #tpu.memory_space<semaphore_mem>>
      %dma_start3A_287 = arith.constant 256 : i32
      %dma_start3A_288 = arith.constant 0 : i32
      %dma_start3A_289 = tpu.memref_slice %arg9[%sub3A_283, %dma_start3A_287, %dma_start3A_288] : memref<2x1024x2048xf32, #tpu.memory_space<vmem>> -> memref<1x64x2048xf32, #tpu.memory_space<vmem>>
      %dma_start3A_290 = tpu.memref_squeeze %dma_start3A_289 : memref<1x64x2048xf32, #tpu.memory_space<vmem>> -> memref<64x2048xf32, #tpu.memory_space<vmem>>
      %dma_start3A_291 = arith.constant 256 : i32
      %dma_start3A_292 = arith.constant 0 : i32
      %dma_start3A_293 = tpu.memref_slice %arg3[%add3A_281, %dma_start3A_291, %dma_start3A_292] : memref<8x1024x2048xf32, #tpu.memory_space<any>> -> memref<1x64x2048xf32, #tpu.memory_space<any>>
      %dma_start3A_294 = tpu.memref_squeeze %dma_start3A_293 : memref<1x64x2048xf32, #tpu.memory_space<any>> -> memref<64x2048xf32, #tpu.memory_space<any>>
      tpu.enqueue_dma source(%dma_start3A_294 : memref<64x2048xf32, #tpu.memory_space<any>>) target(%dma_start3A_290 : memref<64x2048xf32, #tpu.memory_space<vmem>>) target_semaphore(%dma_start3A_286 : memref<!tpu.dma_semaphore, #tpu.memory_space<semaphore_mem>>)
      %add3A_295 = arith.constant 1 : i32
      %add3A_296 = arith.addi %arg0, %add3A_295 : i32
      %sub3A_297 = arith.constant 1 : i32
      %sub3A_298 = arith.subi %sub3A_297, %rem3A_7 : i32
      %dma_start3A_299 = arith.constant 5 : i32
      %dma_start3A_300 = tpu.memref_slice %arg13[%sub3A_298, %dma_start3A_299] : memref<2x16x!tpu.dma_semaphore, #tpu.memory_space<semaphore_mem>> -> memref<1x1x!tpu.dma_semaphore, #tpu.memory_space<semaphore_mem>>
      %dma_start3A_301 = tpu.memref_squeeze %dma_start3A_300 : memref<1x1x!tpu.dma_semaphore, #tpu.memory_space<semaphore_mem>> -> memref<!tpu.dma_semaphore, #tpu.memory_space<semaphore_mem>>
      %dma_start3A_302 = arith.constant 320 : i32
      %dma_start3A_303 = arith.constant 0 : i32
      %dma_start3A_304 = tpu.memref_slice %arg9[%sub3A_298, %dma_start3A_302, %dma_start3A_303] : memref<2x1024x2048xf32, #tpu.memory_space<vmem>> -> memref<1x64x2048xf32, #tpu.memory_space<vmem>>
      %dma_start3A_305 = tpu.memref_squeeze %dma_start3A_304 : memref<1x64x2048xf32, #tpu.memory_space<vmem>> -> memref<64x2048xf32, #tpu.memory_space<vmem>>
      %dma_start3A_306 = arith.constant 320 : i32
      %dma_start3A_307 = arith.constant 0 : i32
      %dma_start3A_308 = tpu.memref_slice %arg3[%add3A_296, %dma_start3A_306, %dma_start3A_307] : memref<8x1024x2048xf32, #tpu.memory_space<any>> -> memref<1x64x2048xf32, #tpu.memory_space<any>>
      %dma_start3A_309 = tpu.memref_squeeze %dma_start3A_308 : memref<1x64x2048xf32, #tpu.memory_space<any>> -> memref<64x2048xf32, #tpu.memory_space<any>>
      tpu.enqueue_dma source(%dma_start3A_309 : memref<64x2048xf32, #tpu.memory_space<any>>) target(%dma_start3A_305 : memref<64x2048xf32, #tpu.memory_space<vmem>>) target_semaphore(%dma_start3A_301 : memref<!tpu.dma_semaphore, #tpu.memory_space<semaphore_mem>>)
      %add3A_310 = arith.constant 1 : i32
      %add3A_311 = arith.addi %arg0, %add3A_310 : i32
      %sub3A_312 = arith.constant 1 : i32
      %sub3A_313 = arith.subi %sub3A_312, %rem3A_7 : i32
      %dma_start3A_314 = arith.constant 6 : i32
      %dma_start3A_315 = tpu.memref_slice %arg13[%sub3A_313, %dma_start3A_314] : memref<2x16x!tpu.dma_semaphore, #tpu.memory_space<semaphore_mem>> -> memref<1x1x!tpu.dma_semaphore, #tpu.memory_space<semaphore_mem>>
      %dma_start3A_316 = tpu.memref_squeeze %dma_start3A_315 : memref<1x1x!tpu.dma_semaphore, #tpu.memory_space<semaphore_mem>> -> memref<!tpu.dma_semaphore, #tpu.memory_space<semaphore_mem>>
      %dma_start3A_317 = arith.constant 384 : i32
      %dma_start3A_318 = arith.constant 0 : i32
      %dma_start3A_319 = tpu.memref_slice %arg9[%sub3A_313, %dma_start3A_317, %dma_start3A_318] : memref<2x1024x2048xf32, #tpu.memory_space<vmem>> -> memref<1x64x2048xf32, #tpu.memory_space<vmem>>
      %dma_start3A_320 = tpu.memref_squeeze %dma_start3A_319 : memref<1x64x2048xf32, #tpu.memory_space<vmem>> -> memref<64x2048xf32, #tpu.memory_space<vmem>>
      %dma_start3A_321 = arith.constant 384 : i32
      %dma_start3A_322 = arith.constant 0 : i32
      %dma_start3A_323 = tpu.memref_slice %arg3[%add3A_311, %dma_start3A_321, %dma_start3A_322] : memref<8x1024x2048xf32, #tpu.memory_space<any>> -> memref<1x64x2048xf32, #tpu.memory_space<any>>
      %dma_start3A_324 = tpu.memref_squeeze %dma_start3A_323 : memref<1x64x2048xf32, #tpu.memory_space<any>> -> memref<64x2048xf32, #tpu.memory_space<any>>
      tpu.enqueue_dma source(%dma_start3A_324 : memref<64x2048xf32, #tpu.memory_space<any>>) target(%dma_start3A_320 : memref<64x2048xf32, #tpu.memory_space<vmem>>) target_semaphore(%dma_start3A_316 : memref<!tpu.dma_semaphore, #tpu.memory_space<semaphore_mem>>)
      %add3A_325 = arith.constant 1 : i32
      %add3A_326 = arith.addi %arg0, %add3A_325 : i32
      %sub3A_327 = arith.constant 1 : i32
      %sub3A_328 = arith.subi %sub3A_327, %rem3A_7 : i32
      %dma_start3A_329 = arith.constant 7 : i32
      %dma_start3A_330 = tpu.memref_slice %arg13[%sub3A_328, %dma_start3A_329] : memref<2x16x!tpu.dma_semaphore, #tpu.memory_space<semaphore_mem>> -> memref<1x1x!tpu.dma_semaphore, #tpu.memory_space<semaphore_mem>>
      %dma_start3A_331 = tpu.memref_squeeze %dma_start3A_330 : memref<1x1x!tpu.dma_semaphore, #tpu.memory_space<semaphore_mem>> -> memref<!tpu.dma_semaphore, #tpu.memory_space<semaphore_mem>>
      %dma_start3A_332 = arith.constant 448 : i32
      %dma_start3A_333 = arith.constant 0 : i32
      %dma_start3A_334 = tpu.memref_slice %arg9[%sub3A_328, %dma_start3A_332, %dma_start3A_333] : memref<2x1024x2048xf32, #tpu.memory_space<vmem>> -> memref<1x64x2048xf32, #tpu.memory_space<vmem>>
      %dma_start3A_335 = tpu.memref_squeeze %dma_start3A_334 : memref<1x64x2048xf32, #tpu.memory_space<vmem>> -> memref<64x2048xf32, #tpu.memory_space<vmem>>
      %dma_start3A_336 = arith.constant 448 : i32
      %dma_start3A_337 = arith.constant 0 : i32
      %dma_start3A_338 = tpu.memref_slice %arg3[%add3A_326, %dma_start3A_336, %dma_start3A_337] : memref<8x1024x2048xf32, #tpu.memory_space<any>> -> memref<1x64x2048xf32, #tpu.memory_space<any>>
      %dma_start3A_339 = tpu.memref_squeeze %dma_start3A_338 : memref<1x64x2048xf32, #tpu.memory_space<any>> -> memref<64x2048xf32, #tpu.memory_space<any>>
      tpu.enqueue_dma source(%dma_start3A_339 : memref<64x2048xf32, #tpu.memory_space<any>>) target(%dma_start3A_335 : memref<64x2048xf32, #tpu.memory_space<vmem>>) target_semaphore(%dma_start3A_331 : memref<!tpu.dma_semaphore, #tpu.memory_space<semaphore_mem>>)
      %add3A_340 = arith.constant 1 : i32
      %add3A_341 = arith.addi %arg0, %add3A_340 : i32
      %sub3A_342 = arith.constant 1 : i32
      %sub3A_343 = arith.subi %sub3A_342, %rem3A_7 : i32
      %dma_start3A_344 = arith.constant 8 : i32
      %dma_start3A_345 = tpu.memref_slice %arg13[%sub3A_343, %dma_start3A_344] : memref<2x16x!tpu.dma_semaphore, #tpu.memory_space<semaphore_mem>> -> memref<1x1x!tpu.dma_semaphore, #tpu.memory_space<semaphore_mem>>
      %dma_start3A_346 = tpu.memref_squeeze %dma_start3A_345 : memref<1x1x!tpu.dma_semaphore, #tpu.memory_space<semaphore_mem>> -> memref<!tpu.dma_semaphore, #tpu.memory_space<semaphore_mem>>
      %dma_start3A_347 = arith.constant 512 : i32
      %dma_start3A_348 = arith.constant 0 : i32
      %dma_start3A_349 = tpu.memref_slice %arg9[%sub3A_343, %dma_start3A_347, %dma_start3A_348] : memref<2x1024x2048xf32, #tpu.memory_space<vmem>> -> memref<1x64x2048xf32, #tpu.memory_space<vmem>>
      %dma_start3A_350 = tpu.memref_squeeze %dma_start3A_349 : memref<1x64x2048xf32, #tpu.memory_space<vmem>> -> memref<64x2048xf32, #tpu.memory_space<vmem>>
      %dma_start3A_351 = arith.constant 512 : i32
      %dma_start3A_352 = arith.constant 0 : i32
      %dma_start3A_353 = tpu.memref_slice %arg3[%add3A_341, %dma_start3A_351, %dma_start3A_352] : memref<8x1024x2048xf32, #tpu.memory_space<any>> -> memref<1x64x2048xf32, #tpu.memory_space<any>>
      %dma_start3A_354 = tpu.memref_squeeze %dma_start3A_353 : memref<1x64x2048xf32, #tpu.memory_space<any>> -> memref<64x2048xf32, #tpu.memory_space<any>>
      tpu.enqueue_dma source(%dma_start3A_354 : memref<64x2048xf32, #tpu.memory_space<any>>) target(%dma_start3A_350 : memref<64x2048xf32, #tpu.memory_space<vmem>>) target_semaphore(%dma_start3A_346 : memref<!tpu.dma_semaphore, #tpu.memory_space<semaphore_mem>>)
      %add3A_355 = arith.constant 1 : i32
      %add3A_356 = arith.addi %arg0, %add3A_355 : i32
      %sub3A_357 = arith.constant 1 : i32
      %sub3A_358 = arith.subi %sub3A_357, %rem3A_7 : i32
      %dma_start3A_359 = arith.constant 9 : i32
      %dma_start3A_360 = tpu.memref_slice %arg13[%sub3A_358, %dma_start3A_359] : memref<2x16x!tpu.dma_semaphore, #tpu.memory_space<semaphore_mem>> -> memref<1x1x!tpu.dma_semaphore, #tpu.memory_space<semaphore_mem>>
      %dma_start3A_361 = tpu.memref_squeeze %dma_start3A_360 : memref<1x1x!tpu.dma_semaphore, #tpu.memory_space<semaphore_mem>> -> memref<!tpu.dma_semaphore, #tpu.memory_space<semaphore_mem>>
      %dma_start3A_362 = arith.constant 576 : i32
      %dma_start3A_363 = arith.constant 0 : i32
      %dma_start3A_364 = tpu.memref_slice %arg9[%sub3A_358, %dma_start3A_362, %dma_start3A_363] : memref<2x1024x2048xf32, #tpu.memory_space<vmem>> -> memref<1x64x2048xf32, #tpu.memory_space<vmem>>
      %dma_start3A_365 = tpu.memref_squeeze %dma_start3A_364 : memref<1x64x2048xf32, #tpu.memory_space<vmem>> -> memref<64x2048xf32, #tpu.memory_space<vmem>>
      %dma_start3A_366 = arith.constant 576 : i32
      %dma_start3A_367 = arith.constant 0 : i32
      %dma_start3A_368 = tpu.memref_slice %arg3[%add3A_356, %dma_start3A_366, %dma_start3A_367] : memref<8x1024x2048xf32, #tpu.memory_space<any>> -> memref<1x64x2048xf32, #tpu.memory_space<any>>
      %dma_start3A_369 = tpu.memref_squeeze %dma_start3A_368 : memref<1x64x2048xf32, #tpu.memory_space<any>> -> memref<64x2048xf32, #tpu.memory_space<any>>
      tpu.enqueue_dma source(%dma_start3A_369 : memref<64x2048xf32, #tpu.memory_space<any>>) target(%dma_start3A_365 : memref<64x2048xf32, #tpu.memory_space<vmem>>) target_semaphore(%dma_start3A_361 : memref<!tpu.dma_semaphore, #tpu.memory_space<semaphore_mem>>)
      %add3A_370 = arith.constant 1 : i32
      %add3A_371 = arith.addi %arg0, %add3A_370 : i32
      %sub3A_372 = arith.constant 1 : i32
      %sub3A_373 = arith.subi %sub3A_372, %rem3A_7 : i32
      %dma_start3A_374 = arith.constant 10 : i32
      %dma_start3A_375 = tpu.memref_slice %arg13[%sub3A_373, %dma_start3A_374] : memref<2x16x!tpu.dma_semaphore, #tpu.memory_space<semaphore_mem>> -> memref<1x1x!tpu.dma_semaphore, #tpu.memory_space<semaphore_mem>>
      %dma_start3A_376 = tpu.memref_squeeze %dma_start3A_375 : memref<1x1x!tpu.dma_semaphore, #tpu.memory_space<semaphore_mem>> -> memref<!tpu.dma_semaphore, #tpu.memory_space<semaphore_mem>>
      %dma_start3A_377 = arith.constant 640 : i32
      %dma_start3A_378 = arith.constant 0 : i32
      %dma_start3A_379 = tpu.memref_slice %arg9[%sub3A_373, %dma_start3A_377, %dma_start3A_378] : memref<2x1024x2048xf32, #tpu.memory_space<vmem>> -> memref<1x64x2048xf32, #tpu.memory_space<vmem>>
      %dma_start3A_380 = tpu.memref_squeeze %dma_start3A_379 : memref<1x64x2048xf32, #tpu.memory_space<vmem>> -> memref<64x2048xf32, #tpu.memory_space<vmem>>
      %dma_start3A_381 = arith.constant 640 : i32
      %dma_start3A_382 = arith.constant 0 : i32
      %dma_start3A_383 = tpu.memref_slice %arg3[%add3A_371, %dma_start3A_381, %dma_start3A_382] : memref<8x1024x2048xf32, #tpu.memory_space<any>> -> memref<1x64x2048xf32, #tpu.memory_space<any>>
      %dma_start3A_384 = tpu.memref_squeeze %dma_start3A_383 : memref<1x64x2048xf32, #tpu.memory_space<any>> -> memref<64x2048xf32, #tpu.memory_space<any>>
      tpu.enqueue_dma source(%dma_start3A_384 : memref<64x2048xf32, #tpu.memory_space<any>>) target(%dma_start3A_380 : memref<64x2048xf32, #tpu.memory_space<vmem>>) target_semaphore(%dma_start3A_376 : memref<!tpu.dma_semaphore, #tpu.memory_space<semaphore_mem>>)
      %add3A_385 = arith.constant 1 : i32
      %add3A_386 = arith.addi %arg0, %add3A_385 : i32
      %sub3A_387 = arith.constant 1 : i32
      %sub3A_388 = arith.subi %sub3A_387, %rem3A_7 : i32
      %dma_start3A_389 = arith.constant 11 : i32
      %dma_start3A_390 = tpu.memref_slice %arg13[%sub3A_388, %dma_start3A_389] : memref<2x16x!tpu.dma_semaphore, #tpu.memory_space<semaphore_mem>> -> memref<1x1x!tpu.dma_semaphore, #tpu.memory_space<semaphore_mem>>
      %dma_start3A_391 = tpu.memref_squeeze %dma_start3A_390 : memref<1x1x!tpu.dma_semaphore, #tpu.memory_space<semaphore_mem>> -> memref<!tpu.dma_semaphore, #tpu.memory_space<semaphore_mem>>
      %dma_start3A_392 = arith.constant 704 : i32
      %dma_start3A_393 = arith.constant 0 : i32
      %dma_start3A_394 = tpu.memref_slice %arg9[%sub3A_388, %dma_start3A_392, %dma_start3A_393] : memref<2x1024x2048xf32, #tpu.memory_space<vmem>> -> memref<1x64x2048xf32, #tpu.memory_space<vmem>>
      %dma_start3A_395 = tpu.memref_squeeze %dma_start3A_394 : memref<1x64x2048xf32, #tpu.memory_space<vmem>> -> memref<64x2048xf32, #tpu.memory_space<vmem>>
      %dma_start3A_396 = arith.constant 704 : i32
      %dma_start3A_397 = arith.constant 0 : i32
      %dma_start3A_398 = tpu.memref_slice %arg3[%add3A_386, %dma_start3A_396, %dma_start3A_397] : memref<8x1024x2048xf32, #tpu.memory_space<any>> -> memref<1x64x2048xf32, #tpu.memory_space<any>>
      %dma_start3A_399 = tpu.memref_squeeze %dma_start3A_398 : memref<1x64x2048xf32, #tpu.memory_space<any>> -> memref<64x2048xf32, #tpu.memory_space<any>>
      tpu.enqueue_dma source(%dma_start3A_399 : memref<64x2048xf32, #tpu.memory_space<any>>) target(%dma_start3A_395 : memref<64x2048xf32, #tpu.memory_space<vmem>>) target_semaphore(%dma_start3A_391 : memref<!tpu.dma_semaphore, #tpu.memory_space<semaphore_mem>>)
      %add3A_400 = arith.constant 1 : i32
      %add3A_401 = arith.addi %arg0, %add3A_400 : i32
      %sub3A_402 = arith.constant 1 : i32
      %sub3A_403 = arith.subi %sub3A_402, %rem3A_7 : i32
      %dma_start3A_404 = arith.constant 12 : i32
      %dma_start3A_405 = tpu.memref_slice %arg13[%sub3A_403, %dma_start3A_404] : memref<2x16x!tpu.dma_semaphore, #tpu.memory_space<semaphore_mem>> -> memref<1x1x!tpu.dma_semaphore, #tpu.memory_space<semaphore_mem>>
      %dma_start3A_406 = tpu.memref_squeeze %dma_start3A_405 : memref<1x1x!tpu.dma_semaphore, #tpu.memory_space<semaphore_mem>> -> memref<!tpu.dma_semaphore, #tpu.memory_space<semaphore_mem>>
      %dma_start3A_407 = arith.constant 768 : i32
      %dma_start3A_408 = arith.constant 0 : i32
      %dma_start3A_409 = tpu.memref_slice %arg9[%sub3A_403, %dma_start3A_407, %dma_start3A_408] : memref<2x1024x2048xf32, #tpu.memory_space<vmem>> -> memref<1x64x2048xf32, #tpu.memory_space<vmem>>
      %dma_start3A_410 = tpu.memref_squeeze %dma_start3A_409 : memref<1x64x2048xf32, #tpu.memory_space<vmem>> -> memref<64x2048xf32, #tpu.memory_space<vmem>>
      %dma_start3A_411 = arith.constant 768 : i32
      %dma_start3A_412 = arith.constant 0 : i32
      %dma_start3A_413 = tpu.memref_slice %arg3[%add3A_401, %dma_start3A_411, %dma_start3A_412] : memref<8x1024x2048xf32, #tpu.memory_space<any>> -> memref<1x64x2048xf32, #tpu.memory_space<any>>
      %dma_start3A_414 = tpu.memref_squeeze %dma_start3A_413 : memref<1x64x2048xf32, #tpu.memory_space<any>> -> memref<64x2048xf32, #tpu.memory_space<any>>
      tpu.enqueue_dma source(%dma_start3A_414 : memref<64x2048xf32, #tpu.memory_space<any>>) target(%dma_start3A_410 : memref<64x2048xf32, #tpu.memory_space<vmem>>) target_semaphore(%dma_start3A_406 : memref<!tpu.dma_semaphore, #tpu.memory_space<semaphore_mem>>)
      %add3A_415 = arith.constant 1 : i32
      %add3A_416 = arith.addi %arg0, %add3A_415 : i32
      %sub3A_417 = arith.constant 1 : i32
      %sub3A_418 = arith.subi %sub3A_417, %rem3A_7 : i32
      %dma_start3A_419 = arith.constant 13 : i32
      %dma_start3A_420 = tpu.memref_slice %arg13[%sub3A_418, %dma_start3A_419] : memref<2x16x!tpu.dma_semaphore, #tpu.memory_space<semaphore_mem>> -> memref<1x1x!tpu.dma_semaphore, #tpu.memory_space<semaphore_mem>>
      %dma_start3A_421 = tpu.memref_squeeze %dma_start3A_420 : memref<1x1x!tpu.dma_semaphore, #tpu.memory_space<semaphore_mem>> -> memref<!tpu.dma_semaphore, #tpu.memory_space<semaphore_mem>>
      %dma_start3A_422 = arith.constant 832 : i32
      %dma_start3A_423 = arith.constant 0 : i32
      %dma_start3A_424 = tpu.memref_slice %arg9[%sub3A_418, %dma_start3A_422, %dma_start3A_423] : memref<2x1024x2048xf32, #tpu.memory_space<vmem>> -> memref<1x64x2048xf32, #tpu.memory_space<vmem>>
      %dma_start3A_425 = tpu.memref_squeeze %dma_start3A_424 : memref<1x64x2048xf32, #tpu.memory_space<vmem>> -> memref<64x2048xf32, #tpu.memory_space<vmem>>
      %dma_start3A_426 = arith.constant 832 : i32
      %dma_start3A_427 = arith.constant 0 : i32
      %dma_start3A_428 = tpu.memref_slice %arg3[%add3A_416, %dma_start3A_426, %dma_start3A_427] : memref<8x1024x2048xf32, #tpu.memory_space<any>> -> memref<1x64x2048xf32, #tpu.memory_space<any>>
      %dma_start3A_429 = tpu.memref_squeeze %dma_start3A_428 : memref<1x64x2048xf32, #tpu.memory_space<any>> -> memref<64x2048xf32, #tpu.memory_space<any>>
      tpu.enqueue_dma source(%dma_start3A_429 : memref<64x2048xf32, #tpu.memory_space<any>>) target(%dma_start3A_425 : memref<64x2048xf32, #tpu.memory_space<vmem>>) target_semaphore(%dma_start3A_421 : memref<!tpu.dma_semaphore, #tpu.memory_space<semaphore_mem>>)
      %add3A_430 = arith.constant 1 : i32
      %add3A_431 = arith.addi %arg0, %add3A_430 : i32
      %sub3A_432 = arith.constant 1 : i32
      %sub3A_433 = arith.subi %sub3A_432, %rem3A_7 : i32
      %dma_start3A_434 = arith.constant 14 : i32
      %dma_start3A_435 = tpu.memref_slice %arg13[%sub3A_433, %dma_start3A_434] : memref<2x16x!tpu.dma_semaphore, #tpu.memory_space<semaphore_mem>> -> memref<1x1x!tpu.dma_semaphore, #tpu.memory_space<semaphore_mem>>
      %dma_start3A_436 = tpu.memref_squeeze %dma_start3A_435 : memref<1x1x!tpu.dma_semaphore, #tpu.memory_space<semaphore_mem>> -> memref<!tpu.dma_semaphore, #tpu.memory_space<semaphore_mem>>
      %dma_start3A_437 = arith.constant 896 : i32
      %dma_start3A_438 = arith.constant 0 : i32
      %dma_start3A_439 = tpu.memref_slice %arg9[%sub3A_433, %dma_start3A_437, %dma_start3A_438] : memref<2x1024x2048xf32, #tpu.memory_space<vmem>> -> memref<1x64x2048xf32, #tpu.memory_space<vmem>>
      %dma_start3A_440 = tpu.memref_squeeze %dma_start3A_439 : memref<1x64x2048xf32, #tpu.memory_space<vmem>> -> memref<64x2048xf32, #tpu.memory_space<vmem>>
      %dma_start3A_441 = arith.constant 896 : i32
      %dma_start3A_442 = arith.constant 0 : i32
      %dma_start3A_443 = tpu.memref_slice %arg3[%add3A_431, %dma_start3A_441, %dma_start3A_442] : memref<8x1024x2048xf32, #tpu.memory_space<any>> -> memref<1x64x2048xf32, #tpu.memory_space<any>>
      %dma_start3A_444 = tpu.memref_squeeze %dma_start3A_443 : memref<1x64x2048xf32, #tpu.memory_space<any>> -> memref<64x2048xf32, #tpu.memory_space<any>>
      tpu.enqueue_dma source(%dma_start3A_444 : memref<64x2048xf32, #tpu.memory_space<any>>) target(%dma_start3A_440 : memref<64x2048xf32, #tpu.memory_space<vmem>>) target_semaphore(%dma_start3A_436 : memref<!tpu.dma_semaphore, #tpu.memory_space<semaphore_mem>>)
      %add3A_445 = arith.constant 1 : i32
      %add3A_446 = arith.addi %arg0, %add3A_445 : i32
      %sub3A_447 = arith.constant 1 : i32
      %sub3A_448 = arith.subi %sub3A_447, %rem3A_7 : i32
      %dma_start3A_449 = arith.constant 15 : i32
      %dma_start3A_450 = tpu.memref_slice %arg13[%sub3A_448, %dma_start3A_449] : memref<2x16x!tpu.dma_semaphore, #tpu.memory_space<semaphore_mem>> -> memref<1x1x!tpu.dma_semaphore, #tpu.memory_space<semaphore_mem>>
      %dma_start3A_451 = tpu.memref_squeeze %dma_start3A_450 : memref<1x1x!tpu.dma_semaphore, #tpu.memory_space<semaphore_mem>> -> memref<!tpu.dma_semaphore, #tpu.memory_space<semaphore_mem>>
      %dma_start3A_452 = arith.constant 960 : i32
      %dma_start3A_453 = arith.constant 0 : i32
      %dma_start3A_454 = tpu.memref_slice %arg9[%sub3A_448, %dma_start3A_452, %dma_start3A_453] : memref<2x1024x2048xf32, #tpu.memory_space<vmem>> -> memref<1x64x2048xf32, #tpu.memory_space<vmem>>
      %dma_start3A_455 = tpu.memref_squeeze %dma_start3A_454 : memref<1x64x2048xf32, #tpu.memory_space<vmem>> -> memref<64x2048xf32, #tpu.memory_space<vmem>>
      %dma_start3A_456 = arith.constant 960 : i32
      %dma_start3A_457 = arith.constant 0 : i32
      %dma_start3A_458 = tpu.memref_slice %arg3[%add3A_446, %dma_start3A_456, %dma_start3A_457] : memref<8x1024x2048xf32, #tpu.memory_space<any>> -> memref<1x64x2048xf32, #tpu.memory_space<any>>
      %dma_start3A_459 = tpu.memref_squeeze %dma_start3A_458 : memref<1x64x2048xf32, #tpu.memory_space<any>> -> memref<64x2048xf32, #tpu.memory_space<any>>
      tpu.enqueue_dma source(%dma_start3A_459 : memref<64x2048xf32, #tpu.memory_space<any>>) target(%dma_start3A_455 : memref<64x2048xf32, #tpu.memory_space<vmem>>) target_semaphore(%dma_start3A_451 : memref<!tpu.dma_semaphore, #tpu.memory_space<semaphore_mem>>)
    } else {
    }
    %get3A_191 = arith.index_cast %rem3A_7 : i32 to index
    %get3A_192 = arith.constant 0 : index
    %get3A_193 = arith.constant 0 : index
    %get3A_194 = vector.load %arg9[%get3A_191, %get3A_192, %get3A_193] : memref<2x1024x2048xf32, #tpu.memory_space<vmem>>, vector<1x1024x2048xf32>
    %get3A_195 = vector.shape_cast %get3A_194 : vector<1x1024x2048xf32> to vector<1024x2048xf32>
    %convert_element_type3A_196 = arith.truncf %get3A_195 : vector<1024x2048xf32> to vector<1024x2048xbf16>
    %swap3A = arith.constant 0 : index
    %swap3A_197 = arith.constant 0 : index
    %swap3A_198 = vector.load %arg10[%swap3A, %swap3A_197] : memref<1024x2048xbf16, #tpu.memory_space<vmem>>, vector<1024x2048xbf16>
    tpu.vector_store %arg10[%swap3A, %swap3A_197], %convert_element_type3A_196 {strides = array<i32>} : memref<1024x2048xbf16, #tpu.memory_space<vmem>>, vector<1024x2048xbf16>,
    %gt3A = arith.constant 0 : i32
    %gt3A_199 = arith.cmpi sgt, %sub3A, %gt3A : i32
    %convert_element_type3A_200 = arith.extui %gt3A_199 : i1 to i32
    %cond3A_201 = arith.constant 0 : i32
    %cond3A_202 = arith.cmpi ne, %convert_element_type3A_200, %cond3A_201 : i32
    scf.if %cond3A_202 {
      %add3A_221 = arith.constant 0 : i32
      %add3A_222 = arith.addi %get3A_0, %add3A_221 : i32
      %lt3A_223 = arith.cmpi slt, %add3A_222, %get3A_3 : i32
      %convert_element_type3A_224 = arith.extui %lt3A_223 : i1 to i32
      %cond3A_225 = arith.constant 0 : i32
      %cond3A_226 = arith.cmpi ne, %convert_element_type3A_224, %cond3A_225 : i32
      scf.if %cond3A_226 {
        %add3A_245 = arith.constant 0 : i32
        %add3A_246 = arith.addi %get3A_0, %add3A_245 : i32
        %get3A_247 = arith.index_cast %add3A_246 : i32 to index
        %get3A_248 = memref.load %arg2[%get3A_247] : memref<32xi32, #tpu.memory_space<smem>>
        %dma_start3A = arith.constant 0 : i32
        %dma_start3A_249 = arith.constant 0 : i32
        %dma_start3A_250 = arith.constant 0 : i32
        %dma_start3A_251 = arith.constant 0 : i32
        %dma_start3A_252 = tpu.memref_slice %arg11[%dma_start3A_250, %dma_start3A_251] : memref<2x4x!tpu.dma_semaphore, #tpu.memory_space<semaphore_mem>> -> memref<1x1x!tpu.dma_semaphore, #tpu.memory_space<semaphore_mem>>
        %dma_start3A_253 = tpu.memref_squeeze %dma_start3A_252 : memref<1x1x!tpu.dma_semaphore, #tpu.memory_space<semaphore_mem>> -> memref<!tpu.dma_semaphore, #tpu.memory_space<semaphore_mem>>
        %dma_start3A_254 = arith.constant 0 : i32
        %dma_start3A_255 = arith.constant 0 : i32
        %dma_start3A_256 = tpu.memref_slice %arg7[%dma_start3A, %dma_start3A_249, %dma_start3A_254, %dma_start3A_255] : memref<2x4x100x2048xf32, #tpu.memory_space<vmem>> -> memref<1x1x100x2048xf32, #tpu.memory_space<vmem>>
        %dma_start3A_257 = tpu.memref_squeeze %dma_start3A_256 : memref<1x1x100x2048xf32, #tpu.memory_space<vmem>> -> memref<100x2048xf32, #tpu.memory_space<vmem>>
        %dma_start3A_258 = arith.constant 0 : i32
        %dma_start3A_259 = arith.constant 0 : i32
        %dma_start3A_260 = tpu.memref_slice %arg5[%get3A_248, %dma_start3A_258, %dma_start3A_259] : memref<32x100x2048xf32, #tpu.memory_space<any>> -> memref<1x100x2048xf32, #tpu.memory_space<any>>
        %dma_start3A_261 = tpu.memref_squeeze %dma_start3A_260 : memref<1x100x2048xf32, #tpu.memory_space<any>> -> memref<100x2048xf32, #tpu.memory_space<any>>
        tpu.enqueue_dma source(%dma_start3A_261 : memref<100x2048xf32, #tpu.memory_space<any>>) target(%dma_start3A_257 : memref<100x2048xf32, #tpu.memory_space<vmem>>) target_semaphore(%dma_start3A_253 : memref<!tpu.dma_semaphore, #tpu.memory_space<semaphore_mem>>)
      } else {
      }
      %add3A_227 = arith.constant 1 : i32
      %add3A_228 = arith.addi %get3A_0, %add3A_227 : i32
      %lt3A_229 = arith.cmpi slt, %add3A_228, %get3A_3 : i32
      %convert_element_type3A_230 = arith.extui %lt3A_229 : i1 to i32
      %cond3A_231 = arith.constant 0 : i32
      %cond3A_232 = arith.cmpi ne, %convert_element_type3A_230, %cond3A_231 : i32
      scf.if %cond3A_232 {
        %add3A_245 = arith.constant 1 : i32
        %add3A_246 = arith.addi %get3A_0, %add3A_245 : i32
        %get3A_247 = arith.index_cast %add3A_246 : i32 to index
        %get3A_248 = memref.load %arg2[%get3A_247] : memref<32xi32, #tpu.memory_space<smem>>
        %dma_start3A = arith.constant 0 : i32
        %dma_start3A_249 = arith.constant 1 : i32
        %dma_start3A_250 = arith.constant 0 : i32
        %dma_start3A_251 = arith.constant 1 : i32
        %dma_start3A_252 = tpu.memref_slice %arg11[%dma_start3A_250, %dma_start3A_251] : memref<2x4x!tpu.dma_semaphore, #tpu.memory_space<semaphore_mem>> -> memref<1x1x!tpu.dma_semaphore, #tpu.memory_space<semaphore_mem>>
        %dma_start3A_253 = tpu.memref_squeeze %dma_start3A_252 : memref<1x1x!tpu.dma_semaphore, #tpu.memory_space<semaphore_mem>> -> memref<!tpu.dma_semaphore, #tpu.memory_space<semaphore_mem>>
        %dma_start3A_254 = arith.constant 0 : i32
        %dma_start3A_255 = arith.constant 0 : i32
        %dma_start3A_256 = tpu.memref_slice %arg7[%dma_start3A, %dma_start3A_249, %dma_start3A_254, %dma_start3A_255] : memref<2x4x100x2048xf32, #tpu.memory_space<vmem>> -> memref<1x1x100x2048xf32, #tpu.memory_space<vmem>>
        %dma_start3A_257 = tpu.memref_squeeze %dma_start3A_256 : memref<1x1x100x2048xf32, #tpu.memory_space<vmem>> -> memref<100x2048xf32, #tpu.memory_space<vmem>>
        %dma_start3A_258 = arith.constant 0 : i32
        %dma_start3A_259 = arith.constant 0 : i32
        %dma_start3A_260 = tpu.memref_slice %arg5[%get3A_248, %dma_start3A_258, %dma_start3A_259] : memref<32x100x2048xf32, #tpu.memory_space<any>> -> memref<1x100x2048xf32, #tpu.memory_space<any>>
        %dma_start3A_261 = tpu.memref_squeeze %dma_start3A_260 : memref<1x100x2048xf32, #tpu.memory_space<any>> -> memref<100x2048xf32, #tpu.memory_space<any>>
        tpu.enqueue_dma source(%dma_start3A_261 : memref<100x2048xf32, #tpu.memory_space<any>>) target(%dma_start3A_257 : memref<100x2048xf32, #tpu.memory_space<vmem>>) target_semaphore(%dma_start3A_253 : memref<!tpu.dma_semaphore, #tpu.memory_space<semaphore_mem>>)
      } else {
      }
      %add3A_233 = arith.constant 2 : i32
      %add3A_234 = arith.addi %get3A_0, %add3A_233 : i32
      %lt3A_235 = arith.cmpi slt, %add3A_234, %get3A_3 : i32
      %convert_element_type3A_236 = arith.extui %lt3A_235 : i1 to i32
      %cond3A_237 = arith.constant 0 : i32
      %cond3A_238 = arith.cmpi ne, %convert_element_type3A_236, %cond3A_237 : i32
      scf.if %cond3A_238 {
        %add3A_245 = arith.constant 2 : i32
        %add3A_246 = arith.addi %get3A_0, %add3A_245 : i32
        %get3A_247 = arith.index_cast %add3A_246 : i32 to index
        %get3A_248 = memref.load %arg2[%get3A_247] : memref<32xi32, #tpu.memory_space<smem>>
        %dma_start3A = arith.constant 0 : i32
        %dma_start3A_249 = arith.constant 2 : i32
        %dma_start3A_250 = arith.constant 0 : i32
        %dma_start3A_251 = arith.constant 2 : i32
        %dma_start3A_252 = tpu.memref_slice %arg11[%dma_start3A_250, %dma_start3A_251] : memref<2x4x!tpu.dma_semaphore, #tpu.memory_space<semaphore_mem>> -> memref<1x1x!tpu.dma_semaphore, #tpu.memory_space<semaphore_mem>>
        %dma_start3A_253 = tpu.memref_squeeze %dma_start3A_252 : memref<1x1x!tpu.dma_semaphore, #tpu.memory_space<semaphore_mem>> -> memref<!tpu.dma_semaphore, #tpu.memory_space<semaphore_mem>>
        %dma_start3A_254 = arith.constant 0 : i32
        %dma_start3A_255 = arith.constant 0 : i32
        %dma_start3A_256 = tpu.memref_slice %arg7[%dma_start3A, %dma_start3A_249, %dma_start3A_254, %dma_start3A_255] : memref<2x4x100x2048xf32, #tpu.memory_space<vmem>> -> memref<1x1x100x2048xf32, #tpu.memory_space<vmem>>
        %dma_start3A_257 = tpu.memref_squeeze %dma_start3A_256 : memref<1x1x100x2048xf32, #tpu.memory_space<vmem>> -> memref<100x2048xf32, #tpu.memory_space<vmem>>
        %dma_start3A_258 = arith.constant 0 : i32
        %dma_start3A_259 = arith.constant 0 : i32
        %dma_start3A_260 = tpu.memref_slice %arg5[%get3A_248, %dma_start3A_258, %dma_start3A_259] : memref<32x100x2048xf32, #tpu.memory_space<any>> -> memref<1x100x2048xf32, #tpu.memory_space<any>>
        %dma_start3A_261 = tpu.memref_squeeze %dma_start3A_260 : memref<1x100x2048xf32, #tpu.memory_space<any>> -> memref<100x2048xf32, #tpu.memory_space<any>>
        tpu.enqueue_dma source(%dma_start3A_261 : memref<100x2048xf32, #tpu.memory_space<any>>) target(%dma_start3A_257 : memref<100x2048xf32, #tpu.memory_space<vmem>>) target_semaphore(%dma_start3A_253 : memref<!tpu.dma_semaphore, #tpu.memory_space<semaphore_mem>>)
      } else {
      }
      %add3A_239 = arith.constant 3 : i32
      %add3A_240 = arith.addi %get3A_0, %add3A_239 : i32
      %lt3A_241 = arith.cmpi slt, %add3A_240, %get3A_3 : i32
      %convert_element_type3A_242 = arith.extui %lt3A_241 : i1 to i32
      %cond3A_243 = arith.constant 0 : i32
      %cond3A_244 = arith.cmpi ne, %convert_element_type3A_242, %cond3A_243 : i32
      scf.if %cond3A_244 {
        %add3A_245 = arith.constant 3 : i32
        %add3A_246 = arith.addi %get3A_0, %add3A_245 : i32
        %get3A_247 = arith.index_cast %add3A_246 : i32 to index
        %get3A_248 = memref.load %arg2[%get3A_247] : memref<32xi32, #tpu.memory_space<smem>>
        %dma_start3A = arith.constant 0 : i32
        %dma_start3A_249 = arith.constant 3 : i32
        %dma_start3A_250 = arith.constant 0 : i32
        %dma_start3A_251 = arith.constant 3 : i32
        %dma_start3A_252 = tpu.memref_slice %arg11[%dma_start3A_250, %dma_start3A_251] : memref<2x4x!tpu.dma_semaphore, #tpu.memory_space<semaphore_mem>> -> memref<1x1x!tpu.dma_semaphore, #tpu.memory_space<semaphore_mem>>
        %dma_start3A_253 = tpu.memref_squeeze %dma_start3A_252 : memref<1x1x!tpu.dma_semaphore, #tpu.memory_space<semaphore_mem>> -> memref<!tpu.dma_semaphore, #tpu.memory_space<semaphore_mem>>
        %dma_start3A_254 = arith.constant 0 : i32
        %dma_start3A_255 = arith.constant 0 : i32
        %dma_start3A_256 = tpu.memref_slice %arg7[%dma_start3A, %dma_start3A_249, %dma_start3A_254, %dma_start3A_255] : memref<2x4x100x2048xf32, #tpu.memory_space<vmem>> -> memref<1x1x100x2048xf32, #tpu.memory_space<vmem>>
        %dma_start3A_257 = tpu.memref_squeeze %dma_start3A_256 : memref<1x1x100x2048xf32, #tpu.memory_space<vmem>> -> memref<100x2048xf32, #tpu.memory_space<vmem>>
        %dma_start3A_258 = arith.constant 0 : i32
        %dma_start3A_259 = arith.constant 0 : i32
        %dma_start3A_260 = tpu.memref_slice %arg5[%get3A_248, %dma_start3A_258, %dma_start3A_259] : memref<32x100x2048xf32, #tpu.memory_space<any>> -> memref<1x100x2048xf32, #tpu.memory_space<any>>
        %dma_start3A_261 = tpu.memref_squeeze %dma_start3A_260 : memref<1x100x2048xf32, #tpu.memory_space<any>> -> memref<100x2048xf32, #tpu.memory_space<any>>
        tpu.enqueue_dma source(%dma_start3A_261 : memref<100x2048xf32, #tpu.memory_space<any>>) target(%dma_start3A_257 : memref<100x2048xf32, #tpu.memory_space<vmem>>) target_semaphore(%dma_start3A_253 : memref<!tpu.dma_semaphore, #tpu.memory_space<semaphore_mem>>)
      } else {
      }
    } else {
    }
    %while3A = arith.constant 0 : i32
    %while3A_203 = arith.constant 0 : i32
    %while3A_204 = arith.subi %div3A_6, %while3A_203 : i32
    %while3A_205 = arith.addi %while3A_203, %while3A_204 : i32
    %while3A_206 = arith.constant 1 : i32
    %while3A_207 = arith.divsi %while3A_204, %while3A_206 : i32
    %while3A_208 = arith.muli %while3A_207, %while3A_206 : i32
    %while3A_209 = arith.addi %while3A_203, %while3A_208 : i32
    %while3A_210 = arith.constant 1 : i32
    scf.for %while3A_221 = %while3A_203 to %while3A_209 step %while3A_210  : i32 {
      %rem3A_222 = arith.constant 2 : i32
      %rem3A_223 = arith.remsi %while3A_221, %rem3A_222 : i32
      %mul3A = arith.constant 4 : i32
      %mul3A_224 = arith.muli %while3A_221, %mul3A : i32
      %add3A_225 = arith.addi %get3A_0, %mul3A_224 : i32
      %add3A_226 = arith.constant 1 : i32
      %add3A_227 = arith.addi %while3A_221, %add3A_226 : i32
      %lt3A_228 = arith.cmpi slt, %add3A_227, %div3A_6 : i32
      %convert_element_type3A_229 = arith.extui %lt3A_228 : i1 to i32
      %cond3A_230 = arith.constant 0 : i32
      %cond3A_231 = arith.cmpi ne, %convert_element_type3A_229, %cond3A_230 : i32
      scf.if %cond3A_231 {
        %add3A_334 = arith.constant 4 : i32
        %add3A_335 = arith.addi %add3A_225, %add3A_334 : i32
        %add3A_336 = arith.constant 0 : i32
        %add3A_337 = arith.addi %add3A_335, %add3A_336 : i32
        %lt3A_338 = arith.cmpi slt, %add3A_337, %get3A_3 : i32
        %convert_element_type3A_339 = arith.extui %lt3A_338 : i1 to i32
        %cond3A_340 = arith.constant 0 : i32
        %cond3A_341 = arith.cmpi ne, %convert_element_type3A_339, %cond3A_340 : i32
        scf.if %cond3A_341 {
          %add3A_360 = arith.constant 0 : i32
          %add3A_361 = arith.addi %add3A_335, %add3A_360 : i32
          %sub3A_362 = arith.constant 1 : i32
          %sub3A_363 = arith.subi %sub3A_362, %rem3A_223 : i32
          %get3A_364 = arith.index_cast %add3A_361 : i32 to index
          %get3A_365 = memref.load %arg2[%get3A_364] : memref<32xi32, #tpu.memory_space<smem>>
          %dma_start3A = arith.constant 0 : i32
          %dma_start3A_366 = arith.constant 0 : i32
          %dma_start3A_367 = tpu.memref_slice %arg11[%sub3A_363, %dma_start3A_366] : memref<2x4x!tpu.dma_semaphore, #tpu.memory_space<semaphore_mem>> -> memref<1x1x!tpu.dma_semaphore, #tpu.memory_space<semaphore_mem>>
          %dma_start3A_368 = tpu.memref_squeeze %dma_start3A_367 : memref<1x1x!tpu.dma_semaphore, #tpu.memory_space<semaphore_mem>> -> memref<!tpu.dma_semaphore, #tpu.memory_space<semaphore_mem>>
          %dma_start3A_369 = arith.constant 0 : i32
          %dma_start3A_370 = arith.constant 0 : i32
          %dma_start3A_371 = tpu.memref_slice %arg7[%sub3A_363, %dma_start3A, %dma_start3A_369, %dma_start3A_370] : memref<2x4x100x2048xf32, #tpu.memory_space<vmem>> -> memref<1x1x100x2048xf32, #tpu.memory_space<vmem>>
          %dma_start3A_372 = tpu.memref_squeeze %dma_start3A_371 : memref<1x1x100x2048xf32, #tpu.memory_space<vmem>> -> memref<100x2048xf32, #tpu.memory_space<vmem>>
          %dma_start3A_373 = arith.constant 0 : i32
          %dma_start3A_374 = arith.constant 0 : i32
          %dma_start3A_375 = tpu.memref_slice %arg5[%get3A_365, %dma_start3A_373, %dma_start3A_374] : memref<32x100x2048xf32, #tpu.memory_space<any>> -> memref<1x100x2048xf32, #tpu.memory_space<any>>
          %dma_start3A_376 = tpu.memref_squeeze %dma_start3A_375 : memref<1x100x2048xf32, #tpu.memory_space<any>> -> memref<100x2048xf32, #tpu.memory_space<any>>
          tpu.enqueue_dma source(%dma_start3A_376 : memref<100x2048xf32, #tpu.memory_space<any>>) target(%dma_start3A_372 : memref<100x2048xf32, #tpu.memory_space<vmem>>) target_semaphore(%dma_start3A_368 : memref<!tpu.dma_semaphore, #tpu.memory_space<semaphore_mem>>)
        } else {
        }
        %add3A_342 = arith.constant 1 : i32
        %add3A_343 = arith.addi %add3A_335, %add3A_342 : i32
        %lt3A_344 = arith.cmpi slt, %add3A_343, %get3A_3 : i32
        %convert_element_type3A_345 = arith.extui %lt3A_344 : i1 to i32
        %cond3A_346 = arith.constant 0 : i32
        %cond3A_347 = arith.cmpi ne, %convert_element_type3A_345, %cond3A_346 : i32
        scf.if %cond3A_347 {
          %add3A_360 = arith.constant 1 : i32
          %add3A_361 = arith.addi %add3A_335, %add3A_360 : i32
          %sub3A_362 = arith.constant 1 : i32
          %sub3A_363 = arith.subi %sub3A_362, %rem3A_223 : i32
          %get3A_364 = arith.index_cast %add3A_361 : i32 to index
          %get3A_365 = memref.load %arg2[%get3A_364] : memref<32xi32, #tpu.memory_space<smem>>
          %dma_start3A = arith.constant 1 : i32
          %dma_start3A_366 = arith.constant 1 : i32
          %dma_start3A_367 = tpu.memref_slice %arg11[%sub3A_363, %dma_start3A_366] : memref<2x4x!tpu.dma_semaphore, #tpu.memory_space<semaphore_mem>> -> memref<1x1x!tpu.dma_semaphore, #tpu.memory_space<semaphore_mem>>
          %dma_start3A_368 = tpu.memref_squeeze %dma_start3A_367 : memref<1x1x!tpu.dma_semaphore, #tpu.memory_space<semaphore_mem>> -> memref<!tpu.dma_semaphore, #tpu.memory_space<semaphore_mem>>
          %dma_start3A_369 = arith.constant 0 : i32
          %dma_start3A_370 = arith.constant 0 : i32
          %dma_start3A_371 = tpu.memref_slice %arg7[%sub3A_363, %dma_start3A, %dma_start3A_369, %dma_start3A_370] : memref<2x4x100x2048xf32, #tpu.memory_space<vmem>> -> memref<1x1x100x2048xf32, #tpu.memory_space<vmem>>
          %dma_start3A_372 = tpu.memref_squeeze %dma_start3A_371 : memref<1x1x100x2048xf32, #tpu.memory_space<vmem>> -> memref<100x2048xf32, #tpu.memory_space<vmem>>
          %dma_start3A_373 = arith.constant 0 : i32
          %dma_start3A_374 = arith.constant 0 : i32
          %dma_start3A_375 = tpu.memref_slice %arg5[%get3A_365, %dma_start3A_373, %dma_start3A_374] : memref<32x100x2048xf32, #tpu.memory_space<any>> -> memref<1x100x2048xf32, #tpu.memory_space<any>>
          %dma_start3A_376 = tpu.memref_squeeze %dma_start3A_375 : memref<1x100x2048xf32, #tpu.memory_space<any>> -> memref<100x2048xf32, #tpu.memory_space<any>>
          tpu.enqueue_dma source(%dma_start3A_376 : memref<100x2048xf32, #tpu.memory_space<any>>) target(%dma_start3A_372 : memref<100x2048xf32, #tpu.memory_space<vmem>>) target_semaphore(%dma_start3A_368 : memref<!tpu.dma_semaphore, #tpu.memory_space<semaphore_mem>>)
        } else {
        }
        %add3A_348 = arith.constant 2 : i32
        %add3A_349 = arith.addi %add3A_335, %add3A_348 : i32
        %lt3A_350 = arith.cmpi slt, %add3A_349, %get3A_3 : i32
        %convert_element_type3A_351 = arith.extui %lt3A_350 : i1 to i32
        %cond3A_352 = arith.constant 0 : i32
        %cond3A_353 = arith.cmpi ne, %convert_element_type3A_351, %cond3A_352 : i32
        scf.if %cond3A_353 {
          %add3A_360 = arith.constant 2 : i32
          %add3A_361 = arith.addi %add3A_335, %add3A_360 : i32
          %sub3A_362 = arith.constant 1 : i32
          %sub3A_363 = arith.subi %sub3A_362, %rem3A_223 : i32
          %get3A_364 = arith.index_cast %add3A_361 : i32 to index
          %get3A_365 = memref.load %arg2[%get3A_364] : memref<32xi32, #tpu.memory_space<smem>>
          %dma_start3A = arith.constant 2 : i32
          %dma_start3A_366 = arith.constant 2 : i32
          %dma_start3A_367 = tpu.memref_slice %arg11[%sub3A_363, %dma_start3A_366] : memref<2x4x!tpu.dma_semaphore, #tpu.memory_space<semaphore_mem>> -> memref<1x1x!tpu.dma_semaphore, #tpu.memory_space<semaphore_mem>>
          %dma_start3A_368 = tpu.memref_squeeze %dma_start3A_367 : memref<1x1x!tpu.dma_semaphore, #tpu.memory_space<semaphore_mem>> -> memref<!tpu.dma_semaphore, #tpu.memory_space<semaphore_mem>>
          %dma_start3A_369 = arith.constant 0 : i32
          %dma_start3A_370 = arith.constant 0 : i32
          %dma_start3A_371 = tpu.memref_slice %arg7[%sub3A_363, %dma_start3A, %dma_start3A_369, %dma_start3A_370] : memref<2x4x100x2048xf32, #tpu.memory_space<vmem>> -> memref<1x1x100x2048xf32, #tpu.memory_space<vmem>>
          %dma_start3A_372 = tpu.memref_squeeze %dma_start3A_371 : memref<1x1x100x2048xf32, #tpu.memory_space<vmem>> -> memref<100x2048xf32, #tpu.memory_space<vmem>>
          %dma_start3A_373 = arith.constant 0 : i32
          %dma_start3A_374 = arith.constant 0 : i32
          %dma_start3A_375 = tpu.memref_slice %arg5[%get3A_365, %dma_start3A_373, %dma_start3A_374] : memref<32x100x2048xf32, #tpu.memory_space<any>> -> memref<1x100x2048xf32, #tpu.memory_space<any>>
          %dma_start3A_376 = tpu.memref_squeeze %dma_start3A_375 : memref<1x100x2048xf32, #tpu.memory_space<any>> -> memref<100x2048xf32, #tpu.memory_space<any>>
          tpu.enqueue_dma source(%dma_start3A_376 : memref<100x2048xf32, #tpu.memory_space<any>>) target(%dma_start3A_372 : memref<100x2048xf32, #tpu.memory_space<vmem>>) target_semaphore(%dma_start3A_368 : memref<!tpu.dma_semaphore, #tpu.memory_space<semaphore_mem>>)
        } else {
        }
        %add3A_354 = arith.constant 3 : i32
        %add3A_355 = arith.addi %add3A_335, %add3A_354 : i32
        %lt3A_356 = arith.cmpi slt, %add3A_355, %get3A_3 : i32
        %convert_element_type3A_357 = arith.extui %lt3A_356 : i1 to i32
        %cond3A_358 = arith.constant 0 : i32
        %cond3A_359 = arith.cmpi ne, %convert_element_type3A_357, %cond3A_358 : i32
        scf.if %cond3A_359 {
          %add3A_360 = arith.constant 3 : i32
          %add3A_361 = arith.addi %add3A_335, %add3A_360 : i32
          %sub3A_362 = arith.constant 1 : i32
          %sub3A_363 = arith.subi %sub3A_362, %rem3A_223 : i32
          %get3A_364 = arith.index_cast %add3A_361 : i32 to index
          %get3A_365 = memref.load %arg2[%get3A_364] : memref<32xi32, #tpu.memory_space<smem>>
          %dma_start3A = arith.constant 3 : i32
          %dma_start3A_366 = arith.constant 3 : i32
          %dma_start3A_367 = tpu.memref_slice %arg11[%sub3A_363, %dma_start3A_366] : memref<2x4x!tpu.dma_semaphore, #tpu.memory_space<semaphore_mem>> -> memref<1x1x!tpu.dma_semaphore, #tpu.memory_space<semaphore_mem>>
          %dma_start3A_368 = tpu.memref_squeeze %dma_start3A_367 : memref<1x1x!tpu.dma_semaphore, #tpu.memory_space<semaphore_mem>> -> memref<!tpu.dma_semaphore, #tpu.memory_space<semaphore_mem>>
          %dma_start3A_369 = arith.constant 0 : i32
          %dma_start3A_370 = arith.constant 0 : i32
          %dma_start3A_371 = tpu.memref_slice %arg7[%sub3A_363, %dma_start3A, %dma_start3A_369, %dma_start3A_370] : memref<2x4x100x2048xf32, #tpu.memory_space<vmem>> -> memref<1x1x100x2048xf32, #tpu.memory_space<vmem>>
          %dma_start3A_372 = tpu.memref_squeeze %dma_start3A_371 : memref<1x1x100x2048xf32, #tpu.memory_space<vmem>> -> memref<100x2048xf32, #tpu.memory_space<vmem>>
          %dma_start3A_373 = arith.constant 0 : i32
          %dma_start3A_374 = arith.constant 0 : i32
          %dma_start3A_375 = tpu.memref_slice %arg5[%get3A_365, %dma_start3A_373, %dma_start3A_374] : memref<32x100x2048xf32, #tpu.memory_space<any>> -> memref<1x100x2048xf32, #tpu.memory_space<any>>
          %dma_start3A_376 = tpu.memref_squeeze %dma_start3A_375 : memref<1x100x2048xf32, #tpu.memory_space<any>> -> memref<100x2048xf32, #tpu.memory_space<any>>
          tpu.enqueue_dma source(%dma_start3A_376 : memref<100x2048xf32, #tpu.memory_space<any>>) target(%dma_start3A_372 : memref<100x2048xf32, #tpu.memory_space<vmem>>) target_semaphore(%dma_start3A_368 : memref<!tpu.dma_semaphore, #tpu.memory_space<semaphore_mem>>)
        } else {
        }
      } else {
      }
      %ge3A_232 = arith.constant 2 : i32
      %ge3A_233 = arith.cmpi sge, %while3A_221, %ge3A_232 : i32
      %convert_element_type3A_234 = arith.extui %ge3A_233 : i1 to i32
      %cond3A_235 = arith.constant 0 : i32
      %cond3A_236 = arith.cmpi ne, %convert_element_type3A_234, %cond3A_235 : i32
      scf.if %cond3A_236 {
        %sub3A_334 = arith.constant 8 : i32
        %sub3A_335 = arith.subi %add3A_225, %sub3A_334 : i32
        %add3A_336 = arith.constant 0 : i32
        %add3A_337 = arith.addi %sub3A_335, %add3A_336 : i32
        %lt3A_338 = arith.cmpi slt, %add3A_337, %get3A_3 : i32
        %convert_element_type3A_339 = arith.extui %lt3A_338 : i1 to i32
        %cond3A_340 = arith.constant 0 : i32
        %cond3A_341 = arith.cmpi ne, %convert_element_type3A_339, %cond3A_340 : i32
        scf.if %cond3A_341 {
          %add3A_360 = arith.constant 0 : i32
          %add3A_361 = arith.addi %sub3A_335, %add3A_360 : i32
          %get3A_362 = arith.index_cast %add3A_361 : i32 to index
          %get3A_363 = memref.load %arg2[%get3A_362] : memref<32xi32, #tpu.memory_space<smem>>
          %dma_wait3A_364 = arith.constant 0 : i32
          %dma_wait3A_365 = arith.constant 0 : i32
          %dma_wait3A_366 = tpu.memref_slice %arg12[%rem3A_223, %dma_wait3A_365] : memref<2x4x!tpu.dma_semaphore, #tpu.memory_space<semaphore_mem>> -> memref<1x1x!tpu.dma_semaphore, #tpu.memory_space<semaphore_mem>>
          %dma_wait3A_367 = tpu.memref_squeeze %dma_wait3A_366 : memref<1x1x!tpu.dma_semaphore, #tpu.memory_space<semaphore_mem>> -> memref<!tpu.dma_semaphore, #tpu.memory_space<semaphore_mem>>
          %dma_wait3A_368 = arith.constant 0 : i32
          %dma_wait3A_369 = arith.constant 0 : i32
          %dma_wait3A_370 = tpu.memref_slice %arg6[%get3A_363, %dma_wait3A_368, %dma_wait3A_369] : memref<32x100x1024xf32, #tpu.memory_space<any>> -> memref<1x100x1024xf32, #tpu.memory_space<any>>
          %dma_wait3A_371 = tpu.memref_squeeze %dma_wait3A_370 : memref<1x100x1024xf32, #tpu.memory_space<any>> -> memref<100x1024xf32, #tpu.memory_space<any>>
          %dma_wait3A_372 = arith.constant 0 : i32
          %dma_wait3A_373 = arith.constant 0 : i32
          %dma_wait3A_374 = tpu.memref_slice %arg8[%rem3A_223, %dma_wait3A_364, %dma_wait3A_372, %dma_wait3A_373] : memref<2x4x100x1024xf32, #tpu.memory_space<vmem>> -> memref<1x1x100x1024xf32, #tpu.memory_space<vmem>>
          %dma_wait3A_375 = tpu.memref_squeeze %dma_wait3A_374 : memref<1x1x100x1024xf32, #tpu.memory_space<vmem>> -> memref<100x1024xf32, #tpu.memory_space<vmem>>
          tpu.wait_dma2 semaphore(%dma_wait3A_367 : memref<!tpu.dma_semaphore, #tpu.memory_space<semaphore_mem>>) src(%dma_wait3A_375 : memref<100x1024xf32, #tpu.memory_space<vmem>>) dst(%dma_wait3A_371 : memref<100x1024xf32, #tpu.memory_space<any>>)
        } else {
        }
        %add3A_342 = arith.constant 1 : i32
        %add3A_343 = arith.addi %sub3A_335, %add3A_342 : i32
        %lt3A_344 = arith.cmpi slt, %add3A_343, %get3A_3 : i32
        %convert_element_type3A_345 = arith.extui %lt3A_344 : i1 to i32
        %cond3A_346 = arith.constant 0 : i32
        %cond3A_347 = arith.cmpi ne, %convert_element_type3A_345, %cond3A_346 : i32
        scf.if %cond3A_347 {
          %add3A_360 = arith.constant 1 : i32
          %add3A_361 = arith.addi %sub3A_335, %add3A_360 : i32
          %get3A_362 = arith.index_cast %add3A_361 : i32 to index
          %get3A_363 = memref.load %arg2[%get3A_362] : memref<32xi32, #tpu.memory_space<smem>>
          %dma_wait3A_364 = arith.constant 1 : i32
          %dma_wait3A_365 = arith.constant 1 : i32
          %dma_wait3A_366 = tpu.memref_slice %arg12[%rem3A_223, %dma_wait3A_365] : memref<2x4x!tpu.dma_semaphore, #tpu.memory_space<semaphore_mem>> -> memref<1x1x!tpu.dma_semaphore, #tpu.memory_space<semaphore_mem>>
          %dma_wait3A_367 = tpu.memref_squeeze %dma_wait3A_366 : memref<1x1x!tpu.dma_semaphore, #tpu.memory_space<semaphore_mem>> -> memref<!tpu.dma_semaphore, #tpu.memory_space<semaphore_mem>>
          %dma_wait3A_368 = arith.constant 0 : i32
          %dma_wait3A_369 = arith.constant 0 : i32
          %dma_wait3A_370 = tpu.memref_slice %arg6[%get3A_363, %dma_wait3A_368, %dma_wait3A_369] : memref<32x100x1024xf32, #tpu.memory_space<any>> -> memref<1x100x1024xf32, #tpu.memory_space<any>>
          %dma_wait3A_371 = tpu.memref_squeeze %dma_wait3A_370 : memref<1x100x1024xf32, #tpu.memory_space<any>> -> memref<100x1024xf32, #tpu.memory_space<any>>
          %dma_wait3A_372 = arith.constant 0 : i32
          %dma_wait3A_373 = arith.constant 0 : i32
          %dma_wait3A_374 = tpu.memref_slice %arg8[%rem3A_223, %dma_wait3A_364, %dma_wait3A_372, %dma_wait3A_373] : memref<2x4x100x1024xf32, #tpu.memory_space<vmem>> -> memref<1x1x100x1024xf32, #tpu.memory_space<vmem>>
          %dma_wait3A_375 = tpu.memref_squeeze %dma_wait3A_374 : memref<1x1x100x1024xf32, #tpu.memory_space<vmem>> -> memref<100x1024xf32, #tpu.memory_space<vmem>>
          tpu.wait_dma2 semaphore(%dma_wait3A_367 : memref<!tpu.dma_semaphore, #tpu.memory_space<semaphore_mem>>) src(%dma_wait3A_375 : memref<100x1024xf32, #tpu.memory_space<vmem>>) dst(%dma_wait3A_371 : memref<100x1024xf32, #tpu.memory_space<any>>)
        } else {
        }
        %add3A_348 = arith.constant 2 : i32
        %add3A_349 = arith.addi %sub3A_335, %add3A_348 : i32
        %lt3A_350 = arith.cmpi slt, %add3A_349, %get3A_3 : i32
        %convert_element_type3A_351 = arith.extui %lt3A_350 : i1 to i32
        %cond3A_352 = arith.constant 0 : i32
        %cond3A_353 = arith.cmpi ne, %convert_element_type3A_351, %cond3A_352 : i32
        scf.if %cond3A_353 {
          %add3A_360 = arith.constant 2 : i32
          %add3A_361 = arith.addi %sub3A_335, %add3A_360 : i32
          %get3A_362 = arith.index_cast %add3A_361 : i32 to index
          %get3A_363 = memref.load %arg2[%get3A_362] : memref<32xi32, #tpu.memory_space<smem>>
          %dma_wait3A_364 = arith.constant 2 : i32
          %dma_wait3A_365 = arith.constant 2 : i32
          %dma_wait3A_366 = tpu.memref_slice %arg12[%rem3A_223, %dma_wait3A_365] : memref<2x4x!tpu.dma_semaphore, #tpu.memory_space<semaphore_mem>> -> memref<1x1x!tpu.dma_semaphore, #tpu.memory_space<semaphore_mem>>
          %dma_wait3A_367 = tpu.memref_squeeze %dma_wait3A_366 : memref<1x1x!tpu.dma_semaphore, #tpu.memory_space<semaphore_mem>> -> memref<!tpu.dma_semaphore, #tpu.memory_space<semaphore_mem>>
          %dma_wait3A_368 = arith.constant 0 : i32
          %dma_wait3A_369 = arith.constant 0 : i32
          %dma_wait3A_370 = tpu.memref_slice %arg6[%get3A_363, %dma_wait3A_368, %dma_wait3A_369] : memref<32x100x1024xf32, #tpu.memory_space<any>> -> memref<1x100x1024xf32, #tpu.memory_space<any>>
          %dma_wait3A_371 = tpu.memref_squeeze %dma_wait3A_370 : memref<1x100x1024xf32, #tpu.memory_space<any>> -> memref<100x1024xf32, #tpu.memory_space<any>>
          %dma_wait3A_372 = arith.constant 0 : i32
          %dma_wait3A_373 = arith.constant 0 : i32
          %dma_wait3A_374 = tpu.memref_slice %arg8[%rem3A_223, %dma_wait3A_364, %dma_wait3A_372, %dma_wait3A_373] : memref<2x4x100x1024xf32, #tpu.memory_space<vmem>> -> memref<1x1x100x1024xf32, #tpu.memory_space<vmem>>
          %dma_wait3A_375 = tpu.memref_squeeze %dma_wait3A_374 : memref<1x1x100x1024xf32, #tpu.memory_space<vmem>> -> memref<100x1024xf32, #tpu.memory_space<vmem>>
          tpu.wait_dma2 semaphore(%dma_wait3A_367 : memref<!tpu.dma_semaphore, #tpu.memory_space<semaphore_mem>>) src(%dma_wait3A_375 : memref<100x1024xf32, #tpu.memory_space<vmem>>) dst(%dma_wait3A_371 : memref<100x1024xf32, #tpu.memory_space<any>>)
        } else {
        }
        %add3A_354 = arith.constant 3 : i32
        %add3A_355 = arith.addi %sub3A_335, %add3A_354 : i32
        %lt3A_356 = arith.cmpi slt, %add3A_355, %get3A_3 : i32
        %convert_element_type3A_357 = arith.extui %lt3A_356 : i1 to i32
        %cond3A_358 = arith.constant 0 : i32
        %cond3A_359 = arith.cmpi ne, %convert_element_type3A_357, %cond3A_358 : i32
        scf.if %cond3A_359 {
          %add3A_360 = arith.constant 3 : i32
          %add3A_361 = arith.addi %sub3A_335, %add3A_360 : i32
          %get3A_362 = arith.index_cast %add3A_361 : i32 to index
          %get3A_363 = memref.load %arg2[%get3A_362] : memref<32xi32, #tpu.memory_space<smem>>
          %dma_wait3A_364 = arith.constant 3 : i32
          %dma_wait3A_365 = arith.constant 3 : i32
          %dma_wait3A_366 = tpu.memref_slice %arg12[%rem3A_223, %dma_wait3A_365] : memref<2x4x!tpu.dma_semaphore, #tpu.memory_space<semaphore_mem>> -> memref<1x1x!tpu.dma_semaphore, #tpu.memory_space<semaphore_mem>>
          %dma_wait3A_367 = tpu.memref_squeeze %dma_wait3A_366 : memref<1x1x!tpu.dma_semaphore, #tpu.memory_space<semaphore_mem>> -> memref<!tpu.dma_semaphore, #tpu.memory_space<semaphore_mem>>
          %dma_wait3A_368 = arith.constant 0 : i32
          %dma_wait3A_369 = arith.constant 0 : i32
          %dma_wait3A_370 = tpu.memref_slice %arg6[%get3A_363, %dma_wait3A_368, %dma_wait3A_369] : memref<32x100x1024xf32, #tpu.memory_space<any>> -> memref<1x100x1024xf32, #tpu.memory_space<any>>
          %dma_wait3A_371 = tpu.memref_squeeze %dma_wait3A_370 : memref<1x100x1024xf32, #tpu.memory_space<any>> -> memref<100x1024xf32, #tpu.memory_space<any>>
          %dma_wait3A_372 = arith.constant 0 : i32
          %dma_wait3A_373 = arith.constant 0 : i32
          %dma_wait3A_374 = tpu.memref_slice %arg8[%rem3A_223, %dma_wait3A_364, %dma_wait3A_372, %dma_wait3A_373] : memref<2x4x100x1024xf32, #tpu.memory_space<vmem>> -> memref<1x1x100x1024xf32, #tpu.memory_space<vmem>>
          %dma_wait3A_375 = tpu.memref_squeeze %dma_wait3A_374 : memref<1x1x100x1024xf32, #tpu.memory_space<vmem>> -> memref<100x1024xf32, #tpu.memory_space<vmem>>
          tpu.wait_dma2 semaphore(%dma_wait3A_367 : memref<!tpu.dma_semaphore, #tpu.memory_space<semaphore_mem>>) src(%dma_wait3A_375 : memref<100x1024xf32, #tpu.memory_space<vmem>>) dst(%dma_wait3A_371 : memref<100x1024xf32, #tpu.memory_space<any>>)
        } else {
        }
      } else {
      }
      %add3A_237 = arith.constant 0 : i32
      %add3A_238 = arith.addi %add3A_225, %add3A_237 : i32
      %lt3A_239 = arith.cmpi slt, %add3A_238, %get3A_3 : i32
      %convert_element_type3A_240 = arith.extui %lt3A_239 : i1 to i32
      %cond3A_241 = arith.constant 0 : i32
      %cond3A_242 = arith.cmpi ne, %convert_element_type3A_240, %cond3A_241 : i32
      scf.if %cond3A_242 {
        %add3A_334 = arith.constant 0 : i32
        %add3A_335 = arith.addi %add3A_225, %add3A_334 : i32
        %get3A_336 = arith.index_cast %add3A_335 : i32 to index
        %get3A_337 = memref.load %arg2[%get3A_336] : memref<32xi32, #tpu.memory_space<smem>>
        %dma_wait3A_338 = arith.constant 0 : i32
        %dma_wait3A_339 = arith.constant 0 : i32
        %dma_wait3A_340 = tpu.memref_slice %arg11[%rem3A_223, %dma_wait3A_339] : memref<2x4x!tpu.dma_semaphore, #tpu.memory_space<semaphore_mem>> -> memref<1x1x!tpu.dma_semaphore, #tpu.memory_space<semaphore_mem>>
        %dma_wait3A_341 = tpu.memref_squeeze %dma_wait3A_340 : memref<1x1x!tpu.dma_semaphore, #tpu.memory_space<semaphore_mem>> -> memref<!tpu.dma_semaphore, #tpu.memory_space<semaphore_mem>>
        %dma_wait3A_342 = arith.constant 0 : i32
        %dma_wait3A_343 = arith.constant 0 : i32
        %dma_wait3A_344 = tpu.memref_slice %arg7[%rem3A_223, %dma_wait3A_338, %dma_wait3A_342, %dma_wait3A_343] : memref<2x4x100x2048xf32, #tpu.memory_space<vmem>> -> memref<1x1x100x2048xf32, #tpu.memory_space<vmem>>
        %dma_wait3A_345 = tpu.memref_squeeze %dma_wait3A_344 : memref<1x1x100x2048xf32, #tpu.memory_space<vmem>> -> memref<100x2048xf32, #tpu.memory_space<vmem>>
        %dma_wait3A_346 = arith.constant 0 : i32
        %dma_wait3A_347 = arith.constant 0 : i32
        %dma_wait3A_348 = tpu.memref_slice %arg5[%get3A_337, %dma_wait3A_346, %dma_wait3A_347] : memref<32x100x2048xf32, #tpu.memory_space<any>> -> memref<1x100x2048xf32, #tpu.memory_space<any>>
        %dma_wait3A_349 = tpu.memref_squeeze %dma_wait3A_348 : memref<1x100x2048xf32, #tpu.memory_space<any>> -> memref<100x2048xf32, #tpu.memory_space<any>>
        tpu.wait_dma2 semaphore(%dma_wait3A_341 : memref<!tpu.dma_semaphore, #tpu.memory_space<semaphore_mem>>) src(%dma_wait3A_349 : memref<100x2048xf32, #tpu.memory_space<any>>) dst(%dma_wait3A_345 : memref<100x2048xf32, #tpu.memory_space<vmem>>)
      } else {
      }
      %add3A_243 = arith.constant 1 : i32
      %add3A_244 = arith.addi %add3A_225, %add3A_243 : i32
      %lt3A_245 = arith.cmpi slt, %add3A_244, %get3A_3 : i32
      %convert_element_type3A_246 = arith.extui %lt3A_245 : i1 to i32
      %cond3A_247 = arith.constant 0 : i32
      %cond3A_248 = arith.cmpi ne, %convert_element_type3A_246, %cond3A_247 : i32
      scf.if %cond3A_248 {
        %add3A_334 = arith.constant 1 : i32
        %add3A_335 = arith.addi %add3A_225, %add3A_334 : i32
        %get3A_336 = arith.index_cast %add3A_335 : i32 to index
        %get3A_337 = memref.load %arg2[%get3A_336] : memref<32xi32, #tpu.memory_space<smem>>
        %dma_wait3A_338 = arith.constant 1 : i32
        %dma_wait3A_339 = arith.constant 1 : i32
        %dma_wait3A_340 = tpu.memref_slice %arg11[%rem3A_223, %dma_wait3A_339] : memref<2x4x!tpu.dma_semaphore, #tpu.memory_space<semaphore_mem>> -> memref<1x1x!tpu.dma_semaphore, #tpu.memory_space<semaphore_mem>>
        %dma_wait3A_341 = tpu.memref_squeeze %dma_wait3A_340 : memref<1x1x!tpu.dma_semaphore, #tpu.memory_space<semaphore_mem>> -> memref<!tpu.dma_semaphore, #tpu.memory_space<semaphore_mem>>
        %dma_wait3A_342 = arith.constant 0 : i32
        %dma_wait3A_343 = arith.constant 0 : i32
        %dma_wait3A_344 = tpu.memref_slice %arg7[%rem3A_223, %dma_wait3A_338, %dma_wait3A_342, %dma_wait3A_343] : memref<2x4x100x2048xf32, #tpu.memory_space<vmem>> -> memref<1x1x100x2048xf32, #tpu.memory_space<vmem>>
        %dma_wait3A_345 = tpu.memref_squeeze %dma_wait3A_344 : memref<1x1x100x2048xf32, #tpu.memory_space<vmem>> -> memref<100x2048xf32, #tpu.memory_space<vmem>>
        %dma_wait3A_346 = arith.constant 0 : i32
        %dma_wait3A_347 = arith.constant 0 : i32
        %dma_wait3A_348 = tpu.memref_slice %arg5[%get3A_337, %dma_wait3A_346, %dma_wait3A_347] : memref<32x100x2048xf32, #tpu.memory_space<any>> -> memref<1x100x2048xf32, #tpu.memory_space<any>>
        %dma_wait3A_349 = tpu.memref_squeeze %dma_wait3A_348 : memref<1x100x2048xf32, #tpu.memory_space<any>> -> memref<100x2048xf32, #tpu.memory_space<any>>
        tpu.wait_dma2 semaphore(%dma_wait3A_341 : memref<!tpu.dma_semaphore, #tpu.memory_space<semaphore_mem>>) src(%dma_wait3A_349 : memref<100x2048xf32, #tpu.memory_space<any>>) dst(%dma_wait3A_345 : memref<100x2048xf32, #tpu.memory_space<vmem>>)
      } else {
      }
      %add3A_249 = arith.constant 2 : i32
      %add3A_250 = arith.addi %add3A_225, %add3A_249 : i32
      %lt3A_251 = arith.cmpi slt, %add3A_250, %get3A_3 : i32
      %convert_element_type3A_252 = arith.extui %lt3A_251 : i1 to i32
      %cond3A_253 = arith.constant 0 : i32
      %cond3A_254 = arith.cmpi ne, %convert_element_type3A_252, %cond3A_253 : i32
      scf.if %cond3A_254 {
        %add3A_334 = arith.constant 2 : i32
        %add3A_335 = arith.addi %add3A_225, %add3A_334 : i32
        %get3A_336 = arith.index_cast %add3A_335 : i32 to index
        %get3A_337 = memref.load %arg2[%get3A_336] : memref<32xi32, #tpu.memory_space<smem>>
        %dma_wait3A_338 = arith.constant 2 : i32
        %dma_wait3A_339 = arith.constant 2 : i32
        %dma_wait3A_340 = tpu.memref_slice %arg11[%rem3A_223, %dma_wait3A_339] : memref<2x4x!tpu.dma_semaphore, #tpu.memory_space<semaphore_mem>> -> memref<1x1x!tpu.dma_semaphore, #tpu.memory_space<semaphore_mem>>
        %dma_wait3A_341 = tpu.memref_squeeze %dma_wait3A_340 : memref<1x1x!tpu.dma_semaphore, #tpu.memory_space<semaphore_mem>> -> memref<!tpu.dma_semaphore, #tpu.memory_space<semaphore_mem>>
        %dma_wait3A_342 = arith.constant 0 : i32
        %dma_wait3A_343 = arith.constant 0 : i32
        %dma_wait3A_344 = tpu.memref_slice %arg7[%rem3A_223, %dma_wait3A_338, %dma_wait3A_342, %dma_wait3A_343] : memref<2x4x100x2048xf32, #tpu.memory_space<vmem>> -> memref<1x1x100x2048xf32, #tpu.memory_space<vmem>>
        %dma_wait3A_345 = tpu.memref_squeeze %dma_wait3A_344 : memref<1x1x100x2048xf32, #tpu.memory_space<vmem>> -> memref<100x2048xf32, #tpu.memory_space<vmem>>
        %dma_wait3A_346 = arith.constant 0 : i32
        %dma_wait3A_347 = arith.constant 0 : i32
        %dma_wait3A_348 = tpu.memref_slice %arg5[%get3A_337, %dma_wait3A_346, %dma_wait3A_347] : memref<32x100x2048xf32, #tpu.memory_space<any>> -> memref<1x100x2048xf32, #tpu.memory_space<any>>
        %dma_wait3A_349 = tpu.memref_squeeze %dma_wait3A_348 : memref<1x100x2048xf32, #tpu.memory_space<any>> -> memref<100x2048xf32, #tpu.memory_space<any>>
        tpu.wait_dma2 semaphore(%dma_wait3A_341 : memref<!tpu.dma_semaphore, #tpu.memory_space<semaphore_mem>>) src(%dma_wait3A_349 : memref<100x2048xf32, #tpu.memory_space<any>>) dst(%dma_wait3A_345 : memref<100x2048xf32, #tpu.memory_space<vmem>>)
      } else {
      }
      %add3A_255 = arith.constant 3 : i32
      %add3A_256 = arith.addi %add3A_225, %add3A_255 : i32
      %lt3A_257 = arith.cmpi slt, %add3A_256, %get3A_3 : i32
      %convert_element_type3A_258 = arith.extui %lt3A_257 : i1 to i32
      %cond3A_259 = arith.constant 0 : i32
      %cond3A_260 = arith.cmpi ne, %convert_element_type3A_258, %cond3A_259 : i32
      scf.if %cond3A_260 {
        %add3A_334 = arith.constant 3 : i32
        %add3A_335 = arith.addi %add3A_225, %add3A_334 : i32
        %get3A_336 = arith.index_cast %add3A_335 : i32 to index
        %get3A_337 = memref.load %arg2[%get3A_336] : memref<32xi32, #tpu.memory_space<smem>>
        %dma_wait3A_338 = arith.constant 3 : i32
        %dma_wait3A_339 = arith.constant 3 : i32
        %dma_wait3A_340 = tpu.memref_slice %arg11[%rem3A_223, %dma_wait3A_339] : memref<2x4x!tpu.dma_semaphore, #tpu.memory_space<semaphore_mem>> -> memref<1x1x!tpu.dma_semaphore, #tpu.memory_space<semaphore_mem>>
        %dma_wait3A_341 = tpu.memref_squeeze %dma_wait3A_340 : memref<1x1x!tpu.dma_semaphore, #tpu.memory_space<semaphore_mem>> -> memref<!tpu.dma_semaphore, #tpu.memory_space<semaphore_mem>>
        %dma_wait3A_342 = arith.constant 0 : i32
        %dma_wait3A_343 = arith.constant 0 : i32
        %dma_wait3A_344 = tpu.memref_slice %arg7[%rem3A_223, %dma_wait3A_338, %dma_wait3A_342, %dma_wait3A_343] : memref<2x4x100x2048xf32, #tpu.memory_space<vmem>> -> memref<1x1x100x2048xf32, #tpu.memory_space<vmem>>
        %dma_wait3A_345 = tpu.memref_squeeze %dma_wait3A_344 : memref<1x1x100x2048xf32, #tpu.memory_space<vmem>> -> memref<100x2048xf32, #tpu.memory_space<vmem>>
        %dma_wait3A_346 = arith.constant 0 : i32
        %dma_wait3A_347 = arith.constant 0 : i32
        %dma_wait3A_348 = tpu.memref_slice %arg5[%get3A_337, %dma_wait3A_346, %dma_wait3A_347] : memref<32x100x2048xf32, #tpu.memory_space<any>> -> memref<1x100x2048xf32, #tpu.memory_space<any>>
        %dma_wait3A_349 = tpu.memref_squeeze %dma_wait3A_348 : memref<1x100x2048xf32, #tpu.memory_space<any>> -> memref<100x2048xf32, #tpu.memory_space<any>>
        tpu.wait_dma2 semaphore(%dma_wait3A_341 : memref<!tpu.dma_semaphore, #tpu.memory_space<semaphore_mem>>) src(%dma_wait3A_349 : memref<100x2048xf32, #tpu.memory_space<any>>) dst(%dma_wait3A_345 : memref<100x2048xf32, #tpu.memory_space<vmem>>)
      } else {
      }
      %get3A_261 = arith.index_cast %rem3A_223 : i32 to index
      %get3A_262 = arith.constant 0 : index
      %get3A_263 = arith.constant 0 : index
      %get3A_264 = arith.constant 0 : index
      %get3A_265 = vector.load %arg7[%get3A_261, %get3A_262, %get3A_263, %get3A_264] : memref<2x4x100x2048xf32, #tpu.memory_space<vmem>>, vector<1x4x100x2048xf32>
      %get3A_266 = vector.shape_cast %get3A_265 : vector<1x4x100x2048xf32> to vector<4x100x2048xf32>
      %convert_element_type3A_267 = arith.truncf %get3A_266 : vector<4x100x2048xf32> to vector<4x100x2048xbf16>
      %reshape3A = vector.shape_cast %convert_element_type3A_267 : vector<4x100x2048xbf16> to vector<400x2048xbf16>
      %get3A_268 = arith.constant 0 : index
      %get3A_269 = arith.constant 0 : index
      %get3A_270 = vector.load %arg10[%get3A_268, %get3A_269] : memref<1024x2048xbf16, #tpu.memory_space<vmem>>, vector<1024x2048xbf16>
      %dot_general3A = arith.constant dense<0.000000e+00> : vector<400x1024xf32>
      %dot_general3A_271 = tpu.matmul %reshape3A, %get3A_270, %dot_general3A {dimension_numbers = #tpu.dot_dimension_numbers<[1], [1], [0], [0], [0, 0, 1, 0], [], []>, transpose_lhs_hint = false} : vector<400x2048xbf16>, vector<1024x2048xbf16>, vector<400x1024xf32> -> vector<400x1024xf32>
      %get3A_272 = arith.constant 0 : index
      %get3A_273 = arith.constant 0 : index
      %get3A_274 = arith.constant 0 : index
      %get3A_275 = vector.load %arg4[%get3A_272, %get3A_273, %get3A_274] : memref<1x1x1024xf32, #tpu.memory_space<vmem>>, vector<1x1x1024xf32>
      %get3A_276 = vector.shape_cast %get3A_275 : vector<1x1x1024xf32> to vector<1x1024xf32>
      %add3A_277 = vector.broadcast %get3A_276 : vector<1x1024xf32> to vector<400x1024xf32>
      %add3A_278 = arith.addf %dot_general3A_271, %add3A_277 : vector<400x1024xf32>
      %add3A_279 = arith.constant 0 : i32
      %add3A_280 = arith.addi %add3A_225, %add3A_279 : i32
      %slice3A = vector.extract_strided_slice %add3A_278 {offsets = [0, 0], sizes = [100, 1024], strides = [1, 1]} : vector<400x1024xf32> to vector<100x1024xf32>
      %swap3A_281 = arith.index_cast %rem3A_223 : i32 to index
      %swap3A_282 = arith.constant 0 : index
      %swap3A_283 = arith.constant 0 : index
      %swap3A_284 = arith.constant 0 : index
      %swap3A_285 = vector.load %arg8[%swap3A_281, %swap3A_282, %swap3A_283, %swap3A_284] : memref<2x4x100x1024xf32, #tpu.memory_space<vmem>>, vector<1x1x100x1024xf32>
      %swap3A_286 = vector.shape_cast %swap3A_285 : vector<1x1x100x1024xf32> to vector<100x1024xf32>
      %swap3A_287 = vector.shape_cast %slice3A : vector<100x1024xf32> to vector<1x1x100x1024xf32>
      tpu.vector_store %arg8[%swap3A_281, %swap3A_282, %swap3A_283, %swap3A_284], %swap3A_287 {strides = array<i32>} : memref<2x4x100x1024xf32, #tpu.memory_space<vmem>>, vector<1x1x100x1024xf32>,
      %lt3A_288 = arith.cmpi slt, %add3A_280, %get3A_3 : i32
      %convert_element_type3A_289 = arith.extui %lt3A_288 : i1 to i32
      %cond3A_290 = arith.constant 0 : i32
      %cond3A_291 = arith.cmpi ne, %convert_element_type3A_289, %cond3A_290 : i32
      scf.if %cond3A_291 {
        %get3A_334 = arith.index_cast %add3A_280 : i32 to index
        %get3A_335 = memref.load %arg2[%get3A_334] : memref<32xi32, #tpu.memory_space<smem>>
        %dma_start3A = arith.constant 0 : i32
        %dma_start3A_336 = arith.constant 0 : i32
        %dma_start3A_337 = tpu.memref_slice %arg12[%rem3A_223, %dma_start3A_336] : memref<2x4x!tpu.dma_semaphore, #tpu.memory_space<semaphore_mem>> -> memref<1x1x!tpu.dma_semaphore, #tpu.memory_space<semaphore_mem>>
        %dma_start3A_338 = tpu.memref_squeeze %dma_start3A_337 : memref<1x1x!tpu.dma_semaphore, #tpu.memory_space<semaphore_mem>> -> memref<!tpu.dma_semaphore, #tpu.memory_space<semaphore_mem>>
        %dma_start3A_339 = arith.constant 0 : i32
        %dma_start3A_340 = arith.constant 0 : i32
        %dma_start3A_341 = tpu.memref_slice %arg6[%get3A_335, %dma_start3A_339, %dma_start3A_340] : memref<32x100x1024xf32, #tpu.memory_space<any>> -> memref<1x100x1024xf32, #tpu.memory_space<any>>
        %dma_start3A_342 = tpu.memref_squeeze %dma_start3A_341 : memref<1x100x1024xf32, #tpu.memory_space<any>> -> memref<100x1024xf32, #tpu.memory_space<any>>
        %dma_start3A_343 = arith.constant 0 : i32
        %dma_start3A_344 = arith.constant 0 : i32
        %dma_start3A_345 = tpu.memref_slice %arg8[%rem3A_223, %dma_start3A, %dma_start3A_343, %dma_start3A_344] : memref<2x4x100x1024xf32, #tpu.memory_space<vmem>> -> memref<1x1x100x1024xf32, #tpu.memory_space<vmem>>
        %dma_start3A_346 = tpu.memref_squeeze %dma_start3A_345 : memref<1x1x100x1024xf32, #tpu.memory_space<vmem>> -> memref<100x1024xf32, #tpu.memory_space<vmem>>
        tpu.enqueue_dma source(%dma_start3A_346 : memref<100x1024xf32, #tpu.memory_space<vmem>>) target(%dma_start3A_342 : memref<100x1024xf32, #tpu.memory_space<any>>) target_semaphore(%dma_start3A_338 : memref<!tpu.dma_semaphore, #tpu.memory_space<semaphore_mem>>)
      } else {
      }
      %add3A_292 = arith.constant 1 : i32
      %add3A_293 = arith.addi %add3A_225, %add3A_292 : i32
      %slice3A_294 = vector.extract_strided_slice %add3A_278 {offsets = [100, 0], sizes = [100, 1024], strides = [1, 1]} : vector<400x1024xf32> to vector<100x1024xf32>
      %swap3A_295 = arith.index_cast %rem3A_223 : i32 to index
      %swap3A_296 = arith.constant 1 : index
      %swap3A_297 = arith.constant 0 : index
      %swap3A_298 = arith.constant 0 : index
      %swap3A_299 = vector.load %arg8[%swap3A_295, %swap3A_296, %swap3A_297, %swap3A_298] : memref<2x4x100x1024xf32, #tpu.memory_space<vmem>>, vector<1x1x100x1024xf32>
      %swap3A_300 = vector.shape_cast %swap3A_299 : vector<1x1x100x1024xf32> to vector<100x1024xf32>
      %swap3A_301 = vector.shape_cast %slice3A_294 : vector<100x1024xf32> to vector<1x1x100x1024xf32>
      tpu.vector_store %arg8[%swap3A_295, %swap3A_296, %swap3A_297, %swap3A_298], %swap3A_301 {strides = array<i32>} : memref<2x4x100x1024xf32, #tpu.memory_space<vmem>>, vector<1x1x100x1024xf32>,
      %lt3A_302 = arith.cmpi slt, %add3A_293, %get3A_3 : i32
      %convert_element_type3A_303 = arith.extui %lt3A_302 : i1 to i32
      %cond3A_304 = arith.constant 0 : i32
      %cond3A_305 = arith.cmpi ne, %convert_element_type3A_303, %cond3A_304 : i32
      scf.if %cond3A_305 {
        %get3A_334 = arith.index_cast %add3A_293 : i32 to index
        %get3A_335 = memref.load %arg2[%get3A_334] : memref<32xi32, #tpu.memory_space<smem>>
        %dma_start3A = arith.constant 1 : i32
        %dma_start3A_336 = arith.constant 1 : i32
        %dma_start3A_337 = tpu.memref_slice %arg12[%rem3A_223, %dma_start3A_336] : memref<2x4x!tpu.dma_semaphore, #tpu.memory_space<semaphore_mem>> -> memref<1x1x!tpu.dma_semaphore, #tpu.memory_space<semaphore_mem>>
        %dma_start3A_338 = tpu.memref_squeeze %dma_start3A_337 : memref<1x1x!tpu.dma_semaphore, #tpu.memory_space<semaphore_mem>> -> memref<!tpu.dma_semaphore, #tpu.memory_space<semaphore_mem>>
        %dma_start3A_339 = arith.constant 0 : i32
        %dma_start3A_340 = arith.constant 0 : i32
        %dma_start3A_341 = tpu.memref_slice %arg6[%get3A_335, %dma_start3A_339, %dma_start3A_340] : memref<32x100x1024xf32, #tpu.memory_space<any>> -> memref<1x100x1024xf32, #tpu.memory_space<any>>
        %dma_start3A_342 = tpu.memref_squeeze %dma_start3A_341 : memref<1x100x1024xf32, #tpu.memory_space<any>> -> memref<100x1024xf32, #tpu.memory_space<any>>
        %dma_start3A_343 = arith.constant 0 : i32
        %dma_start3A_344 = arith.constant 0 : i32
        %dma_start3A_345 = tpu.memref_slice %arg8[%rem3A_223, %dma_start3A, %dma_start3A_343, %dma_start3A_344] : memref<2x4x100x1024xf32, #tpu.memory_space<vmem>> -> memref<1x1x100x1024xf32, #tpu.memory_space<vmem>>
        %dma_start3A_346 = tpu.memref_squeeze %dma_start3A_345 : memref<1x1x100x1024xf32, #tpu.memory_space<vmem>> -> memref<100x1024xf32, #tpu.memory_space<vmem>>
        tpu.enqueue_dma source(%dma_start3A_346 : memref<100x1024xf32, #tpu.memory_space<vmem>>) target(%dma_start3A_342 : memref<100x1024xf32, #tpu.memory_space<any>>) target_semaphore(%dma_start3A_338 : memref<!tpu.dma_semaphore, #tpu.memory_space<semaphore_mem>>)
      } else {
      }
      %add3A_306 = arith.constant 2 : i32
      %add3A_307 = arith.addi %add3A_225, %add3A_306 : i32
      %slice3A_308 = vector.extract_strided_slice %add3A_278 {offsets = [200, 0], sizes = [100, 1024], strides = [1, 1]} : vector<400x1024xf32> to vector<100x1024xf32>
      %swap3A_309 = arith.index_cast %rem3A_223 : i32 to index
      %swap3A_310 = arith.constant 2 : index
      %swap3A_311 = arith.constant 0 : index
      %swap3A_312 = arith.constant 0 : index
      %swap3A_313 = vector.load %arg8[%swap3A_309, %swap3A_310, %swap3A_311, %swap3A_312] : memref<2x4x100x1024xf32, #tpu.memory_space<vmem>>, vector<1x1x100x1024xf32>
      %swap3A_314 = vector.shape_cast %swap3A_313 : vector<1x1x100x1024xf32> to vector<100x1024xf32>
      %swap3A_315 = vector.shape_cast %slice3A_308 : vector<100x1024xf32> to vector<1x1x100x1024xf32>
      tpu.vector_store %arg8[%swap3A_309, %swap3A_310, %swap3A_311, %swap3A_312], %swap3A_315 {strides = array<i32>} : memref<2x4x100x1024xf32, #tpu.memory_space<vmem>>, vector<1x1x100x1024xf32>,
      %lt3A_316 = arith.cmpi slt, %add3A_307, %get3A_3 : i32
      %convert_element_type3A_317 = arith.extui %lt3A_316 : i1 to i32
      %cond3A_318 = arith.constant 0 : i32
      %cond3A_319 = arith.cmpi ne, %convert_element_type3A_317, %cond3A_318 : i32
      scf.if %cond3A_319 {
        %get3A_334 = arith.index_cast %add3A_307 : i32 to index
        %get3A_335 = memref.load %arg2[%get3A_334] : memref<32xi32, #tpu.memory_space<smem>>
        %dma_start3A = arith.constant 2 : i32
        %dma_start3A_336 = arith.constant 2 : i32
        %dma_start3A_337 = tpu.memref_slice %arg12[%rem3A_223, %dma_start3A_336] : memref<2x4x!tpu.dma_semaphore, #tpu.memory_space<semaphore_mem>> -> memref<1x1x!tpu.dma_semaphore, #tpu.memory_space<semaphore_mem>>
        %dma_start3A_338 = tpu.memref_squeeze %dma_start3A_337 : memref<1x1x!tpu.dma_semaphore, #tpu.memory_space<semaphore_mem>> -> memref<!tpu.dma_semaphore, #tpu.memory_space<semaphore_mem>>
        %dma_start3A_339 = arith.constant 0 : i32
        %dma_start3A_340 = arith.constant 0 : i32
        %dma_start3A_341 = tpu.memref_slice %arg6[%get3A_335, %dma_start3A_339, %dma_start3A_340] : memref<32x100x1024xf32, #tpu.memory_space<any>> -> memref<1x100x1024xf32, #tpu.memory_space<any>>
        %dma_start3A_342 = tpu.memref_squeeze %dma_start3A_341 : memref<1x100x1024xf32, #tpu.memory_space<any>> -> memref<100x1024xf32, #tpu.memory_space<any>>
        %dma_start3A_343 = arith.constant 0 : i32
        %dma_start3A_344 = arith.constant 0 : i32
        %dma_start3A_345 = tpu.memref_slice %arg8[%rem3A_223, %dma_start3A, %dma_start3A_343, %dma_start3A_344] : memref<2x4x100x1024xf32, #tpu.memory_space<vmem>> -> memref<1x1x100x1024xf32, #tpu.memory_space<vmem>>
        %dma_start3A_346 = tpu.memref_squeeze %dma_start3A_345 : memref<1x1x100x1024xf32, #tpu.memory_space<vmem>> -> memref<100x1024xf32, #tpu.memory_space<vmem>>
        tpu.enqueue_dma source(%dma_start3A_346 : memref<100x1024xf32, #tpu.memory_space<vmem>>) target(%dma_start3A_342 : memref<100x1024xf32, #tpu.memory_space<any>>) target_semaphore(%dma_start3A_338 : memref<!tpu.dma_semaphore, #tpu.memory_space<semaphore_mem>>)
      } else {
      }
      %add3A_320 = arith.constant 3 : i32
      %add3A_321 = arith.addi %add3A_225, %add3A_320 : i32
      %slice3A_322 = vector.extract_strided_slice %add3A_278 {offsets = [300, 0], sizes = [100, 1024], strides = [1, 1]} : vector<400x1024xf32> to vector<100x1024xf32>
      %swap3A_323 = arith.index_cast %rem3A_223 : i32 to index
      %swap3A_324 = arith.constant 3 : index
      %swap3A_325 = arith.constant 0 : index
      %swap3A_326 = arith.constant 0 : index
      %swap3A_327 = vector.load %arg8[%swap3A_323, %swap3A_324, %swap3A_325, %swap3A_326] : memref<2x4x100x1024xf32, #tpu.memory_space<vmem>>, vector<1x1x100x1024xf32>
      %swap3A_328 = vector.shape_cast %swap3A_327 : vector<1x1x100x1024xf32> to vector<100x1024xf32>
      %swap3A_329 = vector.shape_cast %slice3A_322 : vector<100x1024xf32> to vector<1x1x100x1024xf32>
      tpu.vector_store %arg8[%swap3A_323, %swap3A_324, %swap3A_325, %swap3A_326], %swap3A_329 {strides = array<i32>} : memref<2x4x100x1024xf32, #tpu.memory_space<vmem>>, vector<1x1x100x1024xf32>,
      %lt3A_330 = arith.cmpi slt, %add3A_321, %get3A_3 : i32
      %convert_element_type3A_331 = arith.extui %lt3A_330 : i1 to i32
      %cond3A_332 = arith.constant 0 : i32
      %cond3A_333 = arith.cmpi ne, %convert_element_type3A_331, %cond3A_332 : i32
      scf.if %cond3A_333 {
        %get3A_334 = arith.index_cast %add3A_321 : i32 to index
        %get3A_335 = memref.load %arg2[%get3A_334] : memref<32xi32, #tpu.memory_space<smem>>
        %dma_start3A = arith.constant 3 : i32
        %dma_start3A_336 = arith.constant 3 : i32
        %dma_start3A_337 = tpu.memref_slice %arg12[%rem3A_223, %dma_start3A_336] : memref<2x4x!tpu.dma_semaphore, #tpu.memory_space<semaphore_mem>> -> memref<1x1x!tpu.dma_semaphore, #tpu.memory_space<semaphore_mem>>
        %dma_start3A_338 = tpu.memref_squeeze %dma_start3A_337 : memref<1x1x!tpu.dma_semaphore, #tpu.memory_space<semaphore_mem>> -> memref<!tpu.dma_semaphore, #tpu.memory_space<semaphore_mem>>
        %dma_start3A_339 = arith.constant 0 : i32
        %dma_start3A_340 = arith.constant 0 : i32
        %dma_start3A_341 = tpu.memref_slice %arg6[%get3A_335, %dma_start3A_339, %dma_start3A_340] : memref<32x100x1024xf32, #tpu.memory_space<any>> -> memref<1x100x1024xf32, #tpu.memory_space<any>>
        %dma_start3A_342 = tpu.memref_squeeze %dma_start3A_341 : memref<1x100x1024xf32, #tpu.memory_space<any>> -> memref<100x1024xf32, #tpu.memory_space<any>>
        %dma_start3A_343 = arith.constant 0 : i32
        %dma_start3A_344 = arith.constant 0 : i32
        %dma_start3A_345 = tpu.memref_slice %arg8[%rem3A_223, %dma_start3A, %dma_start3A_343, %dma_start3A_344] : memref<2x4x100x1024xf32, #tpu.memory_space<vmem>> -> memref<1x1x100x1024xf32, #tpu.memory_space<vmem>>
        %dma_start3A_346 = tpu.memref_squeeze %dma_start3A_345 : memref<1x1x100x1024xf32, #tpu.memory_space<vmem>> -> memref<100x1024xf32, #tpu.memory_space<vmem>>
        tpu.enqueue_dma source(%dma_start3A_346 : memref<100x1024xf32, #tpu.memory_space<vmem>>) target(%dma_start3A_342 : memref<100x1024xf32, #tpu.memory_space<any>>) target_semaphore(%dma_start3A_338 : memref<!tpu.dma_semaphore, #tpu.memory_space<semaphore_mem>>)
      } else {
      }
    }
    %while3A_211 = arith.constant 1 : i32
    scf.for %while3A_221 = %while3A_209 to %while3A_205 step %while3A_211  : i32 {
      %rem3A_222 = arith.constant 2 : i32
      %rem3A_223 = arith.remsi %while3A_221, %rem3A_222 : i32
      %mul3A = arith.constant 4 : i32
      %mul3A_224 = arith.muli %while3A_221, %mul3A : i32
      %add3A_225 = arith.addi %get3A_0, %mul3A_224 : i32
      %add3A_226 = arith.constant 1 : i32
      %add3A_227 = arith.addi %while3A_221, %add3A_226 : i32
      %lt3A_228 = arith.cmpi slt, %add3A_227, %div3A_6 : i32
      %convert_element_type3A_229 = arith.extui %lt3A_228 : i1 to i32
      %cond3A_230 = arith.constant 0 : i32
      %cond3A_231 = arith.cmpi ne, %convert_element_type3A_229, %cond3A_230 : i32
      scf.if %cond3A_231 {
        %add3A_334 = arith.constant 4 : i32
        %add3A_335 = arith.addi %add3A_225, %add3A_334 : i32
        %add3A_336 = arith.constant 0 : i32
        %add3A_337 = arith.addi %add3A_335, %add3A_336 : i32
        %lt3A_338 = arith.cmpi slt, %add3A_337, %get3A_3 : i32
        %convert_element_type3A_339 = arith.extui %lt3A_338 : i1 to i32
        %cond3A_340 = arith.constant 0 : i32
        %cond3A_341 = arith.cmpi ne, %convert_element_type3A_339, %cond3A_340 : i32
        scf.if %cond3A_341 {
          %add3A_360 = arith.constant 0 : i32
          %add3A_361 = arith.addi %add3A_335, %add3A_360 : i32
          %sub3A_362 = arith.constant 1 : i32
          %sub3A_363 = arith.subi %sub3A_362, %rem3A_223 : i32
          %get3A_364 = arith.index_cast %add3A_361 : i32 to index
          %get3A_365 = memref.load %arg2[%get3A_364] : memref<32xi32, #tpu.memory_space<smem>>
          %dma_start3A = arith.constant 0 : i32
          %dma_start3A_366 = arith.constant 0 : i32
          %dma_start3A_367 = tpu.memref_slice %arg11[%sub3A_363, %dma_start3A_366] : memref<2x4x!tpu.dma_semaphore, #tpu.memory_space<semaphore_mem>> -> memref<1x1x!tpu.dma_semaphore, #tpu.memory_space<semaphore_mem>>
          %dma_start3A_368 = tpu.memref_squeeze %dma_start3A_367 : memref<1x1x!tpu.dma_semaphore, #tpu.memory_space<semaphore_mem>> -> memref<!tpu.dma_semaphore, #tpu.memory_space<semaphore_mem>>
          %dma_start3A_369 = arith.constant 0 : i32
          %dma_start3A_370 = arith.constant 0 : i32
          %dma_start3A_371 = tpu.memref_slice %arg7[%sub3A_363, %dma_start3A, %dma_start3A_369, %dma_start3A_370] : memref<2x4x100x2048xf32, #tpu.memory_space<vmem>> -> memref<1x1x100x2048xf32, #tpu.memory_space<vmem>>
          %dma_start3A_372 = tpu.memref_squeeze %dma_start3A_371 : memref<1x1x100x2048xf32, #tpu.memory_space<vmem>> -> memref<100x2048xf32, #tpu.memory_space<vmem>>
          %dma_start3A_373 = arith.constant 0 : i32
          %dma_start3A_374 = arith.constant 0 : i32
          %dma_start3A_375 = tpu.memref_slice %arg5[%get3A_365, %dma_start3A_373, %dma_start3A_374] : memref<32x100x2048xf32, #tpu.memory_space<any>> -> memref<1x100x2048xf32, #tpu.memory_space<any>>
          %dma_start3A_376 = tpu.memref_squeeze %dma_start3A_375 : memref<1x100x2048xf32, #tpu.memory_space<any>> -> memref<100x2048xf32, #tpu.memory_space<any>>
          tpu.enqueue_dma source(%dma_start3A_376 : memref<100x2048xf32, #tpu.memory_space<any>>) target(%dma_start3A_372 : memref<100x2048xf32, #tpu.memory_space<vmem>>) target_semaphore(%dma_start3A_368 : memref<!tpu.dma_semaphore, #tpu.memory_space<semaphore_mem>>)
        } else {
        }
        %add3A_342 = arith.constant 1 : i32
        %add3A_343 = arith.addi %add3A_335, %add3A_342 : i32
        %lt3A_344 = arith.cmpi slt, %add3A_343, %get3A_3 : i32
        %convert_element_type3A_345 = arith.extui %lt3A_344 : i1 to i32
        %cond3A_346 = arith.constant 0 : i32
        %cond3A_347 = arith.cmpi ne, %convert_element_type3A_345, %cond3A_346 : i32
        scf.if %cond3A_347 {
          %add3A_360 = arith.constant 1 : i32
          %add3A_361 = arith.addi %add3A_335, %add3A_360 : i32
          %sub3A_362 = arith.constant 1 : i32
          %sub3A_363 = arith.subi %sub3A_362, %rem3A_223 : i32
          %get3A_364 = arith.index_cast %add3A_361 : i32 to index
          %get3A_365 = memref.load %arg2[%get3A_364] : memref<32xi32, #tpu.memory_space<smem>>
          %dma_start3A = arith.constant 1 : i32
          %dma_start3A_366 = arith.constant 1 : i32
          %dma_start3A_367 = tpu.memref_slice %arg11[%sub3A_363, %dma_start3A_366] : memref<2x4x!tpu.dma_semaphore, #tpu.memory_space<semaphore_mem>> -> memref<1x1x!tpu.dma_semaphore, #tpu.memory_space<semaphore_mem>>
          %dma_start3A_368 = tpu.memref_squeeze %dma_start3A_367 : memref<1x1x!tpu.dma_semaphore, #tpu.memory_space<semaphore_mem>> -> memref<!tpu.dma_semaphore, #tpu.memory_space<semaphore_mem>>
          %dma_start3A_369 = arith.constant 0 : i32
          %dma_start3A_370 = arith.constant 0 : i32
          %dma_start3A_371 = tpu.memref_slice %arg7[%sub3A_363, %dma_start3A, %dma_start3A_369, %dma_start3A_370] : memref<2x4x100x2048xf32, #tpu.memory_space<vmem>> -> memref<1x1x100x2048xf32, #tpu.memory_space<vmem>>
          %dma_start3A_372 = tpu.memref_squeeze %dma_start3A_371 : memref<1x1x100x2048xf32, #tpu.memory_space<vmem>> -> memref<100x2048xf32, #tpu.memory_space<vmem>>
          %dma_start3A_373 = arith.constant 0 : i32
          %dma_start3A_374 = arith.constant 0 : i32
          %dma_start3A_375 = tpu.memref_slice %arg5[%get3A_365, %dma_start3A_373, %dma_start3A_374] : memref<32x100x2048xf32, #tpu.memory_space<any>> -> memref<1x100x2048xf32, #tpu.memory_space<any>>
          %dma_start3A_376 = tpu.memref_squeeze %dma_start3A_375 : memref<1x100x2048xf32, #tpu.memory_space<any>> -> memref<100x2048xf32, #tpu.memory_space<any>>
          tpu.enqueue_dma source(%dma_start3A_376 : memref<100x2048xf32, #tpu.memory_space<any>>) target(%dma_start3A_372 : memref<100x2048xf32, #tpu.memory_space<vmem>>) target_semaphore(%dma_start3A_368 : memref<!tpu.dma_semaphore, #tpu.memory_space<semaphore_mem>>)
        } else {
        }
        %add3A_348 = arith.constant 2 : i32
        %add3A_349 = arith.addi %add3A_335, %add3A_348 : i32
        %lt3A_350 = arith.cmpi slt, %add3A_349, %get3A_3 : i32
        %convert_element_type3A_351 = arith.extui %lt3A_350 : i1 to i32
        %cond3A_352 = arith.constant 0 : i32
        %cond3A_353 = arith.cmpi ne, %convert_element_type3A_351, %cond3A_352 : i32
        scf.if %cond3A_353 {
          %add3A_360 = arith.constant 2 : i32
          %add3A_361 = arith.addi %add3A_335, %add3A_360 : i32
          %sub3A_362 = arith.constant 1 : i32
          %sub3A_363 = arith.subi %sub3A_362, %rem3A_223 : i32
          %get3A_364 = arith.index_cast %add3A_361 : i32 to index
          %get3A_365 = memref.load %arg2[%get3A_364] : memref<32xi32, #tpu.memory_space<smem>>
          %dma_start3A = arith.constant 2 : i32
          %dma_start3A_366 = arith.constant 2 : i32
          %dma_start3A_367 = tpu.memref_slice %arg11[%sub3A_363, %dma_start3A_366] : memref<2x4x!tpu.dma_semaphore, #tpu.memory_space<semaphore_mem>> -> memref<1x1x!tpu.dma_semaphore, #tpu.memory_space<semaphore_mem>>
          %dma_start3A_368 = tpu.memref_squeeze %dma_start3A_367 : memref<1x1x!tpu.dma_semaphore, #tpu.memory_space<semaphore_mem>> -> memref<!tpu.dma_semaphore, #tpu.memory_space<semaphore_mem>>
          %dma_start3A_369 = arith.constant 0 : i32
          %dma_start3A_370 = arith.constant 0 : i32
          %dma_start3A_371 = tpu.memref_slice %arg7[%sub3A_363, %dma_start3A, %dma_start3A_369, %dma_start3A_370] : memref<2x4x100x2048xf32, #tpu.memory_space<vmem>> -> memref<1x1x100x2048xf32, #tpu.memory_space<vmem>>
          %dma_start3A_372 = tpu.memref_squeeze %dma_start3A_371 : memref<1x1x100x2048xf32, #tpu.memory_space<vmem>> -> memref<100x2048xf32, #tpu.memory_space<vmem>>
          %dma_start3A_373 = arith.constant 0 : i32
          %dma_start3A_374 = arith.constant 0 : i32
          %dma_start3A_375 = tpu.memref_slice %arg5[%get3A_365, %dma_start3A_373, %dma_start3A_374] : memref<32x100x2048xf32, #tpu.memory_space<any>> -> memref<1x100x2048xf32, #tpu.memory_space<any>>
          %dma_start3A_376 = tpu.memref_squeeze %dma_start3A_375 : memref<1x100x2048xf32, #tpu.memory_space<any>> -> memref<100x2048xf32, #tpu.memory_space<any>>
          tpu.enqueue_dma source(%dma_start3A_376 : memref<100x2048xf32, #tpu.memory_space<any>>) target(%dma_start3A_372 : memref<100x2048xf32, #tpu.memory_space<vmem>>) target_semaphore(%dma_start3A_368 : memref<!tpu.dma_semaphore, #tpu.memory_space<semaphore_mem>>)
        } else {
        }
        %add3A_354 = arith.constant 3 : i32
        %add3A_355 = arith.addi %add3A_335, %add3A_354 : i32
        %lt3A_356 = arith.cmpi slt, %add3A_355, %get3A_3 : i32
        %convert_element_type3A_357 = arith.extui %lt3A_356 : i1 to i32
        %cond3A_358 = arith.constant 0 : i32
        %cond3A_359 = arith.cmpi ne, %convert_element_type3A_357, %cond3A_358 : i32
        scf.if %cond3A_359 {
          %add3A_360 = arith.constant 3 : i32
          %add3A_361 = arith.addi %add3A_335, %add3A_360 : i32
          %sub3A_362 = arith.constant 1 : i32
          %sub3A_363 = arith.subi %sub3A_362, %rem3A_223 : i32
          %get3A_364 = arith.index_cast %add3A_361 : i32 to index
          %get3A_365 = memref.load %arg2[%get3A_364] : memref<32xi32, #tpu.memory_space<smem>>
          %dma_start3A = arith.constant 3 : i32
          %dma_start3A_366 = arith.constant 3 : i32
          %dma_start3A_367 = tpu.memref_slice %arg11[%sub3A_363, %dma_start3A_366] : memref<2x4x!tpu.dma_semaphore, #tpu.memory_space<semaphore_mem>> -> memref<1x1x!tpu.dma_semaphore, #tpu.memory_space<semaphore_mem>>
          %dma_start3A_368 = tpu.memref_squeeze %dma_start3A_367 : memref<1x1x!tpu.dma_semaphore, #tpu.memory_space<semaphore_mem>> -> memref<!tpu.dma_semaphore, #tpu.memory_space<semaphore_mem>>
          %dma_start3A_369 = arith.constant 0 : i32
          %dma_start3A_370 = arith.constant 0 : i32
          %dma_start3A_371 = tpu.memref_slice %arg7[%sub3A_363, %dma_start3A, %dma_start3A_369, %dma_start3A_370] : memref<2x4x100x2048xf32, #tpu.memory_space<vmem>> -> memref<1x1x100x2048xf32, #tpu.memory_space<vmem>>
          %dma_start3A_372 = tpu.memref_squeeze %dma_start3A_371 : memref<1x1x100x2048xf32, #tpu.memory_space<vmem>> -> memref<100x2048xf32, #tpu.memory_space<vmem>>
          %dma_start3A_373 = arith.constant 0 : i32
          %dma_start3A_374 = arith.constant 0 : i32
          %dma_start3A_375 = tpu.memref_slice %arg5[%get3A_365, %dma_start3A_373, %dma_start3A_374] : memref<32x100x2048xf32, #tpu.memory_space<any>> -> memref<1x100x2048xf32, #tpu.memory_space<any>>
          %dma_start3A_376 = tpu.memref_squeeze %dma_start3A_375 : memref<1x100x2048xf32, #tpu.memory_space<any>> -> memref<100x2048xf32, #tpu.memory_space<any>>
          tpu.enqueue_dma source(%dma_start3A_376 : memref<100x2048xf32, #tpu.memory_space<any>>) target(%dma_start3A_372 : memref<100x2048xf32, #tpu.memory_space<vmem>>) target_semaphore(%dma_start3A_368 : memref<!tpu.dma_semaphore, #tpu.memory_space<semaphore_mem>>)
        } else {
        }
      } else {
      }
      %ge3A_232 = arith.constant 2 : i32
      %ge3A_233 = arith.cmpi sge, %while3A_221, %ge3A_232 : i32
      %convert_element_type3A_234 = arith.extui %ge3A_233 : i1 to i32
      %cond3A_235 = arith.constant 0 : i32
      %cond3A_236 = arith.cmpi ne, %convert_element_type3A_234, %cond3A_235 : i32
      scf.if %cond3A_236 {
        %sub3A_334 = arith.constant 8 : i32
        %sub3A_335 = arith.subi %add3A_225, %sub3A_334 : i32
        %add3A_336 = arith.constant 0 : i32
        %add3A_337 = arith.addi %sub3A_335, %add3A_336 : i32
        %lt3A_338 = arith.cmpi slt, %add3A_337, %get3A_3 : i32
        %convert_element_type3A_339 = arith.extui %lt3A_338 : i1 to i32
        %cond3A_340 = arith.constant 0 : i32
        %cond3A_341 = arith.cmpi ne, %convert_element_type3A_339, %cond3A_340 : i32
        scf.if %cond3A_341 {
          %add3A_360 = arith.constant 0 : i32
          %add3A_361 = arith.addi %sub3A_335, %add3A_360 : i32
          %get3A_362 = arith.index_cast %add3A_361 : i32 to index
          %get3A_363 = memref.load %arg2[%get3A_362] : memref<32xi32, #tpu.memory_space<smem>>
          %dma_wait3A_364 = arith.constant 0 : i32
          %dma_wait3A_365 = arith.constant 0 : i32
          %dma_wait3A_366 = tpu.memref_slice %arg12[%rem3A_223, %dma_wait3A_365] : memref<2x4x!tpu.dma_semaphore, #tpu.memory_space<semaphore_mem>> -> memref<1x1x!tpu.dma_semaphore, #tpu.memory_space<semaphore_mem>>
          %dma_wait3A_367 = tpu.memref_squeeze %dma_wait3A_366 : memref<1x1x!tpu.dma_semaphore, #tpu.memory_space<semaphore_mem>> -> memref<!tpu.dma_semaphore, #tpu.memory_space<semaphore_mem>>
          %dma_wait3A_368 = arith.constant 0 : i32
          %dma_wait3A_369 = arith.constant 0 : i32
          %dma_wait3A_370 = tpu.memref_slice %arg6[%get3A_363, %dma_wait3A_368, %dma_wait3A_369] : memref<32x100x1024xf32, #tpu.memory_space<any>> -> memref<1x100x1024xf32, #tpu.memory_space<any>>
          %dma_wait3A_371 = tpu.memref_squeeze %dma_wait3A_370 : memref<1x100x1024xf32, #tpu.memory_space<any>> -> memref<100x1024xf32, #tpu.memory_space<any>>
          %dma_wait3A_372 = arith.constant 0 : i32
          %dma_wait3A_373 = arith.constant 0 : i32
          %dma_wait3A_374 = tpu.memref_slice %arg8[%rem3A_223, %dma_wait3A_364, %dma_wait3A_372, %dma_wait3A_373] : memref<2x4x100x1024xf32, #tpu.memory_space<vmem>> -> memref<1x1x100x1024xf32, #tpu.memory_space<vmem>>
          %dma_wait3A_375 = tpu.memref_squeeze %dma_wait3A_374 : memref<1x1x100x1024xf32, #tpu.memory_space<vmem>> -> memref<100x1024xf32, #tpu.memory_space<vmem>>
          tpu.wait_dma2 semaphore(%dma_wait3A_367 : memref<!tpu.dma_semaphore, #tpu.memory_space<semaphore_mem>>) src(%dma_wait3A_375 : memref<100x1024xf32, #tpu.memory_space<vmem>>) dst(%dma_wait3A_371 : memref<100x1024xf32, #tpu.memory_space<any>>)
        } else {
        }
        %add3A_342 = arith.constant 1 : i32
        %add3A_343 = arith.addi %sub3A_335, %add3A_342 : i32
        %lt3A_344 = arith.cmpi slt, %add3A_343, %get3A_3 : i32
        %convert_element_type3A_345 = arith.extui %lt3A_344 : i1 to i32
        %cond3A_346 = arith.constant 0 : i32
        %cond3A_347 = arith.cmpi ne, %convert_element_type3A_345, %cond3A_346 : i32
        scf.if %cond3A_347 {
          %add3A_360 = arith.constant 1 : i32
          %add3A_361 = arith.addi %sub3A_335, %add3A_360 : i32
          %get3A_362 = arith.index_cast %add3A_361 : i32 to index
          %get3A_363 = memref.load %arg2[%get3A_362] : memref<32xi32, #tpu.memory_space<smem>>
          %dma_wait3A_364 = arith.constant 1 : i32
          %dma_wait3A_365 = arith.constant 1 : i32
          %dma_wait3A_366 = tpu.memref_slice %arg12[%rem3A_223, %dma_wait3A_365] : memref<2x4x!tpu.dma_semaphore, #tpu.memory_space<semaphore_mem>> -> memref<1x1x!tpu.dma_semaphore, #tpu.memory_space<semaphore_mem>>
          %dma_wait3A_367 = tpu.memref_squeeze %dma_wait3A_366 : memref<1x1x!tpu.dma_semaphore, #tpu.memory_space<semaphore_mem>> -> memref<!tpu.dma_semaphore, #tpu.memory_space<semaphore_mem>>
          %dma_wait3A_368 = arith.constant 0 : i32
          %dma_wait3A_369 = arith.constant 0 : i32
          %dma_wait3A_370 = tpu.memref_slice %arg6[%get3A_363, %dma_wait3A_368, %dma_wait3A_369] : memref<32x100x1024xf32, #tpu.memory_space<any>> -> memref<1x100x1024xf32, #tpu.memory_space<any>>
          %dma_wait3A_371 = tpu.memref_squeeze %dma_wait3A_370 : memref<1x100x1024xf32, #tpu.memory_space<any>> -> memref<100x1024xf32, #tpu.memory_space<any>>
          %dma_wait3A_372 = arith.constant 0 : i32
          %dma_wait3A_373 = arith.constant 0 : i32
          %dma_wait3A_374 = tpu.memref_slice %arg8[%rem3A_223, %dma_wait3A_364, %dma_wait3A_372, %dma_wait3A_373] : memref<2x4x100x1024xf32, #tpu.memory_space<vmem>> -> memref<1x1x100x1024xf32, #tpu.memory_space<vmem>>
          %dma_wait3A_375 = tpu.memref_squeeze %dma_wait3A_374 : memref<1x1x100x1024xf32, #tpu.memory_space<vmem>> -> memref<100x1024xf32, #tpu.memory_space<vmem>>
          tpu.wait_dma2 semaphore(%dma_wait3A_367 : memref<!tpu.dma_semaphore, #tpu.memory_space<semaphore_mem>>) src(%dma_wait3A_375 : memref<100x1024xf32, #tpu.memory_space<vmem>>) dst(%dma_wait3A_371 : memref<100x1024xf32, #tpu.memory_space<any>>)
        } else {
        }
        %add3A_348 = arith.constant 2 : i32
        %add3A_349 = arith.addi %sub3A_335, %add3A_348 : i32
        %lt3A_350 = arith.cmpi slt, %add3A_349, %get3A_3 : i32
        %convert_element_type3A_351 = arith.extui %lt3A_350 : i1 to i32
        %cond3A_352 = arith.constant 0 : i32
        %cond3A_353 = arith.cmpi ne, %convert_element_type3A_351, %cond3A_352 : i32
        scf.if %cond3A_353 {
          %add3A_360 = arith.constant 2 : i32
          %add3A_361 = arith.addi %sub3A_335, %add3A_360 : i32
          %get3A_362 = arith.index_cast %add3A_361 : i32 to index
          %get3A_363 = memref.load %arg2[%get3A_362] : memref<32xi32, #tpu.memory_space<smem>>
          %dma_wait3A_364 = arith.constant 2 : i32
          %dma_wait3A_365 = arith.constant 2 : i32
          %dma_wait3A_366 = tpu.memref_slice %arg12[%rem3A_223, %dma_wait3A_365] : memref<2x4x!tpu.dma_semaphore, #tpu.memory_space<semaphore_mem>> -> memref<1x1x!tpu.dma_semaphore, #tpu.memory_space<semaphore_mem>>
          %dma_wait3A_367 = tpu.memref_squeeze %dma_wait3A_366 : memref<1x1x!tpu.dma_semaphore, #tpu.memory_space<semaphore_mem>> -> memref<!tpu.dma_semaphore, #tpu.memory_space<semaphore_mem>>
          %dma_wait3A_368 = arith.constant 0 : i32
          %dma_wait3A_369 = arith.constant 0 : i32
          %dma_wait3A_370 = tpu.memref_slice %arg6[%get3A_363, %dma_wait3A_368, %dma_wait3A_369] : memref<32x100x1024xf32, #tpu.memory_space<any>> -> memref<1x100x1024xf32, #tpu.memory_space<any>>
          %dma_wait3A_371 = tpu.memref_squeeze %dma_wait3A_370 : memref<1x100x1024xf32, #tpu.memory_space<any>> -> memref<100x1024xf32, #tpu.memory_space<any>>
          %dma_wait3A_372 = arith.constant 0 : i32
          %dma_wait3A_373 = arith.constant 0 : i32
          %dma_wait3A_374 = tpu.memref_slice %arg8[%rem3A_223, %dma_wait3A_364, %dma_wait3A_372, %dma_wait3A_373] : memref<2x4x100x1024xf32, #tpu.memory_space<vmem>> -> memref<1x1x100x1024xf32, #tpu.memory_space<vmem>>
          %dma_wait3A_375 = tpu.memref_squeeze %dma_wait3A_374 : memref<1x1x100x1024xf32, #tpu.memory_space<vmem>> -> memref<100x1024xf32, #tpu.memory_space<vmem>>
          tpu.wait_dma2 semaphore(%dma_wait3A_367 : memref<!tpu.dma_semaphore, #tpu.memory_space<semaphore_mem>>) src(%dma_wait3A_375 : memref<100x1024xf32, #tpu.memory_space<vmem>>) dst(%dma_wait3A_371 : memref<100x1024xf32, #tpu.memory_space<any>>)
        } else {
        }
        %add3A_354 = arith.constant 3 : i32
        %add3A_355 = arith.addi %sub3A_335, %add3A_354 : i32
        %lt3A_356 = arith.cmpi slt, %add3A_355, %get3A_3 : i32
        %convert_element_type3A_357 = arith.extui %lt3A_356 : i1 to i32
        %cond3A_358 = arith.constant 0 : i32
        %cond3A_359 = arith.cmpi ne, %convert_element_type3A_357, %cond3A_358 : i32
        scf.if %cond3A_359 {
          %add3A_360 = arith.constant 3 : i32
          %add3A_361 = arith.addi %sub3A_335, %add3A_360 : i32
          %get3A_362 = arith.index_cast %add3A_361 : i32 to index
          %get3A_363 = memref.load %arg2[%get3A_362] : memref<32xi32, #tpu.memory_space<smem>>
          %dma_wait3A_364 = arith.constant 3 : i32
          %dma_wait3A_365 = arith.constant 3 : i32
          %dma_wait3A_366 = tpu.memref_slice %arg12[%rem3A_223, %dma_wait3A_365] : memref<2x4x!tpu.dma_semaphore, #tpu.memory_space<semaphore_mem>> -> memref<1x1x!tpu.dma_semaphore, #tpu.memory_space<semaphore_mem>>
          %dma_wait3A_367 = tpu.memref_squeeze %dma_wait3A_366 : memref<1x1x!tpu.dma_semaphore, #tpu.memory_space<semaphore_mem>> -> memref<!tpu.dma_semaphore, #tpu.memory_space<semaphore_mem>>
          %dma_wait3A_368 = arith.constant 0 : i32
          %dma_wait3A_369 = arith.constant 0 : i32
          %dma_wait3A_370 = tpu.memref_slice %arg6[%get3A_363, %dma_wait3A_368, %dma_wait3A_369] : memref<32x100x1024xf32, #tpu.memory_space<any>> -> memref<1x100x1024xf32, #tpu.memory_space<any>>
          %dma_wait3A_371 = tpu.memref_squeeze %dma_wait3A_370 : memref<1x100x1024xf32, #tpu.memory_space<any>> -> memref<100x1024xf32, #tpu.memory_space<any>>
          %dma_wait3A_372 = arith.constant 0 : i32
          %dma_wait3A_373 = arith.constant 0 : i32
          %dma_wait3A_374 = tpu.memref_slice %arg8[%rem3A_223, %dma_wait3A_364, %dma_wait3A_372, %dma_wait3A_373] : memref<2x4x100x1024xf32, #tpu.memory_space<vmem>> -> memref<1x1x100x1024xf32, #tpu.memory_space<vmem>>
          %dma_wait3A_375 = tpu.memref_squeeze %dma_wait3A_374 : memref<1x1x100x1024xf32, #tpu.memory_space<vmem>> -> memref<100x1024xf32, #tpu.memory_space<vmem>>
          tpu.wait_dma2 semaphore(%dma_wait3A_367 : memref<!tpu.dma_semaphore, #tpu.memory_space<semaphore_mem>>) src(%dma_wait3A_375 : memref<100x1024xf32, #tpu.memory_space<vmem>>) dst(%dma_wait3A_371 : memref<100x1024xf32, #tpu.memory_space<any>>)
        } else {
        }
      } else {
      }
      %add3A_237 = arith.constant 0 : i32
      %add3A_238 = arith.addi %add3A_225, %add3A_237 : i32
      %lt3A_239 = arith.cmpi slt, %add3A_238, %get3A_3 : i32
      %convert_element_type3A_240 = arith.extui %lt3A_239 : i1 to i32
      %cond3A_241 = arith.constant 0 : i32
      %cond3A_242 = arith.cmpi ne, %convert_element_type3A_240, %cond3A_241 : i32
      scf.if %cond3A_242 {
        %add3A_334 = arith.constant 0 : i32
        %add3A_335 = arith.addi %add3A_225, %add3A_334 : i32
        %get3A_336 = arith.index_cast %add3A_335 : i32 to index
        %get3A_337 = memref.load %arg2[%get3A_336] : memref<32xi32, #tpu.memory_space<smem>>
        %dma_wait3A_338 = arith.constant 0 : i32
        %dma_wait3A_339 = arith.constant 0 : i32
        %dma_wait3A_340 = tpu.memref_slice %arg11[%rem3A_223, %dma_wait3A_339] : memref<2x4x!tpu.dma_semaphore, #tpu.memory_space<semaphore_mem>> -> memref<1x1x!tpu.dma_semaphore, #tpu.memory_space<semaphore_mem>>
        %dma_wait3A_341 = tpu.memref_squeeze %dma_wait3A_340 : memref<1x1x!tpu.dma_semaphore, #tpu.memory_space<semaphore_mem>> -> memref<!tpu.dma_semaphore, #tpu.memory_space<semaphore_mem>>
        %dma_wait3A_342 = arith.constant 0 : i32
        %dma_wait3A_343 = arith.constant 0 : i32
        %dma_wait3A_344 = tpu.memref_slice %arg7[%rem3A_223, %dma_wait3A_338, %dma_wait3A_342, %dma_wait3A_343] : memref<2x4x100x2048xf32, #tpu.memory_space<vmem>> -> memref<1x1x100x2048xf32, #tpu.memory_space<vmem>>
        %dma_wait3A_345 = tpu.memref_squeeze %dma_wait3A_344 : memref<1x1x100x2048xf32, #tpu.memory_space<vmem>> -> memref<100x2048xf32, #tpu.memory_space<vmem>>
        %dma_wait3A_346 = arith.constant 0 : i32
        %dma_wait3A_347 = arith.constant 0 : i32
        %dma_wait3A_348 = tpu.memref_slice %arg5[%get3A_337, %dma_wait3A_346, %dma_wait3A_347] : memref<32x100x2048xf32, #tpu.memory_space<any>> -> memref<1x100x2048xf32, #tpu.memory_space<any>>
        %dma_wait3A_349 = tpu.memref_squeeze %dma_wait3A_348 : memref<1x100x2048xf32, #tpu.memory_space<any>> -> memref<100x2048xf32, #tpu.memory_space<any>>
        tpu.wait_dma2 semaphore(%dma_wait3A_341 : memref<!tpu.dma_semaphore, #tpu.memory_space<semaphore_mem>>) src(%dma_wait3A_349 : memref<100x2048xf32, #tpu.memory_space<any>>) dst(%dma_wait3A_345 : memref<100x2048xf32, #tpu.memory_space<vmem>>)
      } else {
      }
      %add3A_243 = arith.constant 1 : i32
      %add3A_244 = arith.addi %add3A_225, %add3A_243 : i32
      %lt3A_245 = arith.cmpi slt, %add3A_244, %get3A_3 : i32
      %convert_element_type3A_246 = arith.extui %lt3A_245 : i1 to i32
      %cond3A_247 = arith.constant 0 : i32
      %cond3A_248 = arith.cmpi ne, %convert_element_type3A_246, %cond3A_247 : i32
      scf.if %cond3A_248 {
        %add3A_334 = arith.constant 1 : i32
        %add3A_335 = arith.addi %add3A_225, %add3A_334 : i32
        %get3A_336 = arith.index_cast %add3A_335 : i32 to index
        %get3A_337 = memref.load %arg2[%get3A_336] : memref<32xi32, #tpu.memory_space<smem>>
        %dma_wait3A_338 = arith.constant 1 : i32
        %dma_wait3A_339 = arith.constant 1 : i32
        %dma_wait3A_340 = tpu.memref_slice %arg11[%rem3A_223, %dma_wait3A_339] : memref<2x4x!tpu.dma_semaphore, #tpu.memory_space<semaphore_mem>> -> memref<1x1x!tpu.dma_semaphore, #tpu.memory_space<semaphore_mem>>
        %dma_wait3A_341 = tpu.memref_squeeze %dma_wait3A_340 : memref<1x1x!tpu.dma_semaphore, #tpu.memory_space<semaphore_mem>> -> memref<!tpu.dma_semaphore, #tpu.memory_space<semaphore_mem>>
        %dma_wait3A_342 = arith.constant 0 : i32
        %dma_wait3A_343 = arith.constant 0 : i32
        %dma_wait3A_344 = tpu.memref_slice %arg7[%rem3A_223, %dma_wait3A_338, %dma_wait3A_342, %dma_wait3A_343] : memref<2x4x100x2048xf32, #tpu.memory_space<vmem>> -> memref<1x1x100x2048xf32, #tpu.memory_space<vmem>>
        %dma_wait3A_345 = tpu.memref_squeeze %dma_wait3A_344 : memref<1x1x100x2048xf32, #tpu.memory_space<vmem>> -> memref<100x2048xf32, #tpu.memory_space<vmem>>
        %dma_wait3A_346 = arith.constant 0 : i32
        %dma_wait3A_347 = arith.constant 0 : i32
        %dma_wait3A_348 = tpu.memref_slice %arg5[%get3A_337, %dma_wait3A_346, %dma_wait3A_347] : memref<32x100x2048xf32, #tpu.memory_space<any>> -> memref<1x100x2048xf32, #tpu.memory_space<any>>
        %dma_wait3A_349 = tpu.memref_squeeze %dma_wait3A_348 : memref<1x100x2048xf32, #tpu.memory_space<any>> -> memref<100x2048xf32, #tpu.memory_space<any>>
        tpu.wait_dma2 semaphore(%dma_wait3A_341 : memref<!tpu.dma_semaphore, #tpu.memory_space<semaphore_mem>>) src(%dma_wait3A_349 : memref<100x2048xf32, #tpu.memory_space<any>>) dst(%dma_wait3A_345 : memref<100x2048xf32, #tpu.memory_space<vmem>>)
      } else {
      }
      %add3A_249 = arith.constant 2 : i32
      %add3A_250 = arith.addi %add3A_225, %add3A_249 : i32
      %lt3A_251 = arith.cmpi slt, %add3A_250, %get3A_3 : i32
      %convert_element_type3A_252 = arith.extui %lt3A_251 : i1 to i32
      %cond3A_253 = arith.constant 0 : i32
      %cond3A_254 = arith.cmpi ne, %convert_element_type3A_252, %cond3A_253 : i32
      scf.if %cond3A_254 {
        %add3A_334 = arith.constant 2 : i32
        %add3A_335 = arith.addi %add3A_225, %add3A_334 : i32
        %get3A_336 = arith.index_cast %add3A_335 : i32 to index
        %get3A_337 = memref.load %arg2[%get3A_336] : memref<32xi32, #tpu.memory_space<smem>>
        %dma_wait3A_338 = arith.constant 2 : i32
        %dma_wait3A_339 = arith.constant 2 : i32
        %dma_wait3A_340 = tpu.memref_slice %arg11[%rem3A_223, %dma_wait3A_339] : memref<2x4x!tpu.dma_semaphore, #tpu.memory_space<semaphore_mem>> -> memref<1x1x!tpu.dma_semaphore, #tpu.memory_space<semaphore_mem>>
        %dma_wait3A_341 = tpu.memref_squeeze %dma_wait3A_340 : memref<1x1x!tpu.dma_semaphore, #tpu.memory_space<semaphore_mem>> -> memref<!tpu.dma_semaphore, #tpu.memory_space<semaphore_mem>>
        %dma_wait3A_342 = arith.constant 0 : i32
        %dma_wait3A_343 = arith.constant 0 : i32
        %dma_wait3A_344 = tpu.memref_slice %arg7[%rem3A_223, %dma_wait3A_338, %dma_wait3A_342, %dma_wait3A_343] : memref<2x4x100x2048xf32, #tpu.memory_space<vmem>> -> memref<1x1x100x2048xf32, #tpu.memory_space<vmem>>
        %dma_wait3A_345 = tpu.memref_squeeze %dma_wait3A_344 : memref<1x1x100x2048xf32, #tpu.memory_space<vmem>> -> memref<100x2048xf32, #tpu.memory_space<vmem>>
        %dma_wait3A_346 = arith.constant 0 : i32
        %dma_wait3A_347 = arith.constant 0 : i32
        %dma_wait3A_348 = tpu.memref_slice %arg5[%get3A_337, %dma_wait3A_346, %dma_wait3A_347] : memref<32x100x2048xf32, #tpu.memory_space<any>> -> memref<1x100x2048xf32, #tpu.memory_space<any>>
        %dma_wait3A_349 = tpu.memref_squeeze %dma_wait3A_348 : memref<1x100x2048xf32, #tpu.memory_space<any>> -> memref<100x2048xf32, #tpu.memory_space<any>>
        tpu.wait_dma2 semaphore(%dma_wait3A_341 : memref<!tpu.dma_semaphore, #tpu.memory_space<semaphore_mem>>) src(%dma_wait3A_349 : memref<100x2048xf32, #tpu.memory_space<any>>) dst(%dma_wait3A_345 : memref<100x2048xf32, #tpu.memory_space<vmem>>)
      } else {
      }
      %add3A_255 = arith.constant 3 : i32
      %add3A_256 = arith.addi %add3A_225, %add3A_255 : i32
      %lt3A_257 = arith.cmpi slt, %add3A_256, %get3A_3 : i32
      %convert_element_type3A_258 = arith.extui %lt3A_257 : i1 to i32
      %cond3A_259 = arith.constant 0 : i32
      %cond3A_260 = arith.cmpi ne, %convert_element_type3A_258, %cond3A_259 : i32
      scf.if %cond3A_260 {
        %add3A_334 = arith.constant 3 : i32
        %add3A_335 = arith.addi %add3A_225, %add3A_334 : i32
        %get3A_336 = arith.index_cast %add3A_335 : i32 to index
        %get3A_337 = memref.load %arg2[%get3A_336] : memref<32xi32, #tpu.memory_space<smem>>
        %dma_wait3A_338 = arith.constant 3 : i32
        %dma_wait3A_339 = arith.constant 3 : i32
        %dma_wait3A_340 = tpu.memref_slice %arg11[%rem3A_223, %dma_wait3A_339] : memref<2x4x!tpu.dma_semaphore, #tpu.memory_space<semaphore_mem>> -> memref<1x1x!tpu.dma_semaphore, #tpu.memory_space<semaphore_mem>>
        %dma_wait3A_341 = tpu.memref_squeeze %dma_wait3A_340 : memref<1x1x!tpu.dma_semaphore, #tpu.memory_space<semaphore_mem>> -> memref<!tpu.dma_semaphore, #tpu.memory_space<semaphore_mem>>
        %dma_wait3A_342 = arith.constant 0 : i32
        %dma_wait3A_343 = arith.constant 0 : i32
        %dma_wait3A_344 = tpu.memref_slice %arg7[%rem3A_223, %dma_wait3A_338, %dma_wait3A_342, %dma_wait3A_343] : memref<2x4x100x2048xf32, #tpu.memory_space<vmem>> -> memref<1x1x100x2048xf32, #tpu.memory_space<vmem>>
        %dma_wait3A_345 = tpu.memref_squeeze %dma_wait3A_344 : memref<1x1x100x2048xf32, #tpu.memory_space<vmem>> -> memref<100x2048xf32, #tpu.memory_space<vmem>>
        %dma_wait3A_346 = arith.constant 0 : i32
        %dma_wait3A_347 = arith.constant 0 : i32
        %dma_wait3A_348 = tpu.memref_slice %arg5[%get3A_337, %dma_wait3A_346, %dma_wait3A_347] : memref<32x100x2048xf32, #tpu.memory_space<any>> -> memref<1x100x2048xf32, #tpu.memory_space<any>>
        %dma_wait3A_349 = tpu.memref_squeeze %dma_wait3A_348 : memref<1x100x2048xf32, #tpu.memory_space<any>> -> memref<100x2048xf32, #tpu.memory_space<any>>
        tpu.wait_dma2 semaphore(%dma_wait3A_341 : memref<!tpu.dma_semaphore, #tpu.memory_space<semaphore_mem>>) src(%dma_wait3A_349 : memref<100x2048xf32, #tpu.memory_space<any>>) dst(%dma_wait3A_345 : memref<100x2048xf32, #tpu.memory_space<vmem>>)
      } else {
      }
      %get3A_261 = arith.index_cast %rem3A_223 : i32 to index
      %get3A_262 = arith.constant 0 : index
      %get3A_263 = arith.constant 0 : index
      %get3A_264 = arith.constant 0 : index
      %get3A_265 = vector.load %arg7[%get3A_261, %get3A_262, %get3A_263, %get3A_264] : memref<2x4x100x2048xf32, #tpu.memory_space<vmem>>, vector<1x4x100x2048xf32>
      %get3A_266 = vector.shape_cast %get3A_265 : vector<1x4x100x2048xf32> to vector<4x100x2048xf32>
      %convert_element_type3A_267 = arith.truncf %get3A_266 : vector<4x100x2048xf32> to vector<4x100x2048xbf16>
      %reshape3A = vector.shape_cast %convert_element_type3A_267 : vector<4x100x2048xbf16> to vector<400x2048xbf16>
      %get3A_268 = arith.constant 0 : index
      %get3A_269 = arith.constant 0 : index
      %get3A_270 = vector.load %arg10[%get3A_268, %get3A_269] : memref<1024x2048xbf16, #tpu.memory_space<vmem>>, vector<1024x2048xbf16>
      %dot_general3A = arith.constant dense<0.000000e+00> : vector<400x1024xf32>
      %dot_general3A_271 = tpu.matmul %reshape3A, %get3A_270, %dot_general3A {dimension_numbers = #tpu.dot_dimension_numbers<[1], [1], [0], [0], [0, 0, 1, 0], [], []>, transpose_lhs_hint = false} : vector<400x2048xbf16>, vector<1024x2048xbf16>, vector<400x1024xf32> -> vector<400x1024xf32>
      %get3A_272 = arith.constant 0 : index
      %get3A_273 = arith.constant 0 : index
      %get3A_274 = arith.constant 0 : index
      %get3A_275 = vector.load %arg4[%get3A_272, %get3A_273, %get3A_274] : memref<1x1x1024xf32, #tpu.memory_space<vmem>>, vector<1x1x1024xf32>
      %get3A_276 = vector.shape_cast %get3A_275 : vector<1x1x1024xf32> to vector<1x1024xf32>
      %add3A_277 = vector.broadcast %get3A_276 : vector<1x1024xf32> to vector<400x1024xf32>
      %add3A_278 = arith.addf %dot_general3A_271, %add3A_277 : vector<400x1024xf32>
      %add3A_279 = arith.constant 0 : i32
      %add3A_280 = arith.addi %add3A_225, %add3A_279 : i32
      %slice3A = vector.extract_strided_slice %add3A_278 {offsets = [0, 0], sizes = [100, 1024], strides = [1, 1]} : vector<400x1024xf32> to vector<100x1024xf32>
      %swap3A_281 = arith.index_cast %rem3A_223 : i32 to index
      %swap3A_282 = arith.constant 0 : index
      %swap3A_283 = arith.constant 0 : index
      %swap3A_284 = arith.constant 0 : index
      %swap3A_285 = vector.load %arg8[%swap3A_281, %swap3A_282, %swap3A_283, %swap3A_284] : memref<2x4x100x1024xf32, #tpu.memory_space<vmem>>, vector<1x1x100x1024xf32>
      %swap3A_286 = vector.shape_cast %swap3A_285 : vector<1x1x100x1024xf32> to vector<100x1024xf32>
      %swap3A_287 = vector.shape_cast %slice3A : vector<100x1024xf32> to vector<1x1x100x1024xf32>
      tpu.vector_store %arg8[%swap3A_281, %swap3A_282, %swap3A_283, %swap3A_284], %swap3A_287 {strides = array<i32>} : memref<2x4x100x1024xf32, #tpu.memory_space<vmem>>, vector<1x1x100x1024xf32>,
      %lt3A_288 = arith.cmpi slt, %add3A_280, %get3A_3 : i32
      %convert_element_type3A_289 = arith.extui %lt3A_288 : i1 to i32
      %cond3A_290 = arith.constant 0 : i32
      %cond3A_291 = arith.cmpi ne, %convert_element_type3A_289, %cond3A_290 : i32
      scf.if %cond3A_291 {
        %get3A_334 = arith.index_cast %add3A_280 : i32 to index
        %get3A_335 = memref.load %arg2[%get3A_334] : memref<32xi32, #tpu.memory_space<smem>>
        %dma_start3A = arith.constant 0 : i32
        %dma_start3A_336 = arith.constant 0 : i32
        %dma_start3A_337 = tpu.memref_slice %arg12[%rem3A_223, %dma_start3A_336] : memref<2x4x!tpu.dma_semaphore, #tpu.memory_space<semaphore_mem>> -> memref<1x1x!tpu.dma_semaphore, #tpu.memory_space<semaphore_mem>>
        %dma_start3A_338 = tpu.memref_squeeze %dma_start3A_337 : memref<1x1x!tpu.dma_semaphore, #tpu.memory_space<semaphore_mem>> -> memref<!tpu.dma_semaphore, #tpu.memory_space<semaphore_mem>>
        %dma_start3A_339 = arith.constant 0 : i32
        %dma_start3A_340 = arith.constant 0 : i32
        %dma_start3A_341 = tpu.memref_slice %arg6[%get3A_335, %dma_start3A_339, %dma_start3A_340] : memref<32x100x1024xf32, #tpu.memory_space<any>> -> memref<1x100x1024xf32, #tpu.memory_space<any>>
        %dma_start3A_342 = tpu.memref_squeeze %dma_start3A_341 : memref<1x100x1024xf32, #tpu.memory_space<any>> -> memref<100x1024xf32, #tpu.memory_space<any>>
        %dma_start3A_343 = arith.constant 0 : i32
        %dma_start3A_344 = arith.constant 0 : i32
        %dma_start3A_345 = tpu.memref_slice %arg8[%rem3A_223, %dma_start3A, %dma_start3A_343, %dma_start3A_344] : memref<2x4x100x1024xf32, #tpu.memory_space<vmem>> -> memref<1x1x100x1024xf32, #tpu.memory_space<vmem>>
        %dma_start3A_346 = tpu.memref_squeeze %dma_start3A_345 : memref<1x1x100x1024xf32, #tpu.memory_space<vmem>> -> memref<100x1024xf32, #tpu.memory_space<vmem>>
        tpu.enqueue_dma source(%dma_start3A_346 : memref<100x1024xf32, #tpu.memory_space<vmem>>) target(%dma_start3A_342 : memref<100x1024xf32, #tpu.memory_space<any>>) target_semaphore(%dma_start3A_338 : memref<!tpu.dma_semaphore, #tpu.memory_space<semaphore_mem>>)
      } else {
      }
      %add3A_292 = arith.constant 1 : i32
      %add3A_293 = arith.addi %add3A_225, %add3A_292 : i32
      %slice3A_294 = vector.extract_strided_slice %add3A_278 {offsets = [100, 0], sizes = [100, 1024], strides = [1, 1]} : vector<400x1024xf32> to vector<100x1024xf32>
      %swap3A_295 = arith.index_cast %rem3A_223 : i32 to index
      %swap3A_296 = arith.constant 1 : index
      %swap3A_297 = arith.constant 0 : index
      %swap3A_298 = arith.constant 0 : index
      %swap3A_299 = vector.load %arg8[%swap3A_295, %swap3A_296, %swap3A_297, %swap3A_298] : memref<2x4x100x1024xf32, #tpu.memory_space<vmem>>, vector<1x1x100x1024xf32>
      %swap3A_300 = vector.shape_cast %swap3A_299 : vector<1x1x100x1024xf32> to vector<100x1024xf32>
      %swap3A_301 = vector.shape_cast %slice3A_294 : vector<100x1024xf32> to vector<1x1x100x1024xf32>
      tpu.vector_store %arg8[%swap3A_295, %swap3A_296, %swap3A_297, %swap3A_298], %swap3A_301 {strides = array<i32>} : memref<2x4x100x1024xf32, #tpu.memory_space<vmem>>, vector<1x1x100x1024xf32>,
      %lt3A_302 = arith.cmpi slt, %add3A_293, %get3A_3 : i32
      %convert_element_type3A_303 = arith.extui %lt3A_302 : i1 to i32
      %cond3A_304 = arith.constant 0 : i32
      %cond3A_305 = arith.cmpi ne, %convert_element_type3A_303, %cond3A_304 : i32
      scf.if %cond3A_305 {
        %get3A_334 = arith.index_cast %add3A_293 : i32 to index
        %get3A_335 = memref.load %arg2[%get3A_334] : memref<32xi32, #tpu.memory_space<smem>>
        %dma_start3A = arith.constant 1 : i32
        %dma_start3A_336 = arith.constant 1 : i32
        %dma_start3A_337 = tpu.memref_slice %arg12[%rem3A_223, %dma_start3A_336] : memref<2x4x!tpu.dma_semaphore, #tpu.memory_space<semaphore_mem>> -> memref<1x1x!tpu.dma_semaphore, #tpu.memory_space<semaphore_mem>>
        %dma_start3A_338 = tpu.memref_squeeze %dma_start3A_337 : memref<1x1x!tpu.dma_semaphore, #tpu.memory_space<semaphore_mem>> -> memref<!tpu.dma_semaphore, #tpu.memory_space<semaphore_mem>>
        %dma_start3A_339 = arith.constant 0 : i32
        %dma_start3A_340 = arith.constant 0 : i32
        %dma_start3A_341 = tpu.memref_slice %arg6[%get3A_335, %dma_start3A_339, %dma_start3A_340] : memref<32x100x1024xf32, #tpu.memory_space<any>> -> memref<1x100x1024xf32, #tpu.memory_space<any>>
        %dma_start3A_342 = tpu.memref_squeeze %dma_start3A_341 : memref<1x100x1024xf32, #tpu.memory_space<any>> -> memref<100x1024xf32, #tpu.memory_space<any>>
        %dma_start3A_343 = arith.constant 0 : i32
        %dma_start3A_344 = arith.constant 0 : i32
        %dma_start3A_345 = tpu.memref_slice %arg8[%rem3A_223, %dma_start3A, %dma_start3A_343, %dma_start3A_344] : memref<2x4x100x1024xf32, #tpu.memory_space<vmem>> -> memref<1x1x100x1024xf32, #tpu.memory_space<vmem>>
        %dma_start3A_346 = tpu.memref_squeeze %dma_start3A_345 : memref<1x1x100x1024xf32, #tpu.memory_space<vmem>> -> memref<100x1024xf32, #tpu.memory_space<vmem>>
        tpu.enqueue_dma source(%dma_start3A_346 : memref<100x1024xf32, #tpu.memory_space<vmem>>) target(%dma_start3A_342 : memref<100x1024xf32, #tpu.memory_space<any>>) target_semaphore(%dma_start3A_338 : memref<!tpu.dma_semaphore, #tpu.memory_space<semaphore_mem>>)
      } else {
      }
      %add3A_306 = arith.constant 2 : i32
      %add3A_307 = arith.addi %add3A_225, %add3A_306 : i32
      %slice3A_308 = vector.extract_strided_slice %add3A_278 {offsets = [200, 0], sizes = [100, 1024], strides = [1, 1]} : vector<400x1024xf32> to vector<100x1024xf32>
      %swap3A_309 = arith.index_cast %rem3A_223 : i32 to index
      %swap3A_310 = arith.constant 2 : index
      %swap3A_311 = arith.constant 0 : index
      %swap3A_312 = arith.constant 0 : index
      %swap3A_313 = vector.load %arg8[%swap3A_309, %swap3A_310, %swap3A_311, %swap3A_312] : memref<2x4x100x1024xf32, #tpu.memory_space<vmem>>, vector<1x1x100x1024xf32>
      %swap3A_314 = vector.shape_cast %swap3A_313 : vector<1x1x100x1024xf32> to vector<100x1024xf32>
      %swap3A_315 = vector.shape_cast %slice3A_308 : vector<100x1024xf32> to vector<1x1x100x1024xf32>
      tpu.vector_store %arg8[%swap3A_309, %swap3A_310, %swap3A_311, %swap3A_312], %swap3A_315 {strides = array<i32>} : memref<2x4x100x1024xf32, #tpu.memory_space<vmem>>, vector<1x1x100x1024xf32>,
      %lt3A_316 = arith.cmpi slt, %add3A_307, %get3A_3 : i32
      %convert_element_type3A_317 = arith.extui %lt3A_316 : i1 to i32
      %cond3A_318 = arith.constant 0 : i32
      %cond3A_319 = arith.cmpi ne, %convert_element_type3A_317, %cond3A_318 : i32
      scf.if %cond3A_319 {
        %get3A_334 = arith.index_cast %add3A_307 : i32 to index
        %get3A_335 = memref.load %arg2[%get3A_334] : memref<32xi32, #tpu.memory_space<smem>>
        %dma_start3A = arith.constant 2 : i32
        %dma_start3A_336 = arith.constant 2 : i32
        %dma_start3A_337 = tpu.memref_slice %arg12[%rem3A_223, %dma_start3A_336] : memref<2x4x!tpu.dma_semaphore, #tpu.memory_space<semaphore_mem>> -> memref<1x1x!tpu.dma_semaphore, #tpu.memory_space<semaphore_mem>>
        %dma_start3A_338 = tpu.memref_squeeze %dma_start3A_337 : memref<1x1x!tpu.dma_semaphore, #tpu.memory_space<semaphore_mem>> -> memref<!tpu.dma_semaphore, #tpu.memory_space<semaphore_mem>>
        %dma_start3A_339 = arith.constant 0 : i32
        %dma_start3A_340 = arith.constant 0 : i32
        %dma_start3A_341 = tpu.memref_slice %arg6[%get3A_335, %dma_start3A_339, %dma_start3A_340] : memref<32x100x1024xf32, #tpu.memory_space<any>> -> memref<1x100x1024xf32, #tpu.memory_space<any>>
        %dma_start3A_342 = tpu.memref_squeeze %dma_start3A_341 : memref<1x100x1024xf32, #tpu.memory_space<any>> -> memref<100x1024xf32, #tpu.memory_space<any>>
        %dma_start3A_343 = arith.constant 0 : i32
        %dma_start3A_344 = arith.constant 0 : i32
        %dma_start3A_345 = tpu.memref_slice %arg8[%rem3A_223, %dma_start3A, %dma_start3A_343, %dma_start3A_344] : memref<2x4x100x1024xf32, #tpu.memory_space<vmem>> -> memref<1x1x100x1024xf32, #tpu.memory_space<vmem>>
        %dma_start3A_346 = tpu.memref_squeeze %dma_start3A_345 : memref<1x1x100x1024xf32, #tpu.memory_space<vmem>> -> memref<100x1024xf32, #tpu.memory_space<vmem>>
        tpu.enqueue_dma source(%dma_start3A_346 : memref<100x1024xf32, #tpu.memory_space<vmem>>) target(%dma_start3A_342 : memref<100x1024xf32, #tpu.memory_space<any>>) target_semaphore(%dma_start3A_338 : memref<!tpu.dma_semaphore, #tpu.memory_space<semaphore_mem>>)
      } else {
      }
      %add3A_320 = arith.constant 3 : i32
      %add3A_321 = arith.addi %add3A_225, %add3A_320 : i32
      %slice3A_322 = vector.extract_strided_slice %add3A_278 {offsets = [300, 0], sizes = [100, 1024], strides = [1, 1]} : vector<400x1024xf32> to vector<100x1024xf32>
      %swap3A_323 = arith.index_cast %rem3A_223 : i32 to index
      %swap3A_324 = arith.constant 3 : index
      %swap3A_325 = arith.constant 0 : index
      %swap3A_326 = arith.constant 0 : index
      %swap3A_327 = vector.load %arg8[%swap3A_323, %swap3A_324, %swap3A_325, %swap3A_326] : memref<2x4x100x1024xf32, #tpu.memory_space<vmem>>, vector<1x1x100x1024xf32>
      %swap3A_328 = vector.shape_cast %swap3A_327 : vector<1x1x100x1024xf32> to vector<100x1024xf32>
      %swap3A_329 = vector.shape_cast %slice3A_322 : vector<100x1024xf32> to vector<1x1x100x1024xf32>
      tpu.vector_store %arg8[%swap3A_323, %swap3A_324, %swap3A_325, %swap3A_326], %swap3A_329 {strides = array<i32>} : memref<2x4x100x1024xf32, #tpu.memory_space<vmem>>, vector<1x1x100x1024xf32>,
      %lt3A_330 = arith.cmpi slt, %add3A_321, %get3A_3 : i32
      %convert_element_type3A_331 = arith.extui %lt3A_330 : i1 to i32
      %cond3A_332 = arith.constant 0 : i32
      %cond3A_333 = arith.cmpi ne, %convert_element_type3A_331, %cond3A_332 : i32
      scf.if %cond3A_333 {
        %get3A_334 = arith.index_cast %add3A_321 : i32 to index
        %get3A_335 = memref.load %arg2[%get3A_334] : memref<32xi32, #tpu.memory_space<smem>>
        %dma_start3A = arith.constant 3 : i32
        %dma_start3A_336 = arith.constant 3 : i32
        %dma_start3A_337 = tpu.memref_slice %arg12[%rem3A_223, %dma_start3A_336] : memref<2x4x!tpu.dma_semaphore, #tpu.memory_space<semaphore_mem>> -> memref<1x1x!tpu.dma_semaphore, #tpu.memory_space<semaphore_mem>>
        %dma_start3A_338 = tpu.memref_squeeze %dma_start3A_337 : memref<1x1x!tpu.dma_semaphore, #tpu.memory_space<semaphore_mem>> -> memref<!tpu.dma_semaphore, #tpu.memory_space<semaphore_mem>>
        %dma_start3A_339 = arith.constant 0 : i32
        %dma_start3A_340 = arith.constant 0 : i32
        %dma_start3A_341 = tpu.memref_slice %arg6[%get3A_335, %dma_start3A_339, %dma_start3A_340] : memref<32x100x1024xf32, #tpu.memory_space<any>> -> memref<1x100x1024xf32, #tpu.memory_space<any>>
        %dma_start3A_342 = tpu.memref_squeeze %dma_start3A_341 : memref<1x100x1024xf32, #tpu.memory_space<any>> -> memref<100x1024xf32, #tpu.memory_space<any>>
        %dma_start3A_343 = arith.constant 0 : i32
        %dma_start3A_344 = arith.constant 0 : i32
        %dma_start3A_345 = tpu.memref_slice %arg8[%rem3A_223, %dma_start3A, %dma_start3A_343, %dma_start3A_344] : memref<2x4x100x1024xf32, #tpu.memory_space<vmem>> -> memref<1x1x100x1024xf32, #tpu.memory_space<vmem>>
        %dma_start3A_346 = tpu.memref_squeeze %dma_start3A_345 : memref<1x1x100x1024xf32, #tpu.memory_space<vmem>> -> memref<100x1024xf32, #tpu.memory_space<vmem>>
        tpu.enqueue_dma source(%dma_start3A_346 : memref<100x1024xf32, #tpu.memory_space<vmem>>) target(%dma_start3A_342 : memref<100x1024xf32, #tpu.memory_space<any>>) target_semaphore(%dma_start3A_338 : memref<!tpu.dma_semaphore, #tpu.memory_space<semaphore_mem>>)
      } else {
      }
    }
    %ge3A = arith.constant 2 : i32
    %ge3A_212 = arith.cmpi sge, %div3A_6, %ge3A : i32
    %convert_element_type3A_213 = arith.extui %ge3A_212 : i1 to i32
    %cond3A_214 = arith.constant 0 : i32
    %cond3A_215 = arith.cmpi ne, %convert_element_type3A_213, %cond3A_214 : i32
    scf.if %cond3A_215 {
      %sub3A_221 = arith.constant 2 : i32
      %sub3A_222 = arith.subi %div3A_6, %sub3A_221 : i32
      %mul3A = arith.constant 4 : i32
      %mul3A_223 = arith.muli %sub3A_222, %mul3A : i32
      %add3A_224 = arith.addi %get3A_0, %mul3A_223 : i32
      %add3A_225 = arith.constant 0 : i32
      %add3A_226 = arith.addi %add3A_224, %add3A_225 : i32
      %lt3A_227 = arith.cmpi slt, %add3A_226, %get3A_3 : i32
      %convert_element_type3A_228 = arith.extui %lt3A_227 : i1 to i32
      %cond3A_229 = arith.constant 0 : i32
      %cond3A_230 = arith.cmpi ne, %convert_element_type3A_228, %cond3A_229 : i32
      scf.if %cond3A_230 {
        %mul3A_258 = arith.constant 4 : i32
        %mul3A_259 = arith.muli %sub3A_222, %mul3A_258 : i32
        %add3A_260 = arith.addi %get3A_0, %mul3A_259 : i32
        %add3A_261 = arith.constant 0 : i32
        %add3A_262 = arith.addi %add3A_260, %add3A_261 : i32
        %rem3A_263 = arith.constant 2 : i32
        %rem3A_264 = arith.remsi %sub3A_222, %rem3A_263 : i32
        %get3A_265 = arith.index_cast %add3A_262 : i32 to index
        %get3A_266 = memref.load %arg2[%get3A_265] : memref<32xi32, #tpu.memory_space<smem>>
        %dma_wait3A_267 = arith.constant 0 : i32
        %dma_wait3A_268 = arith.constant 0 : i32
        %dma_wait3A_269 = tpu.memref_slice %arg12[%rem3A_264, %dma_wait3A_268] : memref<2x4x!tpu.dma_semaphore, #tpu.memory_space<semaphore_mem>> -> memref<1x1x!tpu.dma_semaphore, #tpu.memory_space<semaphore_mem>>
        %dma_wait3A_270 = tpu.memref_squeeze %dma_wait3A_269 : memref<1x1x!tpu.dma_semaphore, #tpu.memory_space<semaphore_mem>> -> memref<!tpu.dma_semaphore, #tpu.memory_space<semaphore_mem>>
        %dma_wait3A_271 = arith.constant 0 : i32
        %dma_wait3A_272 = arith.constant 0 : i32
        %dma_wait3A_273 = tpu.memref_slice %arg6[%get3A_266, %dma_wait3A_271, %dma_wait3A_272] : memref<32x100x1024xf32, #tpu.memory_space<any>> -> memref<1x100x1024xf32, #tpu.memory_space<any>>
        %dma_wait3A_274 = tpu.memref_squeeze %dma_wait3A_273 : memref<1x100x1024xf32, #tpu.memory_space<any>> -> memref<100x1024xf32, #tpu.memory_space<any>>
        %dma_wait3A_275 = arith.constant 0 : i32
        %dma_wait3A_276 = arith.constant 0 : i32
        %dma_wait3A_277 = tpu.memref_slice %arg8[%rem3A_264, %dma_wait3A_267, %dma_wait3A_275, %dma_wait3A_276] : memref<2x4x100x1024xf32, #tpu.memory_space<vmem>> -> memref<1x1x100x1024xf32, #tpu.memory_space<vmem>>
        %dma_wait3A_278 = tpu.memref_squeeze %dma_wait3A_277 : memref<1x1x100x1024xf32, #tpu.memory_space<vmem>> -> memref<100x1024xf32, #tpu.memory_space<vmem>>
        tpu.wait_dma2 semaphore(%dma_wait3A_270 : memref<!tpu.dma_semaphore, #tpu.memory_space<semaphore_mem>>) src(%dma_wait3A_278 : memref<100x1024xf32, #tpu.memory_space<vmem>>) dst(%dma_wait3A_274 : memref<100x1024xf32, #tpu.memory_space<any>>)
      } else {
      }
      %mul3A_231 = arith.constant 4 : i32
      %mul3A_232 = arith.muli %sub3A_222, %mul3A_231 : i32
      %add3A_233 = arith.addi %get3A_0, %mul3A_232 : i32
      %add3A_234 = arith.constant 1 : i32
      %add3A_235 = arith.addi %add3A_233, %add3A_234 : i32
      %lt3A_236 = arith.cmpi slt, %add3A_235, %get3A_3 : i32
      %convert_element_type3A_237 = arith.extui %lt3A_236 : i1 to i32
      %cond3A_238 = arith.constant 0 : i32
      %cond3A_239 = arith.cmpi ne, %convert_element_type3A_237, %cond3A_238 : i32
      scf.if %cond3A_239 {
        %mul3A_258 = arith.constant 4 : i32
        %mul3A_259 = arith.muli %sub3A_222, %mul3A_258 : i32
        %add3A_260 = arith.addi %get3A_0, %mul3A_259 : i32
        %add3A_261 = arith.constant 1 : i32
        %add3A_262 = arith.addi %add3A_260, %add3A_261 : i32
        %rem3A_263 = arith.constant 2 : i32
        %rem3A_264 = arith.remsi %sub3A_222, %rem3A_263 : i32
        %get3A_265 = arith.index_cast %add3A_262 : i32 to index
        %get3A_266 = memref.load %arg2[%get3A_265] : memref<32xi32, #tpu.memory_space<smem>>
        %dma_wait3A_267 = arith.constant 1 : i32
        %dma_wait3A_268 = arith.constant 1 : i32
        %dma_wait3A_269 = tpu.memref_slice %arg12[%rem3A_264, %dma_wait3A_268] : memref<2x4x!tpu.dma_semaphore, #tpu.memory_space<semaphore_mem>> -> memref<1x1x!tpu.dma_semaphore, #tpu.memory_space<semaphore_mem>>
        %dma_wait3A_270 = tpu.memref_squeeze %dma_wait3A_269 : memref<1x1x!tpu.dma_semaphore, #tpu.memory_space<semaphore_mem>> -> memref<!tpu.dma_semaphore, #tpu.memory_space<semaphore_mem>>
        %dma_wait3A_271 = arith.constant 0 : i32
        %dma_wait3A_272 = arith.constant 0 : i32
        %dma_wait3A_273 = tpu.memref_slice %arg6[%get3A_266, %dma_wait3A_271, %dma_wait3A_272] : memref<32x100x1024xf32, #tpu.memory_space<any>> -> memref<1x100x1024xf32, #tpu.memory_space<any>>
        %dma_wait3A_274 = tpu.memref_squeeze %dma_wait3A_273 : memref<1x100x1024xf32, #tpu.memory_space<any>> -> memref<100x1024xf32, #tpu.memory_space<any>>
        %dma_wait3A_275 = arith.constant 0 : i32
        %dma_wait3A_276 = arith.constant 0 : i32
        %dma_wait3A_277 = tpu.memref_slice %arg8[%rem3A_264, %dma_wait3A_267, %dma_wait3A_275, %dma_wait3A_276] : memref<2x4x100x1024xf32, #tpu.memory_space<vmem>> -> memref<1x1x100x1024xf32, #tpu.memory_space<vmem>>
        %dma_wait3A_278 = tpu.memref_squeeze %dma_wait3A_277 : memref<1x1x100x1024xf32, #tpu.memory_space<vmem>> -> memref<100x1024xf32, #tpu.memory_space<vmem>>
        tpu.wait_dma2 semaphore(%dma_wait3A_270 : memref<!tpu.dma_semaphore, #tpu.memory_space<semaphore_mem>>) src(%dma_wait3A_278 : memref<100x1024xf32, #tpu.memory_space<vmem>>) dst(%dma_wait3A_274 : memref<100x1024xf32, #tpu.memory_space<any>>)
      } else {
      }
      %mul3A_240 = arith.constant 4 : i32
      %mul3A_241 = arith.muli %sub3A_222, %mul3A_240 : i32
      %add3A_242 = arith.addi %get3A_0, %mul3A_241 : i32
      %add3A_243 = arith.constant 2 : i32
      %add3A_244 = arith.addi %add3A_242, %add3A_243 : i32
      %lt3A_245 = arith.cmpi slt, %add3A_244, %get3A_3 : i32
      %convert_element_type3A_246 = arith.extui %lt3A_245 : i1 to i32
      %cond3A_247 = arith.constant 0 : i32
      %cond3A_248 = arith.cmpi ne, %convert_element_type3A_246, %cond3A_247 : i32
      scf.if %cond3A_248 {
        %mul3A_258 = arith.constant 4 : i32
        %mul3A_259 = arith.muli %sub3A_222, %mul3A_258 : i32
        %add3A_260 = arith.addi %get3A_0, %mul3A_259 : i32
        %add3A_261 = arith.constant 2 : i32
        %add3A_262 = arith.addi %add3A_260, %add3A_261 : i32
        %rem3A_263 = arith.constant 2 : i32
        %rem3A_264 = arith.remsi %sub3A_222, %rem3A_263 : i32
        %get3A_265 = arith.index_cast %add3A_262 : i32 to index
        %get3A_266 = memref.load %arg2[%get3A_265] : memref<32xi32, #tpu.memory_space<smem>>
        %dma_wait3A_267 = arith.constant 2 : i32
        %dma_wait3A_268 = arith.constant 2 : i32
        %dma_wait3A_269 = tpu.memref_slice %arg12[%rem3A_264, %dma_wait3A_268] : memref<2x4x!tpu.dma_semaphore, #tpu.memory_space<semaphore_mem>> -> memref<1x1x!tpu.dma_semaphore, #tpu.memory_space<semaphore_mem>>
        %dma_wait3A_270 = tpu.memref_squeeze %dma_wait3A_269 : memref<1x1x!tpu.dma_semaphore, #tpu.memory_space<semaphore_mem>> -> memref<!tpu.dma_semaphore, #tpu.memory_space<semaphore_mem>>
        %dma_wait3A_271 = arith.constant 0 : i32
        %dma_wait3A_272 = arith.constant 0 : i32
        %dma_wait3A_273 = tpu.memref_slice %arg6[%get3A_266, %dma_wait3A_271, %dma_wait3A_272] : memref<32x100x1024xf32, #tpu.memory_space<any>> -> memref<1x100x1024xf32, #tpu.memory_space<any>>
        %dma_wait3A_274 = tpu.memref_squeeze %dma_wait3A_273 : memref<1x100x1024xf32, #tpu.memory_space<any>> -> memref<100x1024xf32, #tpu.memory_space<any>>
        %dma_wait3A_275 = arith.constant 0 : i32
        %dma_wait3A_276 = arith.constant 0 : i32
        %dma_wait3A_277 = tpu.memref_slice %arg8[%rem3A_264, %dma_wait3A_267, %dma_wait3A_275, %dma_wait3A_276] : memref<2x4x100x1024xf32, #tpu.memory_space<vmem>> -> memref<1x1x100x1024xf32, #tpu.memory_space<vmem>>
        %dma_wait3A_278 = tpu.memref_squeeze %dma_wait3A_277 : memref<1x1x100x1024xf32, #tpu.memory_space<vmem>> -> memref<100x1024xf32, #tpu.memory_space<vmem>>
        tpu.wait_dma2 semaphore(%dma_wait3A_270 : memref<!tpu.dma_semaphore, #tpu.memory_space<semaphore_mem>>) src(%dma_wait3A_278 : memref<100x1024xf32, #tpu.memory_space<vmem>>) dst(%dma_wait3A_274 : memref<100x1024xf32, #tpu.memory_space<any>>)
      } else {
      }
      %mul3A_249 = arith.constant 4 : i32
      %mul3A_250 = arith.muli %sub3A_222, %mul3A_249 : i32
      %add3A_251 = arith.addi %get3A_0, %mul3A_250 : i32
      %add3A_252 = arith.constant 3 : i32
      %add3A_253 = arith.addi %add3A_251, %add3A_252 : i32
      %lt3A_254 = arith.cmpi slt, %add3A_253, %get3A_3 : i32
      %convert_element_type3A_255 = arith.extui %lt3A_254 : i1 to i32
      %cond3A_256 = arith.constant 0 : i32
      %cond3A_257 = arith.cmpi ne, %convert_element_type3A_255, %cond3A_256 : i32
      scf.if %cond3A_257 {
        %mul3A_258 = arith.constant 4 : i32
        %mul3A_259 = arith.muli %sub3A_222, %mul3A_258 : i32
        %add3A_260 = arith.addi %get3A_0, %mul3A_259 : i32
        %add3A_261 = arith.constant 3 : i32
        %add3A_262 = arith.addi %add3A_260, %add3A_261 : i32
        %rem3A_263 = arith.constant 2 : i32
        %rem3A_264 = arith.remsi %sub3A_222, %rem3A_263 : i32
        %get3A_265 = arith.index_cast %add3A_262 : i32 to index
        %get3A_266 = memref.load %arg2[%get3A_265] : memref<32xi32, #tpu.memory_space<smem>>
        %dma_wait3A_267 = arith.constant 3 : i32
        %dma_wait3A_268 = arith.constant 3 : i32
        %dma_wait3A_269 = tpu.memref_slice %arg12[%rem3A_264, %dma_wait3A_268] : memref<2x4x!tpu.dma_semaphore, #tpu.memory_space<semaphore_mem>> -> memref<1x1x!tpu.dma_semaphore, #tpu.memory_space<semaphore_mem>>
        %dma_wait3A_270 = tpu.memref_squeeze %dma_wait3A_269 : memref<1x1x!tpu.dma_semaphore, #tpu.memory_space<semaphore_mem>> -> memref<!tpu.dma_semaphore, #tpu.memory_space<semaphore_mem>>
        %dma_wait3A_271 = arith.constant 0 : i32
        %dma_wait3A_272 = arith.constant 0 : i32
        %dma_wait3A_273 = tpu.memref_slice %arg6[%get3A_266, %dma_wait3A_271, %dma_wait3A_272] : memref<32x100x1024xf32, #tpu.memory_space<any>> -> memref<1x100x1024xf32, #tpu.memory_space<any>>
        %dma_wait3A_274 = tpu.memref_squeeze %dma_wait3A_273 : memref<1x100x1024xf32, #tpu.memory_space<any>> -> memref<100x1024xf32, #tpu.memory_space<any>>
        %dma_wait3A_275 = arith.constant 0 : i32
        %dma_wait3A_276 = arith.constant 0 : i32
        %dma_wait3A_277 = tpu.memref_slice %arg8[%rem3A_264, %dma_wait3A_267, %dma_wait3A_275, %dma_wait3A_276] : memref<2x4x100x1024xf32, #tpu.memory_space<vmem>> -> memref<1x1x100x1024xf32, #tpu.memory_space<vmem>>
        %dma_wait3A_278 = tpu.memref_squeeze %dma_wait3A_277 : memref<1x1x100x1024xf32, #tpu.memory_space<vmem>> -> memref<100x1024xf32, #tpu.memory_space<vmem>>
        tpu.wait_dma2 semaphore(%dma_wait3A_270 : memref<!tpu.dma_semaphore, #tpu.memory_space<semaphore_mem>>) src(%dma_wait3A_278 : memref<100x1024xf32, #tpu.memory_space<vmem>>) dst(%dma_wait3A_274 : memref<100x1024xf32, #tpu.memory_space<any>>)
      } else {
      }
    } else {
    }
    %ge3A_216 = arith.constant 1 : i32
    %ge3A_217 = arith.cmpi sge, %div3A_6, %ge3A_216 : i32
    %convert_element_type3A_218 = arith.extui %ge3A_217 : i1 to i32
    %cond3A_219 = arith.constant 0 : i32
    %cond3A_220 = arith.cmpi ne, %convert_element_type3A_218, %cond3A_219 : i32
    scf.if %cond3A_220 {
      %sub3A_221 = arith.constant 1 : i32
      %sub3A_222 = arith.subi %div3A_6, %sub3A_221 : i32
      %mul3A = arith.constant 4 : i32
      %mul3A_223 = arith.muli %sub3A_222, %mul3A : i32
      %add3A_224 = arith.addi %get3A_0, %mul3A_223 : i32
      %add3A_225 = arith.constant 0 : i32
      %add3A_226 = arith.addi %add3A_224, %add3A_225 : i32
      %lt3A_227 = arith.cmpi slt, %add3A_226, %get3A_3 : i32
      %convert_element_type3A_228 = arith.extui %lt3A_227 : i1 to i32
      %cond3A_229 = arith.constant 0 : i32
      %cond3A_230 = arith.cmpi ne, %convert_element_type3A_228, %cond3A_229 : i32
      scf.if %cond3A_230 {
        %mul3A_258 = arith.constant 4 : i32
        %mul3A_259 = arith.muli %sub3A_222, %mul3A_258 : i32
        %add3A_260 = arith.addi %get3A_0, %mul3A_259 : i32
        %add3A_261 = arith.constant 0 : i32
        %add3A_262 = arith.addi %add3A_260, %add3A_261 : i32
        %rem3A_263 = arith.constant 2 : i32
        %rem3A_264 = arith.remsi %sub3A_222, %rem3A_263 : i32
        %get3A_265 = arith.index_cast %add3A_262 : i32 to index
        %get3A_266 = memref.load %arg2[%get3A_265] : memref<32xi32, #tpu.memory_space<smem>>
        %dma_wait3A_267 = arith.constant 0 : i32
        %dma_wait3A_268 = arith.constant 0 : i32
        %dma_wait3A_269 = tpu.memref_slice %arg12[%rem3A_264, %dma_wait3A_268] : memref<2x4x!tpu.dma_semaphore, #tpu.memory_space<semaphore_mem>> -> memref<1x1x!tpu.dma_semaphore, #tpu.memory_space<semaphore_mem>>
        %dma_wait3A_270 = tpu.memref_squeeze %dma_wait3A_269 : memref<1x1x!tpu.dma_semaphore, #tpu.memory_space<semaphore_mem>> -> memref<!tpu.dma_semaphore, #tpu.memory_space<semaphore_mem>>
        %dma_wait3A_271 = arith.constant 0 : i32
        %dma_wait3A_272 = arith.constant 0 : i32
        %dma_wait3A_273 = tpu.memref_slice %arg6[%get3A_266, %dma_wait3A_271, %dma_wait3A_272] : memref<32x100x1024xf32, #tpu.memory_space<any>> -> memref<1x100x1024xf32, #tpu.memory_space<any>>
        %dma_wait3A_274 = tpu.memref_squeeze %dma_wait3A_273 : memref<1x100x1024xf32, #tpu.memory_space<any>> -> memref<100x1024xf32, #tpu.memory_space<any>>
        %dma_wait3A_275 = arith.constant 0 : i32
        %dma_wait3A_276 = arith.constant 0 : i32
        %dma_wait3A_277 = tpu.memref_slice %arg8[%rem3A_264, %dma_wait3A_267, %dma_wait3A_275, %dma_wait3A_276] : memref<2x4x100x1024xf32, #tpu.memory_space<vmem>> -> memref<1x1x100x1024xf32, #tpu.memory_space<vmem>>
        %dma_wait3A_278 = tpu.memref_squeeze %dma_wait3A_277 : memref<1x1x100x1024xf32, #tpu.memory_space<vmem>> -> memref<100x1024xf32, #tpu.memory_space<vmem>>
        tpu.wait_dma2 semaphore(%dma_wait3A_270 : memref<!tpu.dma_semaphore, #tpu.memory_space<semaphore_mem>>) src(%dma_wait3A_278 : memref<100x1024xf32, #tpu.memory_space<vmem>>) dst(%dma_wait3A_274 : memref<100x1024xf32, #tpu.memory_space<any>>)
      } else {
      }
      %mul3A_231 = arith.constant 4 : i32
      %mul3A_232 = arith.muli %sub3A_222, %mul3A_231 : i32
      %add3A_233 = arith.addi %get3A_0, %mul3A_232 : i32
      %add3A_234 = arith.constant 1 : i32
      %add3A_235 = arith.addi %add3A_233, %add3A_234 : i32
      %lt3A_236 = arith.cmpi slt, %add3A_235, %get3A_3 : i32
      %convert_element_type3A_237 = arith.extui %lt3A_236 : i1 to i32
      %cond3A_238 = arith.constant 0 : i32
      %cond3A_239 = arith.cmpi ne, %convert_element_type3A_237, %cond3A_238 : i32
      scf.if %cond3A_239 {
        %mul3A_258 = arith.constant 4 : i32
        %mul3A_259 = arith.muli %sub3A_222, %mul3A_258 : i32
        %add3A_260 = arith.addi %get3A_0, %mul3A_259 : i32
        %add3A_261 = arith.constant 1 : i32
        %add3A_262 = arith.addi %add3A_260, %add3A_261 : i32
        %rem3A_263 = arith.constant 2 : i32
        %rem3A_264 = arith.remsi %sub3A_222, %rem3A_263 : i32
        %get3A_265 = arith.index_cast %add3A_262 : i32 to index
        %get3A_266 = memref.load %arg2[%get3A_265] : memref<32xi32, #tpu.memory_space<smem>>
        %dma_wait3A_267 = arith.constant 1 : i32
        %dma_wait3A_268 = arith.constant 1 : i32
        %dma_wait3A_269 = tpu.memref_slice %arg12[%rem3A_264, %dma_wait3A_268] : memref<2x4x!tpu.dma_semaphore, #tpu.memory_space<semaphore_mem>> -> memref<1x1x!tpu.dma_semaphore, #tpu.memory_space<semaphore_mem>>
        %dma_wait3A_270 = tpu.memref_squeeze %dma_wait3A_269 : memref<1x1x!tpu.dma_semaphore, #tpu.memory_space<semaphore_mem>> -> memref<!tpu.dma_semaphore, #tpu.memory_space<semaphore_mem>>
        %dma_wait3A_271 = arith.constant 0 : i32
        %dma_wait3A_272 = arith.constant 0 : i32
        %dma_wait3A_273 = tpu.memref_slice %arg6[%get3A_266, %dma_wait3A_271, %dma_wait3A_272] : memref<32x100x1024xf32, #tpu.memory_space<any>> -> memref<1x100x1024xf32, #tpu.memory_space<any>>
        %dma_wait3A_274 = tpu.memref_squeeze %dma_wait3A_273 : memref<1x100x1024xf32, #tpu.memory_space<any>> -> memref<100x1024xf32, #tpu.memory_space<any>>
        %dma_wait3A_275 = arith.constant 0 : i32
        %dma_wait3A_276 = arith.constant 0 : i32
        %dma_wait3A_277 = tpu.memref_slice %arg8[%rem3A_264, %dma_wait3A_267, %dma_wait3A_275, %dma_wait3A_276] : memref<2x4x100x1024xf32, #tpu.memory_space<vmem>> -> memref<1x1x100x1024xf32, #tpu.memory_space<vmem>>
        %dma_wait3A_278 = tpu.memref_squeeze %dma_wait3A_277 : memref<1x1x100x1024xf32, #tpu.memory_space<vmem>> -> memref<100x1024xf32, #tpu.memory_space<vmem>>
        tpu.wait_dma2 semaphore(%dma_wait3A_270 : memref<!tpu.dma_semaphore, #tpu.memory_space<semaphore_mem>>) src(%dma_wait3A_278 : memref<100x1024xf32, #tpu.memory_space<vmem>>) dst(%dma_wait3A_274 : memref<100x1024xf32, #tpu.memory_space<any>>)
      } else {
      }
      %mul3A_240 = arith.constant 4 : i32
      %mul3A_241 = arith.muli %sub3A_222, %mul3A_240 : i32
      %add3A_242 = arith.addi %get3A_0, %mul3A_241 : i32
      %add3A_243 = arith.constant 2 : i32
      %add3A_244 = arith.addi %add3A_242, %add3A_243 : i32
      %lt3A_245 = arith.cmpi slt, %add3A_244, %get3A_3 : i32
      %convert_element_type3A_246 = arith.extui %lt3A_245 : i1 to i32
      %cond3A_247 = arith.constant 0 : i32
      %cond3A_248 = arith.cmpi ne, %convert_element_type3A_246, %cond3A_247 : i32
      scf.if %cond3A_248 {
        %mul3A_258 = arith.constant 4 : i32
        %mul3A_259 = arith.muli %sub3A_222, %mul3A_258 : i32
        %add3A_260 = arith.addi %get3A_0, %mul3A_259 : i32
        %add3A_261 = arith.constant 2 : i32
        %add3A_262 = arith.addi %add3A_260, %add3A_261 : i32
        %rem3A_263 = arith.constant 2 : i32
        %rem3A_264 = arith.remsi %sub3A_222, %rem3A_263 : i32
        %get3A_265 = arith.index_cast %add3A_262 : i32 to index
        %get3A_266 = memref.load %arg2[%get3A_265] : memref<32xi32, #tpu.memory_space<smem>>
        %dma_wait3A_267 = arith.constant 2 : i32
        %dma_wait3A_268 = arith.constant 2 : i32
        %dma_wait3A_269 = tpu.memref_slice %arg12[%rem3A_264, %dma_wait3A_268] : memref<2x4x!tpu.dma_semaphore, #tpu.memory_space<semaphore_mem>> -> memref<1x1x!tpu.dma_semaphore, #tpu.memory_space<semaphore_mem>>
        %dma_wait3A_270 = tpu.memref_squeeze %dma_wait3A_269 : memref<1x1x!tpu.dma_semaphore, #tpu.memory_space<semaphore_mem>> -> memref<!tpu.dma_semaphore, #tpu.memory_space<semaphore_mem>>
        %dma_wait3A_271 = arith.constant 0 : i32
        %dma_wait3A_272 = arith.constant 0 : i32
        %dma_wait3A_273 = tpu.memref_slice %arg6[%get3A_266, %dma_wait3A_271, %dma_wait3A_272] : memref<32x100x1024xf32, #tpu.memory_space<any>> -> memref<1x100x1024xf32, #tpu.memory_space<any>>
        %dma_wait3A_274 = tpu.memref_squeeze %dma_wait3A_273 : memref<1x100x1024xf32, #tpu.memory_space<any>> -> memref<100x1024xf32, #tpu.memory_space<any>>
        %dma_wait3A_275 = arith.constant 0 : i32
        %dma_wait3A_276 = arith.constant 0 : i32
        %dma_wait3A_277 = tpu.memref_slice %arg8[%rem3A_264, %dma_wait3A_267, %dma_wait3A_275, %dma_wait3A_276] : memref<2x4x100x1024xf32, #tpu.memory_space<vmem>> -> memref<1x1x100x1024xf32, #tpu.memory_space<vmem>>
        %dma_wait3A_278 = tpu.memref_squeeze %dma_wait3A_277 : memref<1x1x100x1024xf32, #tpu.memory_space<vmem>> -> memref<100x1024xf32, #tpu.memory_space<vmem>>
        tpu.wait_dma2 semaphore(%dma_wait3A_270 : memref<!tpu.dma_semaphore, #tpu.memory_space<semaphore_mem>>) src(%dma_wait3A_278 : memref<100x1024xf32, #tpu.memory_space<vmem>>) dst(%dma_wait3A_274 : memref<100x1024xf32, #tpu.memory_space<any>>)
      } else {
      }
      %mul3A_249 = arith.constant 4 : i32
      %mul3A_250 = arith.muli %sub3A_222, %mul3A_249 : i32
      %add3A_251 = arith.addi %get3A_0, %mul3A_250 : i32
      %add3A_252 = arith.constant 3 : i32
      %add3A_253 = arith.addi %add3A_251, %add3A_252 : i32
      %lt3A_254 = arith.cmpi slt, %add3A_253, %get3A_3 : i32
      %convert_element_type3A_255 = arith.extui %lt3A_254 : i1 to i32
      %cond3A_256 = arith.constant 0 : i32
      %cond3A_257 = arith.cmpi ne, %convert_element_type3A_255, %cond3A_256 : i32
      scf.if %cond3A_257 {
        %mul3A_258 = arith.constant 4 : i32
        %mul3A_259 = arith.muli %sub3A_222, %mul3A_258 : i32
        %add3A_260 = arith.addi %get3A_0, %mul3A_259 : i32
        %add3A_261 = arith.constant 3 : i32
        %add3A_262 = arith.addi %add3A_260, %add3A_261 : i32
        %rem3A_263 = arith.constant 2 : i32
        %rem3A_264 = arith.remsi %sub3A_222, %rem3A_263 : i32
        %get3A_265 = arith.index_cast %add3A_262 : i32 to index
        %get3A_266 = memref.load %arg2[%get3A_265] : memref<32xi32, #tpu.memory_space<smem>>
        %dma_wait3A_267 = arith.constant 3 : i32
        %dma_wait3A_268 = arith.constant 3 : i32
        %dma_wait3A_269 = tpu.memref_slice %arg12[%rem3A_264, %dma_wait3A_268] : memref<2x4x!tpu.dma_semaphore, #tpu.memory_space<semaphore_mem>> -> memref<1x1x!tpu.dma_semaphore, #tpu.memory_space<semaphore_mem>>
        %dma_wait3A_270 = tpu.memref_squeeze %dma_wait3A_269 : memref<1x1x!tpu.dma_semaphore, #tpu.memory_space<semaphore_mem>> -> memref<!tpu.dma_semaphore, #tpu.memory_space<semaphore_mem>>
        %dma_wait3A_271 = arith.constant 0 : i32
        %dma_wait3A_272 = arith.constant 0 : i32
        %dma_wait3A_273 = tpu.memref_slice %arg6[%get3A_266, %dma_wait3A_271, %dma_wait3A_272] : memref<32x100x1024xf32, #tpu.memory_space<any>> -> memref<1x100x1024xf32, #tpu.memory_space<any>>
        %dma_wait3A_274 = tpu.memref_squeeze %dma_wait3A_273 : memref<1x100x1024xf32, #tpu.memory_space<any>> -> memref<100x1024xf32, #tpu.memory_space<any>>
        %dma_wait3A_275 = arith.constant 0 : i32
        %dma_wait3A_276 = arith.constant 0 : i32
        %dma_wait3A_277 = tpu.memref_slice %arg8[%rem3A_264, %dma_wait3A_267, %dma_wait3A_275, %dma_wait3A_276] : memref<2x4x100x1024xf32, #tpu.memory_space<vmem>> -> memref<1x1x100x1024xf32, #tpu.memory_space<vmem>>
        %dma_wait3A_278 = tpu.memref_squeeze %dma_wait3A_277 : memref<1x1x100x1024xf32, #tpu.memory_space<vmem>> -> memref<100x1024xf32, #tpu.memory_space<vmem>>
        tpu.wait_dma2 semaphore(%dma_wait3A_270 : memref<!tpu.dma_semaphore, #tpu.memory_space<semaphore_mem>>) src(%dma_wait3A_278 : memref<100x1024xf32, #tpu.memory_space<vmem>>) dst(%dma_wait3A_274 : memref<100x1024xf32, #tpu.memory_space<any>>)
      } else {
      }
    } else {
    }
    return
  }
  func.func @transform_1(%arg0: i32, %arg1: memref<9xi32, #tpu.memory_space<smem>>, %arg2: memref<32xi32, #tpu.memory_space<smem>>) -> (i32, i32, i32) {
    %c0_i32 = arith.constant 0 : i32
    %c0_i32_0 = arith.constant 0 : i32
    %c0_i32_1 = arith.constant 0 : i32
    return %arg0, %c0_i32, %c0_i32_0 : i32, i32, i32
  }
}

</mosaic_0001>

<sc_bundles>
// kernel: kernel.4.cloned.1.call-start
scs
__scs_entry_jumppad:
0x0: {  	(pc) =	sbr.rel $0x88, $3  }
0x1: {  	(tag) =	ssettag $0x0;
	lr =	simm.s32 $0x1  }
0x2: {  	[smem:$0x3F9D] =	sst lr;
	_ =	strace $0xD0000000  }
0x3: {  	_ = 	snop  }
0x4: {  	_ = 	snop  }
0x5: {  	_ = 	snop  }
0x6: {  	_ = 	snop  }
0x7: {  	_ = 	snop  }
__scs_overlays_trampoline_lowered:
0x8: {  	[smem:$0x3FAC] =	sst s0  }
0x9: {  	[smem:$0x3FAD] =	sst s1  }
0xa: {  	[smem:$0x3FAE] =	sst s2  }
0xb: {  	[smem:$0x3FAF] =	sst s3  }
0xc: {  	[smem:$0x3FB0] =	sst s4  }
0xd: {  	[smem:$0x3FB1] =	sst s5  }
0xe: {  	[smem:$0x3FB2] =	sst s6  }
0xf: {  	[smem:$0x3FB3] =	sst s7  }
0x10: {  	[smem:$0x3FB4] =	sst s8  }
0x11: {  	[smem:$0x3FB5] =	sst s9;
	s0 =	simm.s32 @!p0 $0x0  }
0x12: {  	s1 =	sld [smem:$0x3F9B];
	s0 =	simm.s32 @p0 $0x1  }
0x13: {  	[smem:$0x3FB6] =	sst s0;
	s0 =	simm.s32 @!p1 $0x0  }
0x14: {  	s2 =	sld [smem:$0x3F9A];
	s0 =	simm.s32 @p1 $0x1  }
0x15: {  	[smem:$0x3FB7] =	sst s0;
	s0 =	simm.s32 @!p2 $0x0  }
0x16: {  	s3 =	sld [smem:$0x3FDB];
	s0 =	simm.s32 @p2 $0x1  }
0x17: {  	s4 =	simm.s32 $0x1BF5;
	[smem:$0x3FB9] =	sst s0  }
0x18: {  	s0 =	sld [smem:$0x3F9C];
	_ =	swait.ge [sflag:s4], $0x0  }
0x19: {  	s7 =	sld [smem:$0x3F9D]  }
0x1a: {  	s8 =	sadd.s32 $0xFFFFE003, lr  }
0x1b: {  	s9 =	sadd.s32 $0xFFFFFEF7, lr;
	s5 =	simm.s32 $0xFFFFFFFF;
	p2 =	slt.u32 s8, $0xFFFFF086  }
0x1c: {  	p1 =	slt.u32 s9, $0xF7A;
	s5 =	simm.s32 @!p2 $0x0  }
0x1d: {  	s5 =	simm.s32 @p1 $0x1;
	p0 =	seq.s32 s7, s2  }
0x1e: {  	s7 =	smul.u32 @!p0 $0xF7A, s2;
	p2 =	seq.s32 @!p0 s5, $0x0  }
0x1f: {  	s9 =	smul.u32 $0xF7A, s1;
	s8 =	simm.s32 @!p0 $0x1BF5;
	p2 =	por !p2, p0  }
0x20: {  	[sflag:s8] =	ssyncset.s32 @!p0 $0xFFFFF086;
	s6 =	sadd.s32 @!p0 s3, s7;
	s7 =	simm.s32 @!p0 $0x108  }
0x21: {  	s3 =	sadd.s32 s3, s9;
	s6 =	sadd.s32 @!p0 $0x88, s6;
	s7 =	simm.s32 @p2 $0x1082  }
0x22: {  	[simem:s7], [sflag:s8] =	dma.local @!p0 [hbm:s6], $0xF7A  }
0x23: {  	s9 =	sor.u32 $0xD0000000, s2;
	s6 =	simm.s32 $0x108;
	_ =	swait.ge @!p0 [sflag:s8], $0x0  }
0x24: {  	s3 =	sadd.s32 $0x88, s3;
	s6 =	simm.s32 @!p1 $0x1082;
	[sflag:s4] =	ssyncset.s32 $0xFFFFF086  }
0x25: {  	[simem:s6], [sflag:s4] =	dma.local [hbm:s3], $0xF7A  }
0x26: {  	[smem:$0x3F9D] =	sst s1;
	(tag) =	ssettag s2;
	_ =	strace s9  }
0x27: {  	s1 =	sld [smem:$0x3FAD]  }
0x28: {  	s2 =	sld [smem:$0x3FAE]  }
0x29: {  	s4 =	sld [smem:$0x3FB0]  }
0x2a: {  	p0 =	seq.s32 s5, $0x0;
	s5 =	sld [smem:$0x3FB1]  }
0x2b: {  	s6 =	sld [smem:$0x3FB2]  }
0x2c: {  	s7 =	sld [smem:$0x3FB3]  }
0x2d: {  	s3 =	simm.s32 $0x108;
	s8 =	sld [smem:$0x3FB4]  }
0x2e: {  	s3 =	simm.s32 @!p0 $0x1082;
	s9 =	sld [smem:$0x3FB5]  }
0x2f: {  	lr =	sadd.s32 s0, s3;
	s0 =	sld [smem:$0x3FAC]  }
0x30: {  	s3 =	sld [smem:$0x3FAF]  }
0x31: {  	[smem:$0x3FB8] =	sst s10  }
0x32: {  	s10 =	sld [smem:$0x3FB6];
	_ =	sdelay $0x3  }
0x33: {  	p0 =	seq.s32 s10, $0x1;
	s10 =	sld [smem:$0x3FB8];
	_ =	sdelay $0x3  }
0x34: {  	[smem:$0x3FB8] =	sst s10  }
0x35: {  	s10 =	sld [smem:$0x3FB7];
	_ =	sdelay $0x3  }
0x36: {  	p1 =	seq.s32 s10, $0x1;
	s10 =	sld [smem:$0x3FB8];
	_ =	sdelay $0x3  }
0x37: {  	[smem:$0x3FB8] =	sst s10  }
0x38: {  	s10 =	sld [smem:$0x3FB9]  }
0x39: {  	_ = 	snop;
	(pc) =	sbr.ind lr, $3  }
0x3a: {  	_ = 	snop  }
0x3b: {  	_ = 	snop  }
0x3c: {  	p2 =	seq.s32 s10, $0x1;
	s10 =	sld [smem:$0x3FB8]  }
0x3d: {  	_ =	shalt  }
0x3e: {  	_ =	shalt  }
0x3f: {  	_ =	shalt  }
0x40: {  	_ =	shalt  }
0x41: {  	_ =	shalt  }
0x42: {  	_ =	shalt  }
0x43: {  	_ =	shalt  }
0x44: {  	_ =	shalt  }
0x45: {  	_ =	shalt  }
0x46: {  	_ =	shalt  }
0x47: {  	_ =	shalt  }
0x48: {  	_ =	shalt  }
0x49: {  	_ =	shalt  }
0x4a: {  	_ =	shalt  }
0x4b: {  	_ =	shalt  }
0x4c: {  	_ =	shalt  }
0x4d: {  	_ =	shalt  }
0x4e: {  	_ =	shalt  }
0x4f: {  	_ =	shalt  }
0x50: {  	_ =	shalt  }
0x51: {  	_ =	shalt  }
0x52: {  	_ =	shalt  }
0x53: {  	_ =	shalt  }
0x54: {  	_ =	shalt  }
0x55: {  	_ =	shalt  }
0x56: {  	_ =	shalt  }
0x57: {  	_ =	shalt  }
0x58: {  	_ =	shalt  }
0x59: {  	_ =	shalt  }
0x5a: {  	_ =	shalt  }
0x5b: {  	_ =	shalt  }
0x5c: {  	_ =	shalt  }
0x5d: {  	_ =	shalt  }
0x5e: {  	_ =	shalt  }
0x5f: {  	_ =	shalt  }
0x60: {  	_ =	shalt  }
0x61: {  	_ =	shalt  }
0x62: {  	_ =	shalt  }
0x63: {  	_ =	shalt  }
0x64: {  	_ =	shalt  }
0x65: {  	_ =	shalt  }
0x66: {  	_ =	shalt  }
0x67: {  	_ =	shalt  }
0x68: {  	_ =	shalt  }
0x69: {  	_ =	shalt  }
0x6a: {  	_ =	shalt  }
0x6b: {  	_ =	shalt  }
0x6c: {  	_ =	shalt  }
0x6d: {  	_ =	shalt  }
0x6e: {  	_ =	shalt  }
0x6f: {  	_ =	shalt  }
0x70: {  	_ =	shalt  }
0x71: {  	_ =	shalt  }
0x72: {  	_ =	shalt  }
0x73: {  	_ =	shalt  }
0x74: {  	_ =	shalt  }
0x75: {  	_ =	shalt  }
0x76: {  	_ =	shalt  }
0x77: {  	_ =	shalt  }
0x78: {  	_ =	shalt  }
0x79: {  	_ =	shalt  }
0x7a: {  	_ =	shalt  }
0x7b: {  	_ =	shalt  }
0x7c: {  	_ =	shalt  }
0x7d: {  	_ =	shalt  }
0x7e: {  	_ =	shalt  }
0x7f: {  	_ =	shalt  }
0x80: {  	_ =	shalt  }
0x81: {  	_ =	shalt  }
0x82: {  	_ =	shalt  }
0x83: {  	_ =	shalt  }
0x84: {  	_ =	shalt  }
0x85: {  	_ =	shalt  }
0x86: {  	_ =	shalt  }
0x87: {  	_ =	shalt  }
.Lfunc_end0:
.L_simem_size_0:
called_computation_lowered:
.L_overlay_start_0:
0x88: {  	s2 =	sld [smem:$0x3FD9]  }
0x89: {  	s3 =	sld [smem:$0x3FFE];
	_ =	sdelay $0x1  }
0x8a: {  	s1 =	srdreg.scid  }
0x8b: {  	s0 =	sand.u32 $0x1, s1  }
0x8c: {  	s28 =	sshll.u32 s0, $0xA;
	s2 =	sadd.s32 s3, s2  }
0x8d: {  	s2 =	sadd.s32 s2, s28  }
0x8e: {  	[smem:$0x3FC4] =	sst s2  }
0x8f: {  	_ = 	snop  }
0x90: {  	s4 =	sld [smem:$0x3FC8]  }
0x91: {  	s2 =	sld [smem:$0x3FD0];
	(tm) =	ssettm $0x1  }
0x92: {  	s29 =	sld [smem:$0x3FFB];
	_ =	sdelay $0x3  }
0x93: {  	_ =	strace s29  }
0x94: {  	s3 =	sld [smem:$0x3FFC];
	_ =	sdelay $0x3  }
0x95: {  	_ =	strace s3  }
0x96: {  	s3 =	sld [smem:$0x3FFD];
	_ =	sdelay $0x3  }
0x97: {  	_ =	strace s3  }
0x98: {  	s30 =	simm.s32 $0x1B8B;
	_ =	strace $0x8FFFFFFF  }
0x99: {  	p0 =	seq.s32 s0, $0x1;
	_ =	swait.ge [sflag:s30], $0x1  }
.Ltmp0:
0x9a: {  	[sflag:s30] =	ssyncset.done $0x0;
	(pc) =	sbr.rel @p0 .LBB1_6-.Ltmp0, $3  }
0x9b: {  	s31 =	simm.s32 $0x1B8E;
	[sflag:s30] =	ssyncadd.s32 $0xFFFFFFFF  }
0x9c: {  	[smem:$0x3FD2] =	sst s31  }
0x9d: {  	s5 =	sld [smem:$0x3FFE];
	_ =	strace $0x80000046  }
0x9e: {  	s3 =	simm.s32 $0x9;
	s6 =	simm.s32 $0x10  }
0x9f: {  	[smem:s6], [sflag:s3] =	dma.local [hbm:s4], $0x10  }
0xa0: {  	_ =	swait.ge [sflag:s3], $0x10  }
0xa1: {  	[sflag:s3] =	ssyncset.done $0x0  }
0xa2: {  	s31 =	simm.s32 $0x0;
	[sflag:s3] =	ssyncadd.s32 $0xFFFFFFF0  }
0xa3: {  	[smem:$0x90] =	sst s31  }
0xa4: {  	[smem:$0x91] =	sst s31  }
0xa5: {  	[smem:$0x92] =	sst s31  }
0xa6: {  	[smem:$0x93] =	sst s31  }
0xa7: {  	[smem:$0x94] =	sst s31  }
0xa8: {  	[smem:$0x95] =	sst s31  }
0xa9: {  	s6 =	simm.s32 $0x0;
	[smem:$0x96] =	sst s31  }
0xaa: {  	s4 =	sadd.s32 $0xC00, s5;
	s5 =	simm.s32 $0x4;
	[smem:$0x97] =	sst s31  }
.LBB1_2:
0xab: {  	p0 =	sne.s32 s5, $0x7C;
	s7 =	sld [smem:s6+$0x10];
	_ =	sdelay $0x3  }
0xac: {  	s6 =	sld [smem:s7+$0x90];
	_ =	sdelay $0x1  }
.Ltmp1:
0xad: {  	(pc) =	sbr.rel @p0 .LBB1_2-.Ltmp1, $3  }
0xae: {  	_ = 	snop  }
0xaf: {  	s8 =	sadd.s32 $0x1, s6  }
0xb0: {  	s6 =	sshra.s32 s5, $0x2;
	s5 =	sadd.s32 $0x4, s5;
	[smem:s7+$0x90] =	sst s8  }
0xb1: {  	s5 =	sld [smem:s6+$0x10];
	_ =	sdelay $0x3  }
0xb2: {  	s6 =	sld [smem:s5+$0x90];
	_ =	sdelay $0x3  }
0xb3: {  	s6 =	sadd.s32 $0x1, s6  }
0xb4: {  	[smem:s5+$0x90] =	sst s6;
	s5 =	simm.s32 $0x0  }
0xb5: {  	[smem:$0x110] =	sst s5  }
0xb6: {  	s6 =	sld [smem:$0x90];
	_ =	sdelay $0x3  }
0xb7: {  	[smem:$0x111] =	sst s6  }
0xb8: {  	s7 =	sld [smem:$0x91];
	_ =	sdelay $0x3  }
0xb9: {  	s6 =	sadd.s32 s6, s7  }
0xba: {  	[smem:$0x112] =	sst s6  }
0xbb: {  	s24 =	sld [smem:$0x92];
	_ =	sdelay $0x3  }
0xbc: {  	s6 =	sadd.s32 s6, s24  }
0xbd: {  	[smem:$0x113] =	sst s6  }
0xbe: {  	s25 =	sld [smem:$0x93];
	_ =	sdelay $0x3  }
0xbf: {  	s6 =	sadd.s32 s6, s25  }
0xc0: {  	[smem:$0x114] =	sst s6  }
0xc1: {  	s26 =	sld [smem:$0x94];
	_ =	sdelay $0x3  }
0xc2: {  	s6 =	sadd.s32 s6, s26  }
0xc3: {  	[smem:$0x115] =	sst s6  }
0xc4: {  	s28 =	sld [smem:$0x95];
	_ =	sdelay $0x3  }
0xc5: {  	s6 =	sadd.s32 s6, s28  }
0xc6: {  	[smem:$0x116] =	sst s6  }
0xc7: {  	s29 =	sld [smem:$0x96];
	_ =	sdelay $0x3  }
0xc8: {  	s6 =	sadd.s32 s6, s29  }
0xc9: {  	[smem:$0x117] =	sst s6  }
0xca: {  	s30 =	sld [smem:$0x97];
	_ =	sdelay $0x3  }
0xcb: {  	s6 =	sadd.s32 s6, s30  }
0xcc: {  	[smem:$0x118] =	sst s6  }
0xcd: {  	[smem:$0x190] =	sst s5  }
0xce: {  	s31 =	sld [smem:$0x111];
	_ =	sdelay $0x3  }
0xcf: {  	[smem:$0x191] =	sst s31  }
0xd0: {  	s6 =	sld [smem:$0x112];
	_ =	sdelay $0x3  }
0xd1: {  	[smem:$0x192] =	sst s6  }
0xd2: {  	s6 =	sld [smem:$0x113];
	_ =	sdelay $0x3  }
0xd3: {  	[smem:$0x193] =	sst s6  }
0xd4: {  	s6 =	sld [smem:$0x114];
	_ =	sdelay $0x3  }
0xd5: {  	[smem:$0x194] =	sst s6  }
0xd6: {  	s6 =	sld [smem:$0x115];
	_ =	sdelay $0x3  }
0xd7: {  	[smem:$0x195] =	sst s6  }
0xd8: {  	s6 =	sld [smem:$0x116];
	_ =	sdelay $0x3  }
0xd9: {  	[smem:$0x196] =	sst s6  }
0xda: {  	s6 =	sld [smem:$0x117];
	_ =	sdelay $0x3  }
0xdb: {  	[smem:$0x197] =	sst s6  }
0xdc: {  	s8 =	simm.s32 $0x1;
	s7 =	simm.s32 $0x10;
	s6 =	sld [smem:$0x10]  }
.LBB1_4:
0xdd: {  	p0 =	sne.s32 s8, $0x1F;
	_ =	sdelay $0x2  }
0xde: {  	s9 =	sld [smem:s6+$0x190];
	_ =	sdelay $0x2  }
.Ltmp2:
0xdf: {  	(pc) =	sbr.rel @p0 .LBB1_4-.Ltmp2, $3  }
0xe0: {  	[smem:s9+$0x210] =	sst s5;
	s9 =	sadd.s32 $0x1, s9;
	s5 =	smov.u32 s8  }
0xe1: {  	s7 =	sadd.s32 $0x1, s7;
	[smem:s6+$0x190] =	sst s9  }
0xe2: {  	s8 =	sadd.s32 $0x1, s8;
	s6 =	sld [smem:s7+$0x0]  }
0xe3: {  	_ =	sdelay $0x2  }
0xe4: {  	s7 =	sld [smem:s6+$0x190];
	_ =	sdelay $0x3  }
0xe5: {  	[smem:s7+$0x210] =	sst s5;
	s28 =	sadd.s32 $0x1, s7  }
0xe6: {  	s29 =	simm.s32 $0x210;
	s30 =	simm.s32 $0x9;
	[smem:s6+$0x190] =	sst s28  }
0xe7: {  	[hbm:s2], [sflag:s3] =	dma.local [smem:s29], $0x10  }
0xe8: {  	_ =	swait.ge [sflag:s30], $0x10  }
0xe9: {  	[sflag:s30] =	ssyncset.done $0x0  }
0xea: {  	[sflag:s30] =	ssyncadd.s32 $0xFFFFFFF0  }
0xeb: {  	s31 =	simm.s32 $0x110  }
0xec: {  	[hbm:s4], [sflag:s3] =	dma.local [smem:s31], $0x10  }
0xed: {  	_ =	swait.ge [sflag:s30], $0x10  }
0xee: {  	[sflag:s30] =	ssyncset.done $0x0  }
0xef: {  	[sflag:s30] =	ssyncadd.s32 $0xFFFFFFF0  }
.LBB1_6:
0xf0: {  	_ =	strace $0x90000046  }
0xf1: {  	_ =	sfence  }
0xf2: {  	s2 =	sld [smem:$0x0];
	_ =	sdelay $0x2  }
0xf3: {  	s3 =	sshll.u32 s1, $0xD;
	s31 =	sshrl.u32 s1, $0x2  }
0xf4: {  	s3 =	sand.u32 $0x4000, s3;
	s1 =	sadd.s32 s31, s2  }
0xf5: {  	s0 =	sor.u32 s3, s0;
	s1 =	sshll.u32 s1, $0x11  }
0xf6: {  	s0 =	sor.u32 s1, s0  }
0xf7: {  	s0 =	sadd.s32 $0x8F2B, s0;
	(pc) =	sbr.abs _section_cstart, $3  }
0xf8: {  	[sflag:s0] =	ssyncadd.remote.s32 $0x1  }
0xf9: {  	_ =	strace $0x9FFFFFFF  }
0xfa: {  	(tm) =	ssettm $0x7FFFFFFF  }
0xfb: {  	_ =	shalt  }

</sc_bundles>
